<compile_context>
chip_gen: v7x
topology: tpu7x:2x2x1
jax: 0.10.2.dev20260603
libtpu: 0.0.44.dev20260713+nightly
codegen_flags: <defaults>
</compile_context>

<pallas_src>
import functools

import jax
import jax.numpy as jnp
from jax import lax
from jax.experimental import pallas as pl
from jax.experimental.pallas import tpu as pltpu
from jax.experimental.pallas import tpu_sc as plsc

N = 10000
M = 32
D = 128
DE = 16
F = 256
NM = N * M

NC = 2
NS = 16
NW = NC * NS
CHUNK = 128
HALVES = 5
NH = N // HALVES
NMH = NH * M
NCHUNKS_H = NMH // CHUNK

B = 200
BM = B * M
NBH = NH // B


@functools.lru_cache(maxsize=1)
def _make_sc_gather():
    mesh = plsc.VectorSubcoreMesh(core_axis_name="c", subcore_axis_name="s",
                                  num_cores=NC, num_subcores=NS)

    @functools.partial(
        pl.kernel,
        out_type=jax.ShapeDtypeStruct((NMH, D), jnp.float32),
        mesh=mesh,
        scratch_types=[
            pltpu.VMEM((CHUNK,), jnp.int32),
            pltpu.VMEM((CHUNK, D), jnp.float32),
            pltpu.SemaphoreType.DMA,
        ],
    )
    def sc_gather(table_hbm, idx_hbm, out_hbm, idx_v, rows_v, sem):
        wid = lax.axis_index("s") * NC + lax.axis_index("c")
        iters = (NCHUNKS_H + NW - 1) // NW

        def body(i, _):
            k = wid + i * NW

            @pl.when(k < NCHUNKS_H)
            def _do():
                pltpu.sync_copy(idx_hbm.at[k], idx_v)
                pltpu.async_copy(table_hbm.at[idx_v], rows_v, sem).wait()
                pltpu.sync_copy(rows_v, out_hbm.at[pl.ds(k * CHUNK, CHUNK)])

            return 0

        lax.fori_loop(0, iters, body, 0)

    return sc_gather


def _stats_body(atom_ref, g_ref, nbrT_ref, idxf_ref, ws_ref, wn_ref,
                we_ref, b_ref, base_ref, ssum_ref, ssq_ref):
    pid = pl.program_id(0)
    atom = atom_ref[...]
    base = jnp.dot(atom, ws_ref[...], preferred_element_type=jnp.float32)
    base = base + b_ref[...]
    base_ref[...] = base

    maskT = (idxf_ref[...] != 0).astype(jnp.bfloat16)
    nbrT = nbrT_ref[...].astype(jnp.bfloat16) * maskT
    gbf = g_ref[...].astype(jnp.bfloat16)
    x = jnp.dot(gbf, wn_ref[...], preferred_element_type=jnp.float32)
    x = x + lax.dot_general(nbrT, we_ref[...],
                            (((0,), (0,)), ((), ())),
                            preferred_element_type=jnp.float32)
    s1 = jnp.sum(x.reshape(B, M, F), axis=1)

    @pl.when(pid == 0)
    def _init():
        ssum_ref[...] = jnp.zeros_like(ssum_ref)
        ssq_ref[...] = jnp.zeros_like(ssq_ref)

    ssum_ref[...] += (M * jnp.sum(base, axis=0, keepdims=True)
                      + jnp.sum(s1, axis=0, keepdims=True))
    ssq_ref[...] += (M * jnp.sum(base * base, axis=0, keepdims=True)
                     + 2.0 * jnp.sum(base * s1, axis=0, keepdims=True)
                     + jnp.sum(x * x, axis=0, keepdims=True))


def _main_body(base_ref, g_ref, nbrT_ref, idxf_ref, idx_ref, wn_ref,
               we_ref, a_ref, bb_ref, s_ref, tsum_ref, tsq_ref):
    pid = pl.program_id(0)
    maskT = (idxf_ref[...] != 0).astype(jnp.bfloat16)
    nbrT = nbrT_ref[...].astype(jnp.bfloat16) * maskT
    gbf = g_ref[...].astype(jnp.bfloat16)
    x = jnp.dot(gbf, wn_ref[...], preferred_element_type=jnp.float32)
    x = x + lax.dot_general(nbrT, we_ref[...],
                            (((0,), (0,)), ((), ())),
                            preferred_element_type=jnp.float32)
    yb = base_ref[...] * a_ref[...] + bb_ref[...]
    rep = jnp.broadcast_to(yb[:, None, :], (B, M, F)).reshape(BM, F)
    y = rep + x

    p = jax.nn.sigmoid(y[:, :D]) * jax.nn.softplus(y[:, D:])
    psum = jnp.sum(p.reshape(B, M, D), axis=1)
    cnt0 = jnp.sum((idx_ref[...] == 0).astype(jnp.float32), axis=1,
                   keepdims=True)
    corr = jax.nn.sigmoid(yb[:, :D]) * jax.nn.softplus(yb[:, D:])
    s = psum - cnt0 * corr
    s_ref[...] = s

    @pl.when(pid == 0)
    def _init():
        tsum_ref[...] = jnp.zeros_like(tsum_ref)
        tsq_ref[...] = jnp.zeros_like(tsq_ref)

    tsum_ref[...] += jnp.sum(s, axis=0, keepdims=True)
    tsq_ref[...] += jnp.sum(s * s, axis=0, keepdims=True)


def _final_body(atom_ref, s_ref, a2_ref, bb2_ref, out_ref):
    y2 = s_ref[...] * a2_ref[...] + bb2_ref[...]
    out_ref[...] = jax.nn.softplus(atom_ref[...] + y2)


def _stats_call(h, atom, g_h, nbrT, idxf, Ws, Wnb, We, bvec):
    oa = h * NBH
    return pl.pallas_call(
        _stats_body,
        grid=(NBH,),
        in_specs=[
            pl.BlockSpec((B, D), lambda b: (b + oa, 0)),
            pl.BlockSpec((BM, D), lambda b: (b, 0)),
            pl.BlockSpec((DE, BM), lambda b: (0, b + oa)),
            pl.BlockSpec((1, BM), lambda b: (0, b + oa)),
            pl.BlockSpec((D, F), lambda b: (0, 0)),
            pl.BlockSpec((D, F), lambda b: (0, 0)),
            pl.BlockSpec((DE, F), lambda b: (0, 0)),
            pl.BlockSpec((1, F), lambda b: (0, 0)),
        ],
        out_specs=[
            pl.BlockSpec((B, F), lambda b: (b, 0)),
            pl.BlockSpec((1, F), lambda b: (0, 0)),
            pl.BlockSpec((1, F), lambda b: (0, 0)),
        ],
        out_shape=[
            jax.ShapeDtypeStruct((NH, F), jnp.float32),
            jax.ShapeDtypeStruct((1, F), jnp.float32),
            jax.ShapeDtypeStruct((1, F), jnp.float32),
        ],
    )(atom, g_h, nbrT, idxf, Ws, Wnb, We, bvec)


def _main_call(h, base_h, g_h, nbrT, idxf, idx, Wn_s, We_s, a1, bb1):
    oa = h * NBH
    return pl.pallas_call(
        _main_body,
        grid=(NBH,),
        in_specs=[
            pl.BlockSpec((B, F), lambda b: (b, 0)),
            pl.BlockSpec((BM, D), lambda b: (b, 0)),
            pl.BlockSpec((DE, BM), lambda b: (0, b + oa)),
            pl.BlockSpec((1, BM), lambda b: (0, b + oa)),
            pl.BlockSpec((B, M), lambda b: (b + oa, 0)),
            pl.BlockSpec((D, F), lambda b: (0, 0)),
            pl.BlockSpec((DE, F), lambda b: (0, 0)),
            pl.BlockSpec((1, F), lambda b: (0, 0)),
            pl.BlockSpec((1, F), lambda b: (0, 0)),
        ],
        out_specs=[
            pl.BlockSpec((B, D), lambda b: (b, 0)),
            pl.BlockSpec((1, D), lambda b: (0, 0)),
            pl.BlockSpec((1, D), lambda b: (0, 0)),
        ],
        out_shape=[
            jax.ShapeDtypeStruct((NH, D), jnp.float32),
            jax.ShapeDtypeStruct((1, D), jnp.float32),
            jax.ShapeDtypeStruct((1, D), jnp.float32),
        ],
    )(base_h, g_h, nbrT, idxf, idx, Wn_s, We_s, a1, bb1)


def kernel(atom_in_fea, nbr_fea, nbr_fea_idx, W_fc, b_fc, gamma1, beta1,
           gamma2, beta2):
    idx = nbr_fea_idx.astype(jnp.int32)
    iflat = jnp.where(idx == 0, N, idx).reshape(HALVES, NCHUNKS_H, CHUNK)
    table = jnp.concatenate(
        [atom_in_fea, jnp.zeros((1, D), jnp.float32)], axis=0)
    nbrT = jnp.transpose(nbr_fea, (2, 0, 1)).reshape(DE, NM)
    idxf = idx.reshape(1, NM)

    Ws = W_fc[:, :D].T
    Wn = W_fc[:, D:2 * D].T
    Wnb = Wn.astype(jnp.bfloat16)
    We = W_fc[:, 2 * D:].T.astype(jnp.bfloat16)
    bvec = b_fc.reshape(1, F)

    gather = _make_sc_gather()
    g = [gather(table, iflat[h]) for h in range(HALVES)]

    stats = [
        _stats_call(h, atom_in_fea, g[h], nbrT, idxf, Ws, Wnb, We, bvec)
        for h in range(HALVES)
    ]
    ssum = sum(st[1] for st in stats)
    ssq = sum(st[2] for st in stats)

    mu1 = ssum / NM
    var1 = ssq / NM - mu1 * mu1
    a1 = lax.rsqrt(var1 + 1e-5) * gamma1.reshape(1, F)
    bb1 = beta1.reshape(1, F) - mu1 * a1
    Wn_s = (Wn * a1).astype(jnp.bfloat16)
    We_s = (We.astype(jnp.float32) * a1).astype(jnp.bfloat16)

    mains = [
        _main_call(h, stats[h][0], g[h], nbrT, idxf, idx, Wn_s, We_s, a1, bb1)
        for h in range(HALVES)
    ]
    tsum = sum(mn[1] for mn in mains)
    tsq = sum(mn[2] for mn in mains)

    mu2 = tsum / N
    var2 = tsq / N - mu2 * mu2
    a2 = lax.rsqrt(var2 + 1e-5) * gamma2.reshape(1, D)
    bb2 = beta2.reshape(1, D) - mu2 * a2

    s_all = jnp.concatenate([mn[0] for mn in mains], axis=0)
    out = pl.pallas_call(
        _final_body,
        grid=(HALVES * NBH,),
        in_specs=[
            pl.BlockSpec((B, D), lambda b: (b, 0)),
            pl.BlockSpec((B, D), lambda b: (b, 0)),
            pl.BlockSpec((1, D), lambda b: (0, 0)),
            pl.BlockSpec((1, D), lambda b: (0, 0)),
        ],
        out_specs=pl.BlockSpec((B, D), lambda b: (b, 0)),
        out_shape=jax.ShapeDtypeStruct((N, D), jnp.float32),
    )(atom_in_fea, s_all, a2, bb2)
    return out

# --- scband reference (transcript-rebuilt; emitter-appended) ---
"""Pipeline reference for scband-masked-conv-layer-27341761806837 (READ-ONLY COPY).

The authoritative reference and input builder live on the scoring server;
editing this copy changes nothing except your own understanding.
"""

import jax, jax.numpy as jnp
import numpy as np

ATOM_LEN = 128
NBR_LEN = 16
N = 10000
M = 32


def setup_inputs(seed: int = 0) -> dict:
    key = jax.random.key(seed)
    ks = [jax.random.fold_in(key, i) for i in range(4)]
    atom_in_fea = jax.random.normal(ks[0], (N, ATOM_LEN), dtype=jnp.float32)
    nbr_fea = jax.random.normal(ks[1], (N, M, NBR_LEN), dtype=jnp.float32)
    nbr_fea_idx = jax.random.randint(ks[2], (N, M), 0, N, dtype=jnp.int64 if jax.config.jax_enable_x64 else jnp.int32)
    in_dim = 2 * ATOM_LEN + NBR_LEN
    out_dim = 2 * ATOM_LEN
    bound = 1.0 / np.sqrt(in_dim)
    W_fc = jax.random.uniform(ks[3], (out_dim, in_dim), minval=-bound, maxval=bound, dtype=jnp.float32)
    b_fc = jnp.zeros((out_dim,), dtype=jnp.float32)
    gamma1 = jnp.ones((out_dim,), dtype=jnp.float32)
    beta1 = jnp.zeros((out_dim,), dtype=jnp.float32)
    gamma2 = jnp.ones((ATOM_LEN,), dtype=jnp.float32)
    beta2 = jnp.zeros((ATOM_LEN,), dtype=jnp.float32)
    return {"atom_in_fea": atom_in_fea, "nbr_fea": nbr_fea, "nbr_fea_idx": nbr_fea_idx,
            "W_fc": W_fc, "b_fc": b_fc, "gamma1": gamma1, "beta1": beta1,
            "gamma2": gamma2, "beta2": beta2}


def _batch_norm(x, gamma, beta, eps=1e-5):
    mean = jnp.mean(x, axis=0)
    var = jnp.var(x, axis=0)  # biased variance, matches torch BN train-mode normalization
    return (x - mean) * jax.lax.rsqrt(var + eps) * gamma + beta


def reference(atom_in_fea, nbr_fea, nbr_fea_idx, W_fc, b_fc, gamma1, beta1, gamma2, beta2):
    n, m = nbr_fea_idx.shape
    mask = (nbr_fea_idx != 0)[..., None].astype(jnp.float32)  # (N, M, 1)
    atom_nbr_fea = jnp.take(atom_in_fea, nbr_fea_idx, axis=0) * mask  # gather (N, M, D)
    nbr_fea_m = nbr_fea * mask
    self_fea = jnp.broadcast_to(atom_in_fea[:, None, :], (n, m, ATOM_LEN))
    total_nbr_fea = jnp.concatenate([self_fea, atom_nbr_fea, nbr_fea_m], axis=2)
    total_gated = jnp.dot(total_nbr_fea, W_fc.T) + b_fc  # (N, M, 2D)
    flat = total_gated.reshape(-1, 2 * ATOM_LEN)
    flat = _batch_norm(flat, gamma1, beta1)
    total_gated = flat.reshape(n, m, 2 * ATOM_LEN)
    nbr_filter, nbr_core = jnp.split(total_gated, 2, axis=2)
    nbr_filter = jax.nn.sigmoid(nbr_filter) * mask
    nbr_core = jax.nn.softplus(nbr_core) * mask
    nbr_sumed = jnp.sum(nbr_filter * nbr_core, axis=1)  # (N, D)
    nbr_sumed = _batch_norm(nbr_sumed, gamma2, beta2)
    out = jax.nn.softplus(atom_in_fea + nbr_sumed)
    return out

if __name__ == "__main__":
    import jax
    _d = setup_inputs()
    print(jax.jit(kernel)(*tuple(_d.values())))

</pallas_src>

<mosaic_0001>
#map = affine_map<(d0, d1) -> (0, 0)>
module attributes {stable_mosaic.version = 14 : i64} {
  func.func @sc_gather(%arg0: i32, %arg1: i32, %arg2: memref<10001x128xf32, #tpu.memory_space<hbm>>, %arg3: memref<500x128xi32, #tpu.memory_space<hbm>>, %arg4: memref<64000x128xf32, #tpu.memory_space<hbm>>, %arg5: memref<128xi32, #tpu.memory_space<vmem>>, %arg6: memref<128x128xf32, #tpu.memory_space<vmem>>, %arg7: memref<!tpu.dma_semaphore, #tpu.memory_space<semaphore_mem>>) attributes {dimension_semantics = [#tpu.dimension_semantics<core_parallel>, #tpu.dimension_semantics<subcore_parallel>], iteration_bounds = array<i64: 2, 16>, scalar_prefetch = 0 : i64, scratch_operands = 3 : i64, tpu.core_type = #tpu.core_type<sc_vector_subcore>, window_params = [{transform_indices = #map}, {transform_indices = #map}, {transform_indices = #map}]} {
    %mul3A = arith.constant 2 : i32
    %mul3A_0 = arith.muli %arg1, %mul3A : i32
    %add3A = arith.addi %mul3A_0, %arg0 : i32
    %scan3A = arith.constant 0 : i32
    %scan3A_1 = arith.constant 0 : i32
    %scan3A_2 = arith.constant 16 : i32
    %scan3A_3 = arith.addi %scan3A_1, %scan3A_2 : i32
    %scan3A_4 = arith.constant 1 : i32
    %scan3A_5 = scf.for %scan3A_7 = %scan3A_1 to %scan3A_3 step %scan3A_4 iter_args(%scan3A_8 = %scan3A) -> (i32)  : i32 {
      %mul3A_9 = arith.constant 32 : i32
      %mul3A_10 = arith.muli %scan3A_7, %mul3A_9 : i32
      %add3A_11 = arith.addi %add3A, %mul3A_10 : i32
      %lt3A = arith.constant 500 : i32
      %lt3A_12 = arith.cmpi slt, %add3A_11, %lt3A : i32
      %convert_element_type3A = arith.extui %lt3A_12 : i1 to i32
      %cond3A = arith.constant 0 : i32
      %cond3A_13 = arith.cmpi ne, %convert_element_type3A, %cond3A : i32
      scf.if %cond3A_13 {
        "tpu.region"() ({
          %run_scoped3A = tpu.sem_alloc : memref<!tpu.dma_semaphore, #tpu.memory_space<semaphore_mem>>
          %dma_start3A_21 = arith.constant 0 : i32
          %dma_start3A_22 = tpu.memref_slice %arg3[%add3A_11, %dma_start3A_21] : memref<500x128xi32, #tpu.memory_space<hbm>> -> memref<1x128xi32, #tpu.memory_space<hbm>>
          %dma_start3A_23 = tpu.memref_squeeze %dma_start3A_22 : memref<1x128xi32, #tpu.memory_space<hbm>> -> memref<128xi32, #tpu.memory_space<hbm>>
          %dma_start3A_24 = arith.constant 0 : i32
          %dma_start3A_25 = tpu.memref_slice %arg3[%add3A_11, %dma_start3A_24] : memref<500x128xi32, #tpu.memory_space<hbm>> -> memref<1x128xi32, #tpu.memory_space<hbm>>
          %dma_start3A_26 = tpu.memref_squeeze %dma_start3A_25 : memref<1x128xi32, #tpu.memory_space<hbm>> -> memref<128xi32, #tpu.memory_space<hbm>>
          tpu.enqueue_dma source(%dma_start3A_26 : memref<128xi32, #tpu.memory_space<hbm>>) target(%arg5 : memref<128xi32, #tpu.memory_space<vmem>>) target_semaphore(%run_scoped3A : memref<!tpu.dma_semaphore, #tpu.memory_space<semaphore_mem>>)
          %dma_wait3A_27 = arith.constant 0 : i32
          %dma_wait3A_28 = tpu.memref_slice %arg3[%add3A_11, %dma_wait3A_27] : memref<500x128xi32, #tpu.memory_space<hbm>> -> memref<1x128xi32, #tpu.memory_space<hbm>>
          %dma_wait3A_29 = tpu.memref_squeeze %dma_wait3A_28 : memref<1x128xi32, #tpu.memory_space<hbm>> -> memref<128xi32, #tpu.memory_space<hbm>>
          %dma_wait3A_30 = arith.constant 0 : i32
          %dma_wait3A_31 = tpu.memref_slice %arg3[%add3A_11, %dma_wait3A_30] : memref<500x128xi32, #tpu.memory_space<hbm>> -> memref<1x128xi32, #tpu.memory_space<hbm>>
          %dma_wait3A_32 = tpu.memref_squeeze %dma_wait3A_31 : memref<1x128xi32, #tpu.memory_space<hbm>> -> memref<128xi32, #tpu.memory_space<hbm>>
          tpu.wait_dma2 semaphore(%run_scoped3A : memref<!tpu.dma_semaphore, #tpu.memory_space<semaphore_mem>>) src(%dma_wait3A_32 : memref<128xi32, #tpu.memory_space<hbm>>) dst(%arg5 : memref<128xi32, #tpu.memory_space<vmem>>)
          tpu.yield
        }) : () -> ()
        %dma_start3A = arith.constant 0 : i32
        %dma_start3A_15 = arith.constant 0 : i32
        %dma_start3A_16 = tpu.memref_slice %arg2[%dma_start3A, %dma_start3A_15] : memref<10001x128xf32, #tpu.memory_space<hbm>> -> memref<10001x128xf32, #tpu.memory_space<hbm>>
        tpu.enqueue_indirect_dma source(%dma_start3A_16 : memref<10001x128xf32, #tpu.memory_space<hbm>>) target(%arg6 : memref<128x128xf32, #tpu.memory_space<vmem>>) offsets(%arg5 : memref<128xi32, #tpu.memory_space<vmem>>) semaphore(%arg7 : memref<!tpu.dma_semaphore, #tpu.memory_space<semaphore_mem>>)
        %dma_wait3A = arith.constant 0 : i32
        %dma_wait3A_17 = arith.constant 0 : i32
        %dma_wait3A_18 = tpu.memref_slice %arg2[%dma_wait3A, %dma_wait3A_17] : memref<10001x128xf32, #tpu.memory_space<hbm>> -> memref<10001x128xf32, #tpu.memory_space<hbm>>
        tpu.wait_indirect_dma semaphore(%arg7 : memref<!tpu.dma_semaphore, #tpu.memory_space<semaphore_mem>>) src(%dma_wait3A_18 : memref<10001x128xf32, #tpu.memory_space<hbm>>) dst(%arg6 : memref<128x128xf32, #tpu.memory_space<vmem>>)
        %mul3A_19 = arith.constant 128 : i32
        %mul3A_20 = arith.muli %add3A_11, %mul3A_19 : i32
        "tpu.region"() ({
          %run_scoped3A = tpu.sem_alloc : memref<!tpu.dma_semaphore, #tpu.memory_space<semaphore_mem>>
          %dma_start3A_21 = arith.constant 0 : i32
          %dma_start3A_22 = tpu.memref_slice %arg4[%mul3A_20, %dma_start3A_21] : memref<64000x128xf32, #tpu.memory_space<hbm>> -> memref<128x128xf32, #tpu.memory_space<hbm>>
          %dma_start3A_23 = arith.constant 0 : i32
          %dma_start3A_24 = tpu.memref_slice %arg4[%mul3A_20, %dma_start3A_23] : memref<64000x128xf32, #tpu.memory_space<hbm>> -> memref<128x128xf32, #tpu.memory_space<hbm>>
          tpu.enqueue_dma source(%arg6 : memref<128x128xf32, #tpu.memory_space<vmem>>) target(%dma_start3A_24 : memref<128x128xf32, #tpu.memory_space<hbm>>) target_semaphore(%run_scoped3A : memref<!tpu.dma_semaphore, #tpu.memory_space<semaphore_mem>>)
          %dma_wait3A_25 = arith.constant 0 : i32
          %dma_wait3A_26 = tpu.memref_slice %arg4[%mul3A_20, %dma_wait3A_25] : memref<64000x128xf32, #tpu.memory_space<hbm>> -> memref<128x128xf32, #tpu.memory_space<hbm>>
          %dma_wait3A_27 = arith.constant 0 : i32
          %dma_wait3A_28 = tpu.memref_slice %arg4[%mul3A_20, %dma_wait3A_27] : memref<64000x128xf32, #tpu.memory_space<hbm>> -> memref<128x128xf32, #tpu.memory_space<hbm>>
          tpu.wait_dma2 semaphore(%run_scoped3A : memref<!tpu.dma_semaphore, #tpu.memory_space<semaphore_mem>>) src(%arg6 : memref<128x128xf32, #tpu.memory_space<vmem>>) dst(%dma_wait3A_28 : memref<128x128xf32, #tpu.memory_space<hbm>>)
          tpu.yield
        }) : () -> ()
      } else {
      }
      %scan3A_14 = arith.constant 0 : i32
      scf.yield %scan3A_14 : i32
    }
    %scan3A_6 = arith.constant 16 : i32
    return
  }
}

#map = affine_map<(d0, d1) -> (0, 0)>
module attributes {stable_mosaic.version = 14 : i64} {
  func.func @sc_gather(%arg0: i32, %arg1: i32, %arg2: memref<10001x128xf32, #tpu.memory_space<hbm>>, %arg3: memref<500x128xi32, #tpu.memory_space<hbm>>, %arg4: memref<64000x128xf32, #tpu.memory_space<hbm>>, %arg5: memref<128xi32, #tpu.memory_space<vmem>>, %arg6: memref<128x128xf32, #tpu.memory_space<vmem>>, %arg7: memref<!tpu.dma_semaphore, #tpu.memory_space<semaphore_mem>>) attributes {dimension_semantics = [#tpu.dimension_semantics<core_parallel>, #tpu.dimension_semantics<subcore_parallel>], iteration_bounds = array<i64: 2, 16>, scalar_prefetch = 0 : i64, scratch_operands = 3 : i64, tpu.core_type = #tpu.core_type<sc_vector_subcore>, window_params = [{transform_indices = #map}, {transform_indices = #map}, {transform_indices = #map}]} {
    %mul3A = arith.constant 2 : i32
    %mul3A_0 = arith.muli %arg1, %mul3A : i32
    %add3A = arith.addi %mul3A_0, %arg0 : i32
    %scan3A = arith.constant 0 : i32
    %scan3A_1 = arith.constant 0 : i32
    %scan3A_2 = arith.constant 16 : i32
    %scan3A_3 = arith.addi %scan3A_1, %scan3A_2 : i32
    %scan3A_4 = arith.constant 1 : i32
    %scan3A_5 = scf.for %scan3A_7 = %scan3A_1 to %scan3A_3 step %scan3A_4 iter_args(%scan3A_8 = %scan3A) -> (i32)  : i32 {
      %mul3A_9 = arith.constant 32 : i32
      %mul3A_10 = arith.muli %scan3A_7, %mul3A_9 : i32
      %add3A_11 = arith.addi %add3A, %mul3A_10 : i32
      %lt3A = arith.constant 500 : i32
      %lt3A_12 = arith.cmpi slt, %add3A_11, %lt3A : i32
      %convert_element_type3A = arith.extui %lt3A_12 : i1 to i32
      %cond3A = arith.constant 0 : i32
      %cond3A_13 = arith.cmpi ne, %convert_element_type3A, %cond3A : i32
      scf.if %cond3A_13 {
        "tpu.region"() ({
          %run_scoped3A = tpu.sem_alloc : memref<!tpu.dma_semaphore, #tpu.memory_space<semaphore_mem>>
          %dma_start3A_21 = arith.constant 0 : i32
          %dma_start3A_22 = tpu.memref_slice %arg3[%add3A_11, %dma_start3A_21] : memref<500x128xi32, #tpu.memory_space<hbm>> -> memref<1x128xi32, #tpu.memory_space<hbm>>
          %dma_start3A_23 = tpu.memref_squeeze %dma_start3A_22 : memref<1x128xi32, #tpu.memory_space<hbm>> -> memref<128xi32, #tpu.memory_space<hbm>>
          %dma_start3A_24 = arith.constant 0 : i32
          %dma_start3A_25 = tpu.memref_slice %arg3[%add3A_11, %dma_start3A_24] : memref<500x128xi32, #tpu.memory_space<hbm>> -> memref<1x128xi32, #tpu.memory_space<hbm>>
          %dma_start3A_26 = tpu.memref_squeeze %dma_start3A_25 : memref<1x128xi32, #tpu.memory_space<hbm>> -> memref<128xi32, #tpu.memory_space<hbm>>
          tpu.enqueue_dma source(%dma_start3A_26 : memref<128xi32, #tpu.memory_space<hbm>>) target(%arg5 : memref<128xi32, #tpu.memory_space<vmem>>) target_semaphore(%run_scoped3A : memref<!tpu.dma_semaphore, #tpu.memory_space<semaphore_mem>>)
          %dma_wait3A_27 = arith.constant 0 : i32
          %dma_wait3A_28 = tpu.memref_slice %arg3[%add3A_11, %dma_wait3A_27] : memref<500x128xi32, #tpu.memory_space<hbm>> -> memref<1x128xi32, #tpu.memory_space<hbm>>
          %dma_wait3A_29 = tpu.memref_squeeze %dma_wait3A_28 : memref<1x128xi32, #tpu.memory_space<hbm>> -> memref<128xi32, #tpu.memory_space<hbm>>
          %dma_wait3A_30 = arith.constant 0 : i32
          %dma_wait3A_31 = tpu.memref_slice %arg3[%add3A_11, %dma_wait3A_30] : memref<500x128xi32, #tpu.memory_space<hbm>> -> memref<1x128xi32, #tpu.memory_space<hbm>>
          %dma_wait3A_32 = tpu.memref_squeeze %dma_wait3A_31 : memref<1x128xi32, #tpu.memory_space<hbm>> -> memref<128xi32, #tpu.memory_space<hbm>>
          tpu.wait_dma2 semaphore(%run_scoped3A : memref<!tpu.dma_semaphore, #tpu.memory_space<semaphore_mem>>) src(%dma_wait3A_32 : memref<128xi32, #tpu.memory_space<hbm>>) dst(%arg5 : memref<128xi32, #tpu.memory_space<vmem>>)
          tpu.yield
        }) : () -> ()
        %dma_start3A = arith.constant 0 : i32
        %dma_start3A_15 = arith.constant 0 : i32
        %dma_start3A_16 = tpu.memref_slice %arg2[%dma_start3A, %dma_start3A_15] : memref<10001x128xf32, #tpu.memory_space<hbm>> -> memref<10001x128xf32, #tpu.memory_space<hbm>>
        tpu.enqueue_indirect_dma source(%dma_start3A_16 : memref<10001x128xf32, #tpu.memory_space<hbm>>) target(%arg6 : memref<128x128xf32, #tpu.memory_space<vmem>>) offsets(%arg5 : memref<128xi32, #tpu.memory_space<vmem>>) semaphore(%arg7 : memref<!tpu.dma_semaphore, #tpu.memory_space<semaphore_mem>>)
        %dma_wait3A = arith.constant 0 : i32
        %dma_wait3A_17 = arith.constant 0 : i32
        %dma_wait3A_18 = tpu.memref_slice %arg2[%dma_wait3A, %dma_wait3A_17] : memref<10001x128xf32, #tpu.memory_space<hbm>> -> memref<10001x128xf32, #tpu.memory_space<hbm>>
        tpu.wait_indirect_dma semaphore(%arg7 : memref<!tpu.dma_semaphore, #tpu.memory_space<semaphore_mem>>) src(%dma_wait3A_18 : memref<10001x128xf32, #tpu.memory_space<hbm>>) dst(%arg6 : memref<128x128xf32, #tpu.memory_space<vmem>>)
        %mul3A_19 = arith.constant 128 : i32
        %mul3A_20 = arith.muli %add3A_11, %mul3A_19 : i32
        "tpu.region"() ({
          %run_scoped3A = tpu.sem_alloc : memref<!tpu.dma_semaphore, #tpu.memory_space<semaphore_mem>>
          %dma_start3A_21 = arith.constant 0 : i32
          %dma_start3A_22 = tpu.memref_slice %arg4[%mul3A_20, %dma_start3A_21] : memref<64000x128xf32, #tpu.memory_space<hbm>> -> memref<128x128xf32, #tpu.memory_space<hbm>>
          %dma_start3A_23 = arith.constant 0 : i32
          %dma_start3A_24 = tpu.memref_slice %arg4[%mul3A_20, %dma_start3A_23] : memref<64000x128xf32, #tpu.memory_space<hbm>> -> memref<128x128xf32, #tpu.memory_space<hbm>>
          tpu.enqueue_dma source(%arg6 : memref<128x128xf32, #tpu.memory_space<vmem>>) target(%dma_start3A_24 : memref<128x128xf32, #tpu.memory_space<hbm>>) target_semaphore(%run_scoped3A : memref<!tpu.dma_semaphore, #tpu.memory_space<semaphore_mem>>)
          %dma_wait3A_25 = arith.constant 0 : i32
          %dma_wait3A_26 = tpu.memref_slice %arg4[%mul3A_20, %dma_wait3A_25] : memref<64000x128xf32, #tpu.memory_space<hbm>> -> memref<128x128xf32, #tpu.memory_space<hbm>>
          %dma_wait3A_27 = arith.constant 0 : i32
          %dma_wait3A_28 = tpu.memref_slice %arg4[%mul3A_20, %dma_wait3A_27] : memref<64000x128xf32, #tpu.memory_space<hbm>> -> memref<128x128xf32, #tpu.memory_space<hbm>>
          tpu.wait_dma2 semaphore(%run_scoped3A : memref<!tpu.dma_semaphore, #tpu.memory_space<semaphore_mem>>) src(%arg6 : memref<128x128xf32, #tpu.memory_space<vmem>>) dst(%dma_wait3A_28 : memref<128x128xf32, #tpu.memory_space<hbm>>)
          tpu.yield
        }) : () -> ()
      } else {
      }
      %scan3A_14 = arith.constant 0 : i32
      scf.yield %scan3A_14 : i32
    }
    %scan3A_6 = arith.constant 16 : i32
    return
  }
}

#map = affine_map<(d0, d1) -> (0, 0)>
module attributes {stable_mosaic.version = 14 : i64} {
  func.func @sc_gather(%arg0: i32, %arg1: i32, %arg2: memref<10001x128xf32, #tpu.memory_space<hbm>>, %arg3: memref<500x128xi32, #tpu.memory_space<hbm>>, %arg4: memref<64000x128xf32, #tpu.memory_space<hbm>>, %arg5: memref<128xi32, #tpu.memory_space<vmem>>, %arg6: memref<128x128xf32, #tpu.memory_space<vmem>>, %arg7: memref<!tpu.dma_semaphore, #tpu.memory_space<semaphore_mem>>) attributes {dimension_semantics = [#tpu.dimension_semantics<core_parallel>, #tpu.dimension_semantics<subcore_parallel>], iteration_bounds = array<i64: 2, 16>, scalar_prefetch = 0 : i64, scratch_operands = 3 : i64, tpu.core_type = #tpu.core_type<sc_vector_subcore>, window_params = [{transform_indices = #map}, {transform_indices = #map}, {transform_indices = #map}]} {
    %mul3A = arith.constant 2 : i32
    %mul3A_0 = arith.muli %arg1, %mul3A : i32
    %add3A = arith.addi %mul3A_0, %arg0 : i32
    %scan3A = arith.constant 0 : i32
    %scan3A_1 = arith.constant 0 : i32
    %scan3A_2 = arith.constant 16 : i32
    %scan3A_3 = arith.addi %scan3A_1, %scan3A_2 : i32
    %scan3A_4 = arith.constant 1 : i32
    %scan3A_5 = scf.for %scan3A_7 = %scan3A_1 to %scan3A_3 step %scan3A_4 iter_args(%scan3A_8 = %scan3A) -> (i32)  : i32 {
      %mul3A_9 = arith.constant 32 : i32
      %mul3A_10 = arith.muli %scan3A_7, %mul3A_9 : i32
      %add3A_11 = arith.addi %add3A, %mul3A_10 : i32
      %lt3A = arith.constant 500 : i32
      %lt3A_12 = arith.cmpi slt, %add3A_11, %lt3A : i32
      %convert_element_type3A = arith.extui %lt3A_12 : i1 to i32
      %cond3A = arith.constant 0 : i32
      %cond3A_13 = arith.cmpi ne, %convert_element_type3A, %cond3A : i32
      scf.if %cond3A_13 {
        "tpu.region"() ({
          %run_scoped3A = tpu.sem_alloc : memref<!tpu.dma_semaphore, #tpu.memory_space<semaphore_mem>>
          %dma_start3A_21 = arith.constant 0 : i32
          %dma_start3A_22 = tpu.memref_slice %arg3[%add3A_11, %dma_start3A_21] : memref<500x128xi32, #tpu.memory_space<hbm>> -> memref<1x128xi32, #tpu.memory_space<hbm>>
          %dma_start3A_23 = tpu.memref_squeeze %dma_start3A_22 : memref<1x128xi32, #tpu.memory_space<hbm>> -> memref<128xi32, #tpu.memory_space<hbm>>
          %dma_start3A_24 = arith.constant 0 : i32
          %dma_start3A_25 = tpu.memref_slice %arg3[%add3A_11, %dma_start3A_24] : memref<500x128xi32, #tpu.memory_space<hbm>> -> memref<1x128xi32, #tpu.memory_space<hbm>>
          %dma_start3A_26 = tpu.memref_squeeze %dma_start3A_25 : memref<1x128xi32, #tpu.memory_space<hbm>> -> memref<128xi32, #tpu.memory_space<hbm>>
          tpu.enqueue_dma source(%dma_start3A_26 : memref<128xi32, #tpu.memory_space<hbm>>) target(%arg5 : memref<128xi32, #tpu.memory_space<vmem>>) target_semaphore(%run_scoped3A : memref<!tpu.dma_semaphore, #tpu.memory_space<semaphore_mem>>)
          %dma_wait3A_27 = arith.constant 0 : i32
          %dma_wait3A_28 = tpu.memref_slice %arg3[%add3A_11, %dma_wait3A_27] : memref<500x128xi32, #tpu.memory_space<hbm>> -> memref<1x128xi32, #tpu.memory_space<hbm>>
          %dma_wait3A_29 = tpu.memref_squeeze %dma_wait3A_28 : memref<1x128xi32, #tpu.memory_space<hbm>> -> memref<128xi32, #tpu.memory_space<hbm>>
          %dma_wait3A_30 = arith.constant 0 : i32
          %dma_wait3A_31 = tpu.memref_slice %arg3[%add3A_11, %dma_wait3A_30] : memref<500x128xi32, #tpu.memory_space<hbm>> -> memref<1x128xi32, #tpu.memory_space<hbm>>
          %dma_wait3A_32 = tpu.memref_squeeze %dma_wait3A_31 : memref<1x128xi32, #tpu.memory_space<hbm>> -> memref<128xi32, #tpu.memory_space<hbm>>
          tpu.wait_dma2 semaphore(%run_scoped3A : memref<!tpu.dma_semaphore, #tpu.memory_space<semaphore_mem>>) src(%dma_wait3A_32 : memref<128xi32, #tpu.memory_space<hbm>>) dst(%arg5 : memref<128xi32, #tpu.memory_space<vmem>>)
          tpu.yield
        }) : () -> ()
        %dma_start3A = arith.constant 0 : i32
        %dma_start3A_15 = arith.constant 0 : i32
        %dma_start3A_16 = tpu.memref_slice %arg2[%dma_start3A, %dma_start3A_15] : memref<10001x128xf32, #tpu.memory_space<hbm>> -> memref<10001x128xf32, #tpu.memory_space<hbm>>
        tpu.enqueue_indirect_dma source(%dma_start3A_16 : memref<10001x128xf32, #tpu.memory_space<hbm>>) target(%arg6 : memref<128x128xf32, #tpu.memory_space<vmem>>) offsets(%arg5 : memref<128xi32, #tpu.memory_space<vmem>>) semaphore(%arg7 : memref<!tpu.dma_semaphore, #tpu.memory_space<semaphore_mem>>)
        %dma_wait3A = arith.constant 0 : i32
        %dma_wait3A_17 = arith.constant 0 : i32
        %dma_wait3A_18 = tpu.memref_slice %arg2[%dma_wait3A, %dma_wait3A_17] : memref<10001x128xf32, #tpu.memory_space<hbm>> -> memref<10001x128xf32, #tpu.memory_space<hbm>>
        tpu.wait_indirect_dma semaphore(%arg7 : memref<!tpu.dma_semaphore, #tpu.memory_space<semaphore_mem>>) src(%dma_wait3A_18 : memref<10001x128xf32, #tpu.memory_space<hbm>>) dst(%arg6 : memref<128x128xf32, #tpu.memory_space<vmem>>)
        %mul3A_19 = arith.constant 128 : i32
        %mul3A_20 = arith.muli %add3A_11, %mul3A_19 : i32
        "tpu.region"() ({
          %run_scoped3A = tpu.sem_alloc : memref<!tpu.dma_semaphore, #tpu.memory_space<semaphore_mem>>
          %dma_start3A_21 = arith.constant 0 : i32
          %dma_start3A_22 = tpu.memref_slice %arg4[%mul3A_20, %dma_start3A_21] : memref<64000x128xf32, #tpu.memory_space<hbm>> -> memref<128x128xf32, #tpu.memory_space<hbm>>
          %dma_start3A_23 = arith.constant 0 : i32
          %dma_start3A_24 = tpu.memref_slice %arg4[%mul3A_20, %dma_start3A_23] : memref<64000x128xf32, #tpu.memory_space<hbm>> -> memref<128x128xf32, #tpu.memory_space<hbm>>
          tpu.enqueue_dma source(%arg6 : memref<128x128xf32, #tpu.memory_space<vmem>>) target(%dma_start3A_24 : memref<128x128xf32, #tpu.memory_space<hbm>>) target_semaphore(%run_scoped3A : memref<!tpu.dma_semaphore, #tpu.memory_space<semaphore_mem>>)
          %dma_wait3A_25 = arith.constant 0 : i32
          %dma_wait3A_26 = tpu.memref_slice %arg4[%mul3A_20, %dma_wait3A_25] : memref<64000x128xf32, #tpu.memory_space<hbm>> -> memref<128x128xf32, #tpu.memory_space<hbm>>
          %dma_wait3A_27 = arith.constant 0 : i32
          %dma_wait3A_28 = tpu.memref_slice %arg4[%mul3A_20, %dma_wait3A_27] : memref<64000x128xf32, #tpu.memory_space<hbm>> -> memref<128x128xf32, #tpu.memory_space<hbm>>
          tpu.wait_dma2 semaphore(%run_scoped3A : memref<!tpu.dma_semaphore, #tpu.memory_space<semaphore_mem>>) src(%arg6 : memref<128x128xf32, #tpu.memory_space<vmem>>) dst(%dma_wait3A_28 : memref<128x128xf32, #tpu.memory_space<hbm>>)
          tpu.yield
        }) : () -> ()
      } else {
      }
      %scan3A_14 = arith.constant 0 : i32
      scf.yield %scan3A_14 : i32
    }
    %scan3A_6 = arith.constant 16 : i32
    return
  }
}

#map = affine_map<(d0, d1) -> (0, 0)>
module attributes {stable_mosaic.version = 14 : i64} {
  func.func @sc_gather(%arg0: i32, %arg1: i32, %arg2: memref<10001x128xf32, #tpu.memory_space<hbm>>, %arg3: memref<500x128xi32, #tpu.memory_space<hbm>>, %arg4: memref<64000x128xf32, #tpu.memory_space<hbm>>, %arg5: memref<128xi32, #tpu.memory_space<vmem>>, %arg6: memref<128x128xf32, #tpu.memory_space<vmem>>, %arg7: memref<!tpu.dma_semaphore, #tpu.memory_space<semaphore_mem>>) attributes {dimension_semantics = [#tpu.dimension_semantics<core_parallel>, #tpu.dimension_semantics<subcore_parallel>], iteration_bounds = array<i64: 2, 16>, scalar_prefetch = 0 : i64, scratch_operands = 3 : i64, tpu.core_type = #tpu.core_type<sc_vector_subcore>, window_params = [{transform_indices = #map}, {transform_indices = #map}, {transform_indices = #map}]} {
    %mul3A = arith.constant 2 : i32
    %mul3A_0 = arith.muli %arg1, %mul3A : i32
    %add3A = arith.addi %mul3A_0, %arg0 : i32
    %scan3A = arith.constant 0 : i32
    %scan3A_1 = arith.constant 0 : i32
    %scan3A_2 = arith.constant 16 : i32
    %scan3A_3 = arith.addi %scan3A_1, %scan3A_2 : i32
    %scan3A_4 = arith.constant 1 : i32
    %scan3A_5 = scf.for %scan3A_7 = %scan3A_1 to %scan3A_3 step %scan3A_4 iter_args(%scan3A_8 = %scan3A) -> (i32)  : i32 {
      %mul3A_9 = arith.constant 32 : i32
      %mul3A_10 = arith.muli %scan3A_7, %mul3A_9 : i32
      %add3A_11 = arith.addi %add3A, %mul3A_10 : i32
      %lt3A = arith.constant 500 : i32
      %lt3A_12 = arith.cmpi slt, %add3A_11, %lt3A : i32
      %convert_element_type3A = arith.extui %lt3A_12 : i1 to i32
      %cond3A = arith.constant 0 : i32
      %cond3A_13 = arith.cmpi ne, %convert_element_type3A, %cond3A : i32
      scf.if %cond3A_13 {
        "tpu.region"() ({
          %run_scoped3A = tpu.sem_alloc : memref<!tpu.dma_semaphore, #tpu.memory_space<semaphore_mem>>
          %dma_start3A_21 = arith.constant 0 : i32
          %dma_start3A_22 = tpu.memref_slice %arg3[%add3A_11, %dma_start3A_21] : memref<500x128xi32, #tpu.memory_space<hbm>> -> memref<1x128xi32, #tpu.memory_space<hbm>>
          %dma_start3A_23 = tpu.memref_squeeze %dma_start3A_22 : memref<1x128xi32, #tpu.memory_space<hbm>> -> memref<128xi32, #tpu.memory_space<hbm>>
          %dma_start3A_24 = arith.constant 0 : i32
          %dma_start3A_25 = tpu.memref_slice %arg3[%add3A_11, %dma_start3A_24] : memref<500x128xi32, #tpu.memory_space<hbm>> -> memref<1x128xi32, #tpu.memory_space<hbm>>
          %dma_start3A_26 = tpu.memref_squeeze %dma_start3A_25 : memref<1x128xi32, #tpu.memory_space<hbm>> -> memref<128xi32, #tpu.memory_space<hbm>>
          tpu.enqueue_dma source(%dma_start3A_26 : memref<128xi32, #tpu.memory_space<hbm>>) target(%arg5 : memref<128xi32, #tpu.memory_space<vmem>>) target_semaphore(%run_scoped3A : memref<!tpu.dma_semaphore, #tpu.memory_space<semaphore_mem>>)
          %dma_wait3A_27 = arith.constant 0 : i32
          %dma_wait3A_28 = tpu.memref_slice %arg3[%add3A_11, %dma_wait3A_27] : memref<500x128xi32, #tpu.memory_space<hbm>> -> memref<1x128xi32, #tpu.memory_space<hbm>>
          %dma_wait3A_29 = tpu.memref_squeeze %dma_wait3A_28 : memref<1x128xi32, #tpu.memory_space<hbm>> -> memref<128xi32, #tpu.memory_space<hbm>>
          %dma_wait3A_30 = arith.constant 0 : i32
          %dma_wait3A_31 = tpu.memref_slice %arg3[%add3A_11, %dma_wait3A_30] : memref<500x128xi32, #tpu.memory_space<hbm>> -> memref<1x128xi32, #tpu.memory_space<hbm>>
          %dma_wait3A_32 = tpu.memref_squeeze %dma_wait3A_31 : memref<1x128xi32, #tpu.memory_space<hbm>> -> memref<128xi32, #tpu.memory_space<hbm>>
          tpu.wait_dma2 semaphore(%run_scoped3A : memref<!tpu.dma_semaphore, #tpu.memory_space<semaphore_mem>>) src(%dma_wait3A_32 : memref<128xi32, #tpu.memory_space<hbm>>) dst(%arg5 : memref<128xi32, #tpu.memory_space<vmem>>)
          tpu.yield
        }) : () -> ()
        %dma_start3A = arith.constant 0 : i32
        %dma_start3A_15 = arith.constant 0 : i32
        %dma_start3A_16 = tpu.memref_slice %arg2[%dma_start3A, %dma_start3A_15] : memref<10001x128xf32, #tpu.memory_space<hbm>> -> memref<10001x128xf32, #tpu.memory_space<hbm>>
        tpu.enqueue_indirect_dma source(%dma_start3A_16 : memref<10001x128xf32, #tpu.memory_space<hbm>>) target(%arg6 : memref<128x128xf32, #tpu.memory_space<vmem>>) offsets(%arg5 : memref<128xi32, #tpu.memory_space<vmem>>) semaphore(%arg7 : memref<!tpu.dma_semaphore, #tpu.memory_space<semaphore_mem>>)
        %dma_wait3A = arith.constant 0 : i32
        %dma_wait3A_17 = arith.constant 0 : i32
        %dma_wait3A_18 = tpu.memref_slice %arg2[%dma_wait3A, %dma_wait3A_17] : memref<10001x128xf32, #tpu.memory_space<hbm>> -> memref<10001x128xf32, #tpu.memory_space<hbm>>
        tpu.wait_indirect_dma semaphore(%arg7 : memref<!tpu.dma_semaphore, #tpu.memory_space<semaphore_mem>>) src(%dma_wait3A_18 : memref<10001x128xf32, #tpu.memory_space<hbm>>) dst(%arg6 : memref<128x128xf32, #tpu.memory_space<vmem>>)
        %mul3A_19 = arith.constant 128 : i32
        %mul3A_20 = arith.muli %add3A_11, %mul3A_19 : i32
        "tpu.region"() ({
          %run_scoped3A = tpu.sem_alloc : memref<!tpu.dma_semaphore, #tpu.memory_space<semaphore_mem>>
          %dma_start3A_21 = arith.constant 0 : i32
          %dma_start3A_22 = tpu.memref_slice %arg4[%mul3A_20, %dma_start3A_21] : memref<64000x128xf32, #tpu.memory_space<hbm>> -> memref<128x128xf32, #tpu.memory_space<hbm>>
          %dma_start3A_23 = arith.constant 0 : i32
          %dma_start3A_24 = tpu.memref_slice %arg4[%mul3A_20, %dma_start3A_23] : memref<64000x128xf32, #tpu.memory_space<hbm>> -> memref<128x128xf32, #tpu.memory_space<hbm>>
          tpu.enqueue_dma source(%arg6 : memref<128x128xf32, #tpu.memory_space<vmem>>) target(%dma_start3A_24 : memref<128x128xf32, #tpu.memory_space<hbm>>) target_semaphore(%run_scoped3A : memref<!tpu.dma_semaphore, #tpu.memory_space<semaphore_mem>>)
          %dma_wait3A_25 = arith.constant 0 : i32
          %dma_wait3A_26 = tpu.memref_slice %arg4[%mul3A_20, %dma_wait3A_25] : memref<64000x128xf32, #tpu.memory_space<hbm>> -> memref<128x128xf32, #tpu.memory_space<hbm>>
          %dma_wait3A_27 = arith.constant 0 : i32
          %dma_wait3A_28 = tpu.memref_slice %arg4[%mul3A_20, %dma_wait3A_27] : memref<64000x128xf32, #tpu.memory_space<hbm>> -> memref<128x128xf32, #tpu.memory_space<hbm>>
          tpu.wait_dma2 semaphore(%run_scoped3A : memref<!tpu.dma_semaphore, #tpu.memory_space<semaphore_mem>>) src(%arg6 : memref<128x128xf32, #tpu.memory_space<vmem>>) dst(%dma_wait3A_28 : memref<128x128xf32, #tpu.memory_space<hbm>>)
          tpu.yield
        }) : () -> ()
      } else {
      }
      %scan3A_14 = arith.constant 0 : i32
      scf.yield %scan3A_14 : i32
    }
    %scan3A_6 = arith.constant 16 : i32
    return
  }
}

#map = affine_map<(d0, d1) -> (0, 0)>
module attributes {stable_mosaic.version = 14 : i64} {
  func.func @sc_gather(%arg0: i32, %arg1: i32, %arg2: memref<10001x128xf32, #tpu.memory_space<hbm>>, %arg3: memref<500x128xi32, #tpu.memory_space<hbm>>, %arg4: memref<64000x128xf32, #tpu.memory_space<hbm>>, %arg5: memref<128xi32, #tpu.memory_space<vmem>>, %arg6: memref<128x128xf32, #tpu.memory_space<vmem>>, %arg7: memref<!tpu.dma_semaphore, #tpu.memory_space<semaphore_mem>>) attributes {dimension_semantics = [#tpu.dimension_semantics<core_parallel>, #tpu.dimension_semantics<subcore_parallel>], iteration_bounds = array<i64: 2, 16>, scalar_prefetch = 0 : i64, scratch_operands = 3 : i64, tpu.core_type = #tpu.core_type<sc_vector_subcore>, window_params = [{transform_indices = #map}, {transform_indices = #map}, {transform_indices = #map}]} {
    %mul3A = arith.constant 2 : i32
    %mul3A_0 = arith.muli %arg1, %mul3A : i32
    %add3A = arith.addi %mul3A_0, %arg0 : i32
    %scan3A = arith.constant 0 : i32
    %scan3A_1 = arith.constant 0 : i32
    %scan3A_2 = arith.constant 16 : i32
    %scan3A_3 = arith.addi %scan3A_1, %scan3A_2 : i32
    %scan3A_4 = arith.constant 1 : i32
    %scan3A_5 = scf.for %scan3A_7 = %scan3A_1 to %scan3A_3 step %scan3A_4 iter_args(%scan3A_8 = %scan3A) -> (i32)  : i32 {
      %mul3A_9 = arith.constant 32 : i32
      %mul3A_10 = arith.muli %scan3A_7, %mul3A_9 : i32
      %add3A_11 = arith.addi %add3A, %mul3A_10 : i32
      %lt3A = arith.constant 500 : i32
      %lt3A_12 = arith.cmpi slt, %add3A_11, %lt3A : i32
      %convert_element_type3A = arith.extui %lt3A_12 : i1 to i32
      %cond3A = arith.constant 0 : i32
      %cond3A_13 = arith.cmpi ne, %convert_element_type3A, %cond3A : i32
      scf.if %cond3A_13 {
        "tpu.region"() ({
          %run_scoped3A = tpu.sem_alloc : memref<!tpu.dma_semaphore, #tpu.memory_space<semaphore_mem>>
          %dma_start3A_21 = arith.constant 0 : i32
          %dma_start3A_22 = tpu.memref_slice %arg3[%add3A_11, %dma_start3A_21] : memref<500x128xi32, #tpu.memory_space<hbm>> -> memref<1x128xi32, #tpu.memory_space<hbm>>
          %dma_start3A_23 = tpu.memref_squeeze %dma_start3A_22 : memref<1x128xi32, #tpu.memory_space<hbm>> -> memref<128xi32, #tpu.memory_space<hbm>>
          %dma_start3A_24 = arith.constant 0 : i32
          %dma_start3A_25 = tpu.memref_slice %arg3[%add3A_11, %dma_start3A_24] : memref<500x128xi32, #tpu.memory_space<hbm>> -> memref<1x128xi32, #tpu.memory_space<hbm>>
          %dma_start3A_26 = tpu.memref_squeeze %dma_start3A_25 : memref<1x128xi32, #tpu.memory_space<hbm>> -> memref<128xi32, #tpu.memory_space<hbm>>
          tpu.enqueue_dma source(%dma_start3A_26 : memref<128xi32, #tpu.memory_space<hbm>>) target(%arg5 : memref<128xi32, #tpu.memory_space<vmem>>) target_semaphore(%run_scoped3A : memref<!tpu.dma_semaphore, #tpu.memory_space<semaphore_mem>>)
          %dma_wait3A_27 = arith.constant 0 : i32
          %dma_wait3A_28 = tpu.memref_slice %arg3[%add3A_11, %dma_wait3A_27] : memref<500x128xi32, #tpu.memory_space<hbm>> -> memref<1x128xi32, #tpu.memory_space<hbm>>
          %dma_wait3A_29 = tpu.memref_squeeze %dma_wait3A_28 : memref<1x128xi32, #tpu.memory_space<hbm>> -> memref<128xi32, #tpu.memory_space<hbm>>
          %dma_wait3A_30 = arith.constant 0 : i32
          %dma_wait3A_31 = tpu.memref_slice %arg3[%add3A_11, %dma_wait3A_30] : memref<500x128xi32, #tpu.memory_space<hbm>> -> memref<1x128xi32, #tpu.memory_space<hbm>>
          %dma_wait3A_32 = tpu.memref_squeeze %dma_wait3A_31 : memref<1x128xi32, #tpu.memory_space<hbm>> -> memref<128xi32, #tpu.memory_space<hbm>>
          tpu.wait_dma2 semaphore(%run_scoped3A : memref<!tpu.dma_semaphore, #tpu.memory_space<semaphore_mem>>) src(%dma_wait3A_32 : memref<128xi32, #tpu.memory_space<hbm>>) dst(%arg5 : memref<128xi32, #tpu.memory_space<vmem>>)
          tpu.yield
        }) : () -> ()
        %dma_start3A = arith.constant 0 : i32
        %dma_start3A_15 = arith.constant 0 : i32
        %dma_start3A_16 = tpu.memref_slice %arg2[%dma_start3A, %dma_start3A_15] : memref<10001x128xf32, #tpu.memory_space<hbm>> -> memref<10001x128xf32, #tpu.memory_space<hbm>>
        tpu.enqueue_indirect_dma source(%dma_start3A_16 : memref<10001x128xf32, #tpu.memory_space<hbm>>) target(%arg6 : memref<128x128xf32, #tpu.memory_space<vmem>>) offsets(%arg5 : memref<128xi32, #tpu.memory_space<vmem>>) semaphore(%arg7 : memref<!tpu.dma_semaphore, #tpu.memory_space<semaphore_mem>>)
        %dma_wait3A = arith.constant 0 : i32
        %dma_wait3A_17 = arith.constant 0 : i32
        %dma_wait3A_18 = tpu.memref_slice %arg2[%dma_wait3A, %dma_wait3A_17] : memref<10001x128xf32, #tpu.memory_space<hbm>> -> memref<10001x128xf32, #tpu.memory_space<hbm>>
        tpu.wait_indirect_dma semaphore(%arg7 : memref<!tpu.dma_semaphore, #tpu.memory_space<semaphore_mem>>) src(%dma_wait3A_18 : memref<10001x128xf32, #tpu.memory_space<hbm>>) dst(%arg6 : memref<128x128xf32, #tpu.memory_space<vmem>>)
        %mul3A_19 = arith.constant 128 : i32
        %mul3A_20 = arith.muli %add3A_11, %mul3A_19 : i32
        "tpu.region"() ({
          %run_scoped3A = tpu.sem_alloc : memref<!tpu.dma_semaphore, #tpu.memory_space<semaphore_mem>>
          %dma_start3A_21 = arith.constant 0 : i32
          %dma_start3A_22 = tpu.memref_slice %arg4[%mul3A_20, %dma_start3A_21] : memref<64000x128xf32, #tpu.memory_space<hbm>> -> memref<128x128xf32, #tpu.memory_space<hbm>>
          %dma_start3A_23 = arith.constant 0 : i32
          %dma_start3A_24 = tpu.memref_slice %arg4[%mul3A_20, %dma_start3A_23] : memref<64000x128xf32, #tpu.memory_space<hbm>> -> memref<128x128xf32, #tpu.memory_space<hbm>>
          tpu.enqueue_dma source(%arg6 : memref<128x128xf32, #tpu.memory_space<vmem>>) target(%dma_start3A_24 : memref<128x128xf32, #tpu.memory_space<hbm>>) target_semaphore(%run_scoped3A : memref<!tpu.dma_semaphore, #tpu.memory_space<semaphore_mem>>)
          %dma_wait3A_25 = arith.constant 0 : i32
          %dma_wait3A_26 = tpu.memref_slice %arg4[%mul3A_20, %dma_wait3A_25] : memref<64000x128xf32, #tpu.memory_space<hbm>> -> memref<128x128xf32, #tpu.memory_space<hbm>>
          %dma_wait3A_27 = arith.constant 0 : i32
          %dma_wait3A_28 = tpu.memref_slice %arg4[%mul3A_20, %dma_wait3A_27] : memref<64000x128xf32, #tpu.memory_space<hbm>> -> memref<128x128xf32, #tpu.memory_space<hbm>>
          tpu.wait_dma2 semaphore(%run_scoped3A : memref<!tpu.dma_semaphore, #tpu.memory_space<semaphore_mem>>) src(%arg6 : memref<128x128xf32, #tpu.memory_space<vmem>>) dst(%dma_wait3A_28 : memref<128x128xf32, #tpu.memory_space<hbm>>)
          tpu.yield
        }) : () -> ()
      } else {
      }
      %scan3A_14 = arith.constant 0 : i32
      scf.yield %scan3A_14 : i32
    }
    %scan3A_6 = arith.constant 16 : i32
    return
  }
}

module attributes {stable_mosaic.version = 14 : i64} {
  func.func @_stats_body(%arg0: i32, %arg1: memref<200x128xf32, #tpu.memory_space<vmem>>, %arg2: memref<6400x128xf32, #tpu.memory_space<vmem>>, %arg3: memref<16x6400xf32, #tpu.memory_space<vmem>>, %arg4: memref<1x6400xi32, #tpu.memory_space<vmem>>, %arg5: memref<128x256xf32, #tpu.memory_space<vmem>>, %arg6: memref<128x256xbf16, #tpu.memory_space<vmem>>, %arg7: memref<16x256xbf16, #tpu.memory_space<vmem>>, %arg8: memref<1x256xf32, #tpu.memory_space<vmem>>, %arg9: memref<200x256xf32, #tpu.memory_space<vmem>>, %arg10: memref<1x256xf32, #tpu.memory_space<vmem>>, %arg11: memref<1x256xf32, #tpu.memory_space<vmem>>) attributes {dimension_semantics = [#tpu.dimension_semantics<arbitrary>], iteration_bounds = array<i64: 10>, scalar_prefetch = 0 : i64, scratch_operands = 0 : i64, tpu.core_type = #tpu.core_type<tc>, window_params = [{transform_indices = @transform_0, window_bounds = array<i64: 200, 128>}, {transform_indices = @transform_1, window_bounds = array<i64: 6400, 128>}, {transform_indices = @transform_2, window_bounds = array<i64: 16, 6400>}, {transform_indices = @transform_3, window_bounds = array<i64: 1, 6400>}, {pipeline_mode = #tpu.pipeline_mode<synchronous>, transform_indices = @transform_4, window_bounds = array<i64: 128, 256>}, {pipeline_mode = #tpu.pipeline_mode<synchronous>, transform_indices = @transform_5, window_bounds = array<i64: 128, 256>}, {pipeline_mode = #tpu.pipeline_mode<synchronous>, transform_indices = @transform_6, window_bounds = array<i64: 16, 256>}, {pipeline_mode = #tpu.pipeline_mode<synchronous>, transform_indices = @transform_7, window_bounds = array<i64: 1, 256>}, {transform_indices = @transform_8, window_bounds = array<i64: 200, 256>}, {pipeline_mode = #tpu.pipeline_mode<synchronous>, transform_indices = @transform_9, window_bounds = array<i64: 1, 256>}, {pipeline_mode = #tpu.pipeline_mode<synchronous>, transform_indices = @transform_10, window_bounds = array<i64: 1, 256>}]} {
    %get3A = arith.constant 0 : index
    %get3A_0 = arith.constant 0 : index
    %get3A_1 = vector.load %arg1[%get3A, %get3A_0] : memref<200x128xf32, #tpu.memory_space<vmem>>, vector<200x128xf32>
    %get3A_2 = arith.constant 0 : index
    %get3A_3 = arith.constant 0 : index
    %get3A_4 = vector.load %arg5[%get3A_2, %get3A_3] : memref<128x256xf32, #tpu.memory_space<vmem>>, vector<128x256xf32>
    %dot_general3A = arith.constant dense<0.000000e+00> : vector<200x256xf32>
    %dot_general3A_5 = tpu.matmul %get3A_1, %get3A_4, %dot_general3A {dimension_numbers = #tpu.dot_dimension_numbers<[1], [0], [0], [1], [0, 0, 1, 1], [], []>, transpose_lhs_hint = false} : vector<200x128xf32>, vector<128x256xf32>, vector<200x256xf32> -> vector<200x256xf32>
    %get3A_6 = arith.constant 0 : index
    %get3A_7 = arith.constant 0 : index
    %get3A_8 = vector.load %arg8[%get3A_6, %get3A_7] : memref<1x256xf32, #tpu.memory_space<vmem>>, vector<1x256xf32>
    %add3A = vector.broadcast %get3A_8 : vector<1x256xf32> to vector<200x256xf32>
    %add3A_9 = arith.addf %dot_general3A_5, %add3A : vector<200x256xf32>
    %swap3A = arith.constant 0 : index
    %swap3A_10 = arith.constant 0 : index
    %swap3A_11 = vector.load %arg9[%swap3A, %swap3A_10] : memref<200x256xf32, #tpu.memory_space<vmem>>, vector<200x256xf32>
    tpu.vector_store %arg9[%swap3A, %swap3A_10], %add3A_9 {strides = array<i32>} : memref<200x256xf32, #tpu.memory_space<vmem>>, vector<200x256xf32>,
    %get3A_12 = arith.constant 0 : index
    %get3A_13 = arith.constant 0 : index
    %get3A_14 = vector.load %arg4[%get3A_12, %get3A_13] : memref<1x6400xi32, #tpu.memory_space<vmem>>, vector<1x6400xi32>
    %ne3A = arith.constant 0 : i32
    %ne3A_15 = vector.broadcast %ne3A : i32 to vector<1x6400xi32>
    %ne3A_16 = arith.cmpi ne, %get3A_14, %ne3A_15 : vector<1x6400xi32>
    %convert_element_type3A = arith.extui %ne3A_16 : vector<1x6400xi1> to vector<1x6400xi32>
    %convert_element_type3A_17 = arith.sitofp %convert_element_type3A : vector<1x6400xi32> to vector<1x6400xf32>
    %convert_element_type3A_18 = arith.truncf %convert_element_type3A_17 : vector<1x6400xf32> to vector<1x6400xbf16>
    %get3A_19 = arith.constant 0 : index
    %get3A_20 = arith.constant 0 : index
    %get3A_21 = vector.load %arg3[%get3A_19, %get3A_20] : memref<16x6400xf32, #tpu.memory_space<vmem>>, vector<16x6400xf32>
    %convert_element_type3A_22 = arith.truncf %get3A_21 : vector<16x6400xf32> to vector<16x6400xbf16>
    %mul3A = vector.broadcast %convert_element_type3A_18 : vector<1x6400xbf16> to vector<16x6400xbf16>
    %mul3A_23 = arith.mulf %convert_element_type3A_22, %mul3A : vector<16x6400xbf16>
    %get3A_24 = arith.constant 0 : index
    %get3A_25 = arith.constant 0 : index
    %get3A_26 = vector.load %arg2[%get3A_24, %get3A_25] : memref<6400x128xf32, #tpu.memory_space<vmem>>, vector<6400x128xf32>
    %convert_element_type3A_27 = arith.truncf %get3A_26 : vector<6400x128xf32> to vector<6400x128xbf16>
    %get3A_28 = arith.constant 0 : index
    %get3A_29 = arith.constant 0 : index
    %get3A_30 = vector.load %arg6[%get3A_28, %get3A_29] : memref<128x256xbf16, #tpu.memory_space<vmem>>, vector<128x256xbf16>
    %dot_general3A_31 = arith.constant dense<0.000000e+00> : vector<6400x256xf32>
    %dot_general3A_32 = tpu.matmul %convert_element_type3A_27, %get3A_30, %dot_general3A_31 {dimension_numbers = #tpu.dot_dimension_numbers<[1], [0], [0], [1], [0, 0, 1, 1], [], []>, transpose_lhs_hint = false} : vector<6400x128xbf16>, vector<128x256xbf16>, vector<6400x256xf32> -> vector<6400x256xf32>
    %get3A_33 = arith.constant 0 : index
    %get3A_34 = arith.constant 0 : index
    %get3A_35 = vector.load %arg7[%get3A_33, %get3A_34] : memref<16x256xbf16, #tpu.memory_space<vmem>>, vector<16x256xbf16>
    %dot_general3A_36 = arith.constant dense<0.000000e+00> : vector<6400x256xf32>
    %dot_general3A_37 = tpu.matmul %mul3A_23, %get3A_35, %dot_general3A_36 {dimension_numbers = #tpu.dot_dimension_numbers<[0], [0], [1], [1], [0, 1, 1, 1], [], []>, transpose_lhs_hint = false} : vector<16x6400xbf16>, vector<16x256xbf16>, vector<6400x256xf32> -> vector<6400x256xf32>
    %add3A_38 = arith.addf %dot_general3A_32, %dot_general3A_37 : vector<6400x256xf32>
    %reshape3A = vector.shape_cast %add3A_38 : vector<6400x256xf32> to vector<200x32x256xf32>
    %reduce_sum3A = arith.constant dense<0.000000e+00> : vector<200x256xf32>
    %reduce_sum3A_39 = vector.multi_reduction <add>, %reshape3A, %reduce_sum3A [1] : vector<200x32x256xf32> to vector<200x256xf32>
    %eq3A = arith.constant 0 : i32
    %eq3A_40 = arith.cmpi eq, %arg0, %eq3A : i32
    %convert_element_type3A_41 = arith.extui %eq3A_40 : i1 to i32
    %cond3A = arith.constant 0 : i32
    %cond3A_42 = arith.cmpi ne, %convert_element_type3A_41, %cond3A : i32
    scf.if %cond3A_42 {
      %broadcast_in_dim3A_86 = arith.constant 0.000000e+00 : f32
      %broadcast_in_dim3A_87 = vector.broadcast %broadcast_in_dim3A_86 : f32 to vector<1x256xf32>
      %swap3A_88 = arith.constant 0 : index
      %swap3A_89 = arith.constant 0 : index
      %swap3A_90 = vector.load %arg10[%swap3A_88, %swap3A_89] : memref<1x256xf32, #tpu.memory_space<vmem>>, vector<1x256xf32>
      tpu.vector_store %arg10[%swap3A_88, %swap3A_89], %broadcast_in_dim3A_87 {strides = array<i32>} : memref<1x256xf32, #tpu.memory_space<vmem>>, vector<1x256xf32>,
      %broadcast_in_dim3A_91 = arith.constant 0.000000e+00 : f32
      %broadcast_in_dim3A_92 = vector.broadcast %broadcast_in_dim3A_91 : f32 to vector<1x256xf32>
      %swap3A_93 = arith.constant 0 : index
      %swap3A_94 = arith.constant 0 : index
      %swap3A_95 = vector.load %arg11[%swap3A_93, %swap3A_94] : memref<1x256xf32, #tpu.memory_space<vmem>>, vector<1x256xf32>
      tpu.vector_store %arg11[%swap3A_93, %swap3A_94], %broadcast_in_dim3A_92 {strides = array<i32>} : memref<1x256xf32, #tpu.memory_space<vmem>>, vector<1x256xf32>,
    } else {
    }
    %get3A_43 = arith.constant 0 : index
    %get3A_44 = arith.constant 0 : index
    %get3A_45 = vector.load %arg10[%get3A_43, %get3A_44] : memref<1x256xf32, #tpu.memory_space<vmem>>, vector<1x256xf32>
    %reduce_sum3A_46 = arith.constant dense<0.000000e+00> : vector<256xf32>
    %reduce_sum3A_47 = vector.multi_reduction <add>, %add3A_9, %reduce_sum3A_46 [0] : vector<200x256xf32> to vector<256xf32>
    %broadcast_in_dim3A = vector.shape_cast %reduce_sum3A_47 : vector<256xf32> to vector<1x256xf32>
    %mul3A_48 = arith.constant 3.200000e+01 : f32
    %mul3A_49 = vector.broadcast %mul3A_48 : f32 to vector<1x256xf32>
    %mul3A_50 = arith.mulf %mul3A_49, %broadcast_in_dim3A : vector<1x256xf32>
    %reduce_sum3A_51 = arith.constant dense<0.000000e+00> : vector<256xf32>
    %reduce_sum3A_52 = vector.multi_reduction <add>, %reduce_sum3A_39, %reduce_sum3A_51 [0] : vector<200x256xf32> to vector<256xf32>
    %broadcast_in_dim3A_53 = vector.shape_cast %reduce_sum3A_52 : vector<256xf32> to vector<1x256xf32>
    %add3A_54 = arith.addf %mul3A_50, %broadcast_in_dim3A_53 : vector<1x256xf32>
    %add3A_55 = arith.addf %get3A_45, %add3A_54 : vector<1x256xf32>
    %swap3A_56 = arith.constant 0 : index
    %swap3A_57 = arith.constant 0 : index
    %swap3A_58 = vector.load %arg10[%swap3A_56, %swap3A_57] : memref<1x256xf32, #tpu.memory_space<vmem>>, vector<1x256xf32>
    tpu.vector_store %arg10[%swap3A_56, %swap3A_57], %add3A_55 {strides = array<i32>} : memref<1x256xf32, #tpu.memory_space<vmem>>, vector<1x256xf32>,
    %get3A_59 = arith.constant 0 : index
    %get3A_60 = arith.constant 0 : index
    %get3A_61 = vector.load %arg11[%get3A_59, %get3A_60] : memref<1x256xf32, #tpu.memory_space<vmem>>, vector<1x256xf32>
    %mul3A_62 = arith.mulf %add3A_9, %add3A_9 : vector<200x256xf32>
    %reduce_sum3A_63 = arith.constant dense<0.000000e+00> : vector<256xf32>
    %reduce_sum3A_64 = vector.multi_reduction <add>, %mul3A_62, %reduce_sum3A_63 [0] : vector<200x256xf32> to vector<256xf32>
    %broadcast_in_dim3A_65 = vector.shape_cast %reduce_sum3A_64 : vector<256xf32> to vector<1x256xf32>
    %mul3A_66 = arith.constant 3.200000e+01 : f32
    %mul3A_67 = vector.broadcast %mul3A_66 : f32 to vector<1x256xf32>
    %mul3A_68 = arith.mulf %mul3A_67, %broadcast_in_dim3A_65 : vector<1x256xf32>
    %mul3A_69 = arith.mulf %add3A_9, %reduce_sum3A_39 : vector<200x256xf32>
    %reduce_sum3A_70 = arith.constant dense<0.000000e+00> : vector<256xf32>
    %reduce_sum3A_71 = vector.multi_reduction <add>, %mul3A_69, %reduce_sum3A_70 [0] : vector<200x256xf32> to vector<256xf32>
    %broadcast_in_dim3A_72 = vector.shape_cast %reduce_sum3A_71 : vector<256xf32> to vector<1x256xf32>
    %mul3A_73 = arith.constant 2.000000e+00 : f32
    %mul3A_74 = vector.broadcast %mul3A_73 : f32 to vector<1x256xf32>
    %mul3A_75 = arith.mulf %mul3A_74, %broadcast_in_dim3A_72 : vector<1x256xf32>
    %add3A_76 = arith.addf %mul3A_68, %mul3A_75 : vector<1x256xf32>
    %mul3A_77 = arith.mulf %add3A_38, %add3A_38 : vector<6400x256xf32>
    %reduce_sum3A_78 = arith.constant dense<0.000000e+00> : vector<256xf32>
    %reduce_sum3A_79 = vector.multi_reduction <add>, %mul3A_77, %reduce_sum3A_78 [0] : vector<6400x256xf32> to vector<256xf32>
    %broadcast_in_dim3A_80 = vector.shape_cast %reduce_sum3A_79 : vector<256xf32> to vector<1x256xf32>
    %add3A_81 = arith.addf %add3A_76, %broadcast_in_dim3A_80 : vector<1x256xf32>
    %add3A_82 = arith.addf %get3A_61, %add3A_81 : vector<1x256xf32>
    %swap3A_83 = arith.constant 0 : index
    %swap3A_84 = arith.constant 0 : index
    %swap3A_85 = vector.load %arg11[%swap3A_83, %swap3A_84] : memref<1x256xf32, #tpu.memory_space<vmem>>, vector<1x256xf32>
    tpu.vector_store %arg11[%swap3A_83, %swap3A_84], %add3A_82 {strides = array<i32>} : memref<1x256xf32, #tpu.memory_space<vmem>>, vector<1x256xf32>,
    return
  }
  func.func @transform_0(%arg0: i32) -> (i32, i32) {
    %add3A = arith.constant 10 : i32
    %add3A_0 = arith.addi %arg0, %add3A : i32
    %c0_i32 = arith.constant 0 : i32
    %c0_i32_1 = arith.constant 0 : i32
    return %add3A_0, %c0_i32 : i32, i32
  }
  func.func @transform_1(%arg0: i32) -> (i32, i32) {
    %c0_i32 = arith.constant 0 : i32
    %c0_i32_0 = arith.constant 0 : i32
    return %arg0, %c0_i32 : i32, i32
  }
  func.func @transform_2(%arg0: i32) -> (i32, i32) {
    %add3A = arith.constant 10 : i32
    %add3A_0 = arith.addi %arg0, %add3A : i32
    %c0_i32 = arith.constant 0 : i32
    %c0_i32_1 = arith.constant 0 : i32
    return %c0_i32, %add3A_0 : i32, i32
  }
  func.func @transform_3(%arg0: i32) -> (i32, i32) {
    %add3A = arith.constant 10 : i32
    %add3A_0 = arith.addi %arg0, %add3A : i32
    %c0_i32 = arith.constant 0 : i32
    %c0_i32_1 = arith.constant 0 : i32
    return %c0_i32, %add3A_0 : i32, i32
  }
  func.func @transform_4(%arg0: i32) -> (i32, i32) {
    %c0_i32 = arith.constant 0 : i32
    %c0_i32_0 = arith.constant 0 : i32
    %c0_i32_1 = arith.constant 0 : i32
    return %c0_i32, %c0_i32_0 : i32, i32
  }
  func.func @transform_5(%arg0: i32) -> (i32, i32) {
    %c0_i32 = arith.constant 0 : i32
    %c0_i32_0 = arith.constant 0 : i32
    %c0_i32_1 = arith.constant 0 : i32
    return %c0_i32, %c0_i32_0 : i32, i32
  }
  func.func @transform_6(%arg0: i32) -> (i32, i32) {
    %c0_i32 = arith.constant 0 : i32
    %c0_i32_0 = arith.constant 0 : i32
    %c0_i32_1 = arith.constant 0 : i32
    return %c0_i32, %c0_i32_0 : i32, i32
  }
  func.func @transform_7(%arg0: i32) -> (i32, i32) {
    %c0_i32 = arith.constant 0 : i32
    %c0_i32_0 = arith.constant 0 : i32
    %c0_i32_1 = arith.constant 0 : i32
    return %c0_i32, %c0_i32_0 : i32, i32
  }
  func.func @transform_8(%arg0: i32) -> (i32, i32) {
    %c0_i32 = arith.constant 0 : i32
    %c0_i32_0 = arith.constant 0 : i32
    return %arg0, %c0_i32 : i32, i32
  }
  func.func @transform_9(%arg0: i32) -> (i32, i32) {
    %c0_i32 = arith.constant 0 : i32
    %c0_i32_0 = arith.constant 0 : i32
    %c0_i32_1 = arith.constant 0 : i32
    return %c0_i32, %c0_i32_0 : i32, i32
  }
  func.func @transform_10(%arg0: i32) -> (i32, i32) {
    %c0_i32 = arith.constant 0 : i32
    %c0_i32_0 = arith.constant 0 : i32
    %c0_i32_1 = arith.constant 0 : i32
    return %c0_i32, %c0_i32_0 : i32, i32
  }
}

module attributes {stable_mosaic.version = 14 : i64} {
  func.func @_stats_body(%arg0: i32, %arg1: memref<200x128xf32, #tpu.memory_space<vmem>>, %arg2: memref<6400x128xf32, #tpu.memory_space<vmem>>, %arg3: memref<16x6400xf32, #tpu.memory_space<vmem>>, %arg4: memref<1x6400xi32, #tpu.memory_space<vmem>>, %arg5: memref<128x256xf32, #tpu.memory_space<vmem>>, %arg6: memref<128x256xbf16, #tpu.memory_space<vmem>>, %arg7: memref<16x256xbf16, #tpu.memory_space<vmem>>, %arg8: memref<1x256xf32, #tpu.memory_space<vmem>>, %arg9: memref<200x256xf32, #tpu.memory_space<vmem>>, %arg10: memref<1x256xf32, #tpu.memory_space<vmem>>, %arg11: memref<1x256xf32, #tpu.memory_space<vmem>>) attributes {dimension_semantics = [#tpu.dimension_semantics<arbitrary>], iteration_bounds = array<i64: 10>, scalar_prefetch = 0 : i64, scratch_operands = 0 : i64, tpu.core_type = #tpu.core_type<tc>, window_params = [{transform_indices = @transform_0, window_bounds = array<i64: 200, 128>}, {transform_indices = @transform_1, window_bounds = array<i64: 6400, 128>}, {transform_indices = @transform_2, window_bounds = array<i64: 16, 6400>}, {transform_indices = @transform_3, window_bounds = array<i64: 1, 6400>}, {pipeline_mode = #tpu.pipeline_mode<synchronous>, transform_indices = @transform_4, window_bounds = array<i64: 128, 256>}, {pipeline_mode = #tpu.pipeline_mode<synchronous>, transform_indices = @transform_5, window_bounds = array<i64: 128, 256>}, {pipeline_mode = #tpu.pipeline_mode<synchronous>, transform_indices = @transform_6, window_bounds = array<i64: 16, 256>}, {pipeline_mode = #tpu.pipeline_mode<synchronous>, transform_indices = @transform_7, window_bounds = array<i64: 1, 256>}, {transform_indices = @transform_8, window_bounds = array<i64: 200, 256>}, {pipeline_mode = #tpu.pipeline_mode<synchronous>, transform_indices = @transform_9, window_bounds = array<i64: 1, 256>}, {pipeline_mode = #tpu.pipeline_mode<synchronous>, transform_indices = @transform_10, window_bounds = array<i64: 1, 256>}]} {
    %get3A = arith.constant 0 : index
    %get3A_0 = arith.constant 0 : index
    %get3A_1 = vector.load %arg1[%get3A, %get3A_0] : memref<200x128xf32, #tpu.memory_space<vmem>>, vector<200x128xf32>
    %get3A_2 = arith.constant 0 : index
    %get3A_3 = arith.constant 0 : index
    %get3A_4 = vector.load %arg5[%get3A_2, %get3A_3] : memref<128x256xf32, #tpu.memory_space<vmem>>, vector<128x256xf32>
    %dot_general3A = arith.constant dense<0.000000e+00> : vector<200x256xf32>
    %dot_general3A_5 = tpu.matmul %get3A_1, %get3A_4, %dot_general3A {dimension_numbers = #tpu.dot_dimension_numbers<[1], [0], [0], [1], [0, 0, 1, 1], [], []>, transpose_lhs_hint = false} : vector<200x128xf32>, vector<128x256xf32>, vector<200x256xf32> -> vector<200x256xf32>
    %get3A_6 = arith.constant 0 : index
    %get3A_7 = arith.constant 0 : index
    %get3A_8 = vector.load %arg8[%get3A_6, %get3A_7] : memref<1x256xf32, #tpu.memory_space<vmem>>, vector<1x256xf32>
    %add3A = vector.broadcast %get3A_8 : vector<1x256xf32> to vector<200x256xf32>
    %add3A_9 = arith.addf %dot_general3A_5, %add3A : vector<200x256xf32>
    %swap3A = arith.constant 0 : index
    %swap3A_10 = arith.constant 0 : index
    %swap3A_11 = vector.load %arg9[%swap3A, %swap3A_10] : memref<200x256xf32, #tpu.memory_space<vmem>>, vector<200x256xf32>
    tpu.vector_store %arg9[%swap3A, %swap3A_10], %add3A_9 {strides = array<i32>} : memref<200x256xf32, #tpu.memory_space<vmem>>, vector<200x256xf32>,
    %get3A_12 = arith.constant 0 : index
    %get3A_13 = arith.constant 0 : index
    %get3A_14 = vector.load %arg4[%get3A_12, %get3A_13] : memref<1x6400xi32, #tpu.memory_space<vmem>>, vector<1x6400xi32>
    %ne3A = arith.constant 0 : i32
    %ne3A_15 = vector.broadcast %ne3A : i32 to vector<1x6400xi32>
    %ne3A_16 = arith.cmpi ne, %get3A_14, %ne3A_15 : vector<1x6400xi32>
    %convert_element_type3A = arith.extui %ne3A_16 : vector<1x6400xi1> to vector<1x6400xi32>
    %convert_element_type3A_17 = arith.sitofp %convert_element_type3A : vector<1x6400xi32> to vector<1x6400xf32>
    %convert_element_type3A_18 = arith.truncf %convert_element_type3A_17 : vector<1x6400xf32> to vector<1x6400xbf16>
    %get3A_19 = arith.constant 0 : index
    %get3A_20 = arith.constant 0 : index
    %get3A_21 = vector.load %arg3[%get3A_19, %get3A_20] : memref<16x6400xf32, #tpu.memory_space<vmem>>, vector<16x6400xf32>
    %convert_element_type3A_22 = arith.truncf %get3A_21 : vector<16x6400xf32> to vector<16x6400xbf16>
    %mul3A = vector.broadcast %convert_element_type3A_18 : vector<1x6400xbf16> to vector<16x6400xbf16>
    %mul3A_23 = arith.mulf %convert_element_type3A_22, %mul3A : vector<16x6400xbf16>
    %get3A_24 = arith.constant 0 : index
    %get3A_25 = arith.constant 0 : index
    %get3A_26 = vector.load %arg2[%get3A_24, %get3A_25] : memref<6400x128xf32, #tpu.memory_space<vmem>>, vector<6400x128xf32>
    %convert_element_type3A_27 = arith.truncf %get3A_26 : vector<6400x128xf32> to vector<6400x128xbf16>
    %get3A_28 = arith.constant 0 : index
    %get3A_29 = arith.constant 0 : index
    %get3A_30 = vector.load %arg6[%get3A_28, %get3A_29] : memref<128x256xbf16, #tpu.memory_space<vmem>>, vector<128x256xbf16>
    %dot_general3A_31 = arith.constant dense<0.000000e+00> : vector<6400x256xf32>
    %dot_general3A_32 = tpu.matmul %convert_element_type3A_27, %get3A_30, %dot_general3A_31 {dimension_numbers = #tpu.dot_dimension_numbers<[1], [0], [0], [1], [0, 0, 1, 1], [], []>, transpose_lhs_hint = false} : vector<6400x128xbf16>, vector<128x256xbf16>, vector<6400x256xf32> -> vector<6400x256xf32>
    %get3A_33 = arith.constant 0 : index
    %get3A_34 = arith.constant 0 : index
    %get3A_35 = vector.load %arg7[%get3A_33, %get3A_34] : memref<16x256xbf16, #tpu.memory_space<vmem>>, vector<16x256xbf16>
    %dot_general3A_36 = arith.constant dense<0.000000e+00> : vector<6400x256xf32>
    %dot_general3A_37 = tpu.matmul %mul3A_23, %get3A_35, %dot_general3A_36 {dimension_numbers = #tpu.dot_dimension_numbers<[0], [0], [1], [1], [0, 1, 1, 1], [], []>, transpose_lhs_hint = false} : vector<16x6400xbf16>, vector<16x256xbf16>, vector<6400x256xf32> -> vector<6400x256xf32>
    %add3A_38 = arith.addf %dot_general3A_32, %dot_general3A_37 : vector<6400x256xf32>
    %reshape3A = vector.shape_cast %add3A_38 : vector<6400x256xf32> to vector<200x32x256xf32>
    %reduce_sum3A = arith.constant dense<0.000000e+00> : vector<200x256xf32>
    %reduce_sum3A_39 = vector.multi_reduction <add>, %reshape3A, %reduce_sum3A [1] : vector<200x32x256xf32> to vector<200x256xf32>
    %eq3A = arith.constant 0 : i32
    %eq3A_40 = arith.cmpi eq, %arg0, %eq3A : i32
    %convert_element_type3A_41 = arith.extui %eq3A_40 : i1 to i32
    %cond3A = arith.constant 0 : i32
    %cond3A_42 = arith.cmpi ne, %convert_element_type3A_41, %cond3A : i32
    scf.if %cond3A_42 {
      %broadcast_in_dim3A_86 = arith.constant 0.000000e+00 : f32
      %broadcast_in_dim3A_87 = vector.broadcast %broadcast_in_dim3A_86 : f32 to vector<1x256xf32>
      %swap3A_88 = arith.constant 0 : index
      %swap3A_89 = arith.constant 0 : index
      %swap3A_90 = vector.load %arg10[%swap3A_88, %swap3A_89] : memref<1x256xf32, #tpu.memory_space<vmem>>, vector<1x256xf32>
      tpu.vector_store %arg10[%swap3A_88, %swap3A_89], %broadcast_in_dim3A_87 {strides = array<i32>} : memref<1x256xf32, #tpu.memory_space<vmem>>, vector<1x256xf32>,
      %broadcast_in_dim3A_91 = arith.constant 0.000000e+00 : f32
      %broadcast_in_dim3A_92 = vector.broadcast %broadcast_in_dim3A_91 : f32 to vector<1x256xf32>
      %swap3A_93 = arith.constant 0 : index
      %swap3A_94 = arith.constant 0 : index
      %swap3A_95 = vector.load %arg11[%swap3A_93, %swap3A_94] : memref<1x256xf32, #tpu.memory_space<vmem>>, vector<1x256xf32>
      tpu.vector_store %arg11[%swap3A_93, %swap3A_94], %broadcast_in_dim3A_92 {strides = array<i32>} : memref<1x256xf32, #tpu.memory_space<vmem>>, vector<1x256xf32>,
    } else {
    }
    %get3A_43 = arith.constant 0 : index
    %get3A_44 = arith.constant 0 : index
    %get3A_45 = vector.load %arg10[%get3A_43, %get3A_44] : memref<1x256xf32, #tpu.memory_space<vmem>>, vector<1x256xf32>
    %reduce_sum3A_46 = arith.constant dense<0.000000e+00> : vector<256xf32>
    %reduce_sum3A_47 = vector.multi_reduction <add>, %add3A_9, %reduce_sum3A_46 [0] : vector<200x256xf32> to vector<256xf32>
    %broadcast_in_dim3A = vector.shape_cast %reduce_sum3A_47 : vector<256xf32> to vector<1x256xf32>
    %mul3A_48 = arith.constant 3.200000e+01 : f32
    %mul3A_49 = vector.broadcast %mul3A_48 : f32 to vector<1x256xf32>
    %mul3A_50 = arith.mulf %mul3A_49, %broadcast_in_dim3A : vector<1x256xf32>
    %reduce_sum3A_51 = arith.constant dense<0.000000e+00> : vector<256xf32>
    %reduce_sum3A_52 = vector.multi_reduction <add>, %reduce_sum3A_39, %reduce_sum3A_51 [0] : vector<200x256xf32> to vector<256xf32>
    %broadcast_in_dim3A_53 = vector.shape_cast %reduce_sum3A_52 : vector<256xf32> to vector<1x256xf32>
    %add3A_54 = arith.addf %mul3A_50, %broadcast_in_dim3A_53 : vector<1x256xf32>
    %add3A_55 = arith.addf %get3A_45, %add3A_54 : vector<1x256xf32>
    %swap3A_56 = arith.constant 0 : index
    %swap3A_57 = arith.constant 0 : index
    %swap3A_58 = vector.load %arg10[%swap3A_56, %swap3A_57] : memref<1x256xf32, #tpu.memory_space<vmem>>, vector<1x256xf32>
    tpu.vector_store %arg10[%swap3A_56, %swap3A_57], %add3A_55 {strides = array<i32>} : memref<1x256xf32, #tpu.memory_space<vmem>>, vector<1x256xf32>,
    %get3A_59 = arith.constant 0 : index
    %get3A_60 = arith.constant 0 : index
    %get3A_61 = vector.load %arg11[%get3A_59, %get3A_60] : memref<1x256xf32, #tpu.memory_space<vmem>>, vector<1x256xf32>
    %mul3A_62 = arith.mulf %add3A_9, %add3A_9 : vector<200x256xf32>
    %reduce_sum3A_63 = arith.constant dense<0.000000e+00> : vector<256xf32>
    %reduce_sum3A_64 = vector.multi_reduction <add>, %mul3A_62, %reduce_sum3A_63 [0] : vector<200x256xf32> to vector<256xf32>
    %broadcast_in_dim3A_65 = vector.shape_cast %reduce_sum3A_64 : vector<256xf32> to vector<1x256xf32>
    %mul3A_66 = arith.constant 3.200000e+01 : f32
    %mul3A_67 = vector.broadcast %mul3A_66 : f32 to vector<1x256xf32>
    %mul3A_68 = arith.mulf %mul3A_67, %broadcast_in_dim3A_65 : vector<1x256xf32>
    %mul3A_69 = arith.mulf %add3A_9, %reduce_sum3A_39 : vector<200x256xf32>
    %reduce_sum3A_70 = arith.constant dense<0.000000e+00> : vector<256xf32>
    %reduce_sum3A_71 = vector.multi_reduction <add>, %mul3A_69, %reduce_sum3A_70 [0] : vector<200x256xf32> to vector<256xf32>
    %broadcast_in_dim3A_72 = vector.shape_cast %reduce_sum3A_71 : vector<256xf32> to vector<1x256xf32>
    %mul3A_73 = arith.constant 2.000000e+00 : f32
    %mul3A_74 = vector.broadcast %mul3A_73 : f32 to vector<1x256xf32>
    %mul3A_75 = arith.mulf %mul3A_74, %broadcast_in_dim3A_72 : vector<1x256xf32>
    %add3A_76 = arith.addf %mul3A_68, %mul3A_75 : vector<1x256xf32>
    %mul3A_77 = arith.mulf %add3A_38, %add3A_38 : vector<6400x256xf32>
    %reduce_sum3A_78 = arith.constant dense<0.000000e+00> : vector<256xf32>
    %reduce_sum3A_79 = vector.multi_reduction <add>, %mul3A_77, %reduce_sum3A_78 [0] : vector<6400x256xf32> to vector<256xf32>
    %broadcast_in_dim3A_80 = vector.shape_cast %reduce_sum3A_79 : vector<256xf32> to vector<1x256xf32>
    %add3A_81 = arith.addf %add3A_76, %broadcast_in_dim3A_80 : vector<1x256xf32>
    %add3A_82 = arith.addf %get3A_61, %add3A_81 : vector<1x256xf32>
    %swap3A_83 = arith.constant 0 : index
    %swap3A_84 = arith.constant 0 : index
    %swap3A_85 = vector.load %arg11[%swap3A_83, %swap3A_84] : memref<1x256xf32, #tpu.memory_space<vmem>>, vector<1x256xf32>
    tpu.vector_store %arg11[%swap3A_83, %swap3A_84], %add3A_82 {strides = array<i32>} : memref<1x256xf32, #tpu.memory_space<vmem>>, vector<1x256xf32>,
    return
  }
  func.func @transform_0(%arg0: i32) -> (i32, i32) {
    %add3A = arith.constant 20 : i32
    %add3A_0 = arith.addi %arg0, %add3A : i32
    %c0_i32 = arith.constant 0 : i32
    %c0_i32_1 = arith.constant 0 : i32
    return %add3A_0, %c0_i32 : i32, i32
  }
  func.func @transform_1(%arg0: i32) -> (i32, i32) {
    %c0_i32 = arith.constant 0 : i32
    %c0_i32_0 = arith.constant 0 : i32
    return %arg0, %c0_i32 : i32, i32
  }
  func.func @transform_2(%arg0: i32) -> (i32, i32) {
    %add3A = arith.constant 20 : i32
    %add3A_0 = arith.addi %arg0, %add3A : i32
    %c0_i32 = arith.constant 0 : i32
    %c0_i32_1 = arith.constant 0 : i32
    return %c0_i32, %add3A_0 : i32, i32
  }
  func.func @transform_3(%arg0: i32) -> (i32, i32) {
    %add3A = arith.constant 20 : i32
    %add3A_0 = arith.addi %arg0, %add3A : i32
    %c0_i32 = arith.constant 0 : i32
    %c0_i32_1 = arith.constant 0 : i32
    return %c0_i32, %add3A_0 : i32, i32
  }
  func.func @transform_4(%arg0: i32) -> (i32, i32) {
    %c0_i32 = arith.constant 0 : i32
    %c0_i32_0 = arith.constant 0 : i32
    %c0_i32_1 = arith.constant 0 : i32
    return %c0_i32, %c0_i32_0 : i32, i32
  }
  func.func @transform_5(%arg0: i32) -> (i32, i32) {
    %c0_i32 = arith.constant 0 : i32
    %c0_i32_0 = arith.constant 0 : i32
    %c0_i32_1 = arith.constant 0 : i32
    return %c0_i32, %c0_i32_0 : i32, i32
  }
  func.func @transform_6(%arg0: i32) -> (i32, i32) {
    %c0_i32 = arith.constant 0 : i32
    %c0_i32_0 = arith.constant 0 : i32
    %c0_i32_1 = arith.constant 0 : i32
    return %c0_i32, %c0_i32_0 : i32, i32
  }
  func.func @transform_7(%arg0: i32) -> (i32, i32) {
    %c0_i32 = arith.constant 0 : i32
    %c0_i32_0 = arith.constant 0 : i32
    %c0_i32_1 = arith.constant 0 : i32
    return %c0_i32, %c0_i32_0 : i32, i32
  }
  func.func @transform_8(%arg0: i32) -> (i32, i32) {
    %c0_i32 = arith.constant 0 : i32
    %c0_i32_0 = arith.constant 0 : i32
    return %arg0, %c0_i32 : i32, i32
  }
  func.func @transform_9(%arg0: i32) -> (i32, i32) {
    %c0_i32 = arith.constant 0 : i32
    %c0_i32_0 = arith.constant 0 : i32
    %c0_i32_1 = arith.constant 0 : i32
    return %c0_i32, %c0_i32_0 : i32, i32
  }
  func.func @transform_10(%arg0: i32) -> (i32, i32) {
    %c0_i32 = arith.constant 0 : i32
    %c0_i32_0 = arith.constant 0 : i32
    %c0_i32_1 = arith.constant 0 : i32
    return %c0_i32, %c0_i32_0 : i32, i32
  }
}

module attributes {stable_mosaic.version = 14 : i64} {
  func.func @_stats_body(%arg0: i32, %arg1: memref<200x128xf32, #tpu.memory_space<vmem>>, %arg2: memref<6400x128xf32, #tpu.memory_space<vmem>>, %arg3: memref<16x6400xf32, #tpu.memory_space<vmem>>, %arg4: memref<1x6400xi32, #tpu.memory_space<vmem>>, %arg5: memref<128x256xf32, #tpu.memory_space<vmem>>, %arg6: memref<128x256xbf16, #tpu.memory_space<vmem>>, %arg7: memref<16x256xbf16, #tpu.memory_space<vmem>>, %arg8: memref<1x256xf32, #tpu.memory_space<vmem>>, %arg9: memref<200x256xf32, #tpu.memory_space<vmem>>, %arg10: memref<1x256xf32, #tpu.memory_space<vmem>>, %arg11: memref<1x256xf32, #tpu.memory_space<vmem>>) attributes {dimension_semantics = [#tpu.dimension_semantics<arbitrary>], iteration_bounds = array<i64: 10>, scalar_prefetch = 0 : i64, scratch_operands = 0 : i64, tpu.core_type = #tpu.core_type<tc>, window_params = [{transform_indices = @transform_0, window_bounds = array<i64: 200, 128>}, {transform_indices = @transform_1, window_bounds = array<i64: 6400, 128>}, {transform_indices = @transform_2, window_bounds = array<i64: 16, 6400>}, {transform_indices = @transform_3, window_bounds = array<i64: 1, 6400>}, {pipeline_mode = #tpu.pipeline_mode<synchronous>, transform_indices = @transform_4, window_bounds = array<i64: 128, 256>}, {pipeline_mode = #tpu.pipeline_mode<synchronous>, transform_indices = @transform_5, window_bounds = array<i64: 128, 256>}, {pipeline_mode = #tpu.pipeline_mode<synchronous>, transform_indices = @transform_6, window_bounds = array<i64: 16, 256>}, {pipeline_mode = #tpu.pipeline_mode<synchronous>, transform_indices = @transform_7, window_bounds = array<i64: 1, 256>}, {transform_indices = @transform_8, window_bounds = array<i64: 200, 256>}, {pipeline_mode = #tpu.pipeline_mode<synchronous>, transform_indices = @transform_9, window_bounds = array<i64: 1, 256>}, {pipeline_mode = #tpu.pipeline_mode<synchronous>, transform_indices = @transform_10, window_bounds = array<i64: 1, 256>}]} {
    %get3A = arith.constant 0 : index
    %get3A_0 = arith.constant 0 : index
    %get3A_1 = vector.load %arg1[%get3A, %get3A_0] : memref<200x128xf32, #tpu.memory_space<vmem>>, vector<200x128xf32>
    %get3A_2 = arith.constant 0 : index
    %get3A_3 = arith.constant 0 : index
    %get3A_4 = vector.load %arg5[%get3A_2, %get3A_3] : memref<128x256xf32, #tpu.memory_space<vmem>>, vector<128x256xf32>
    %dot_general3A = arith.constant dense<0.000000e+00> : vector<200x256xf32>
    %dot_general3A_5 = tpu.matmul %get3A_1, %get3A_4, %dot_general3A {dimension_numbers = #tpu.dot_dimension_numbers<[1], [0], [0], [1], [0, 0, 1, 1], [], []>, transpose_lhs_hint = false} : vector<200x128xf32>, vector<128x256xf32>, vector<200x256xf32> -> vector<200x256xf32>
    %get3A_6 = arith.constant 0 : index
    %get3A_7 = arith.constant 0 : index
    %get3A_8 = vector.load %arg8[%get3A_6, %get3A_7] : memref<1x256xf32, #tpu.memory_space<vmem>>, vector<1x256xf32>
    %add3A = vector.broadcast %get3A_8 : vector<1x256xf32> to vector<200x256xf32>
    %add3A_9 = arith.addf %dot_general3A_5, %add3A : vector<200x256xf32>
    %swap3A = arith.constant 0 : index
    %swap3A_10 = arith.constant 0 : index
    %swap3A_11 = vector.load %arg9[%swap3A, %swap3A_10] : memref<200x256xf32, #tpu.memory_space<vmem>>, vector<200x256xf32>
    tpu.vector_store %arg9[%swap3A, %swap3A_10], %add3A_9 {strides = array<i32>} : memref<200x256xf32, #tpu.memory_space<vmem>>, vector<200x256xf32>,
    %get3A_12 = arith.constant 0 : index
    %get3A_13 = arith.constant 0 : index
    %get3A_14 = vector.load %arg4[%get3A_12, %get3A_13] : memref<1x6400xi32, #tpu.memory_space<vmem>>, vector<1x6400xi32>
    %ne3A = arith.constant 0 : i32
    %ne3A_15 = vector.broadcast %ne3A : i32 to vector<1x6400xi32>
    %ne3A_16 = arith.cmpi ne, %get3A_14, %ne3A_15 : vector<1x6400xi32>
    %convert_element_type3A = arith.extui %ne3A_16 : vector<1x6400xi1> to vector<1x6400xi32>
    %convert_element_type3A_17 = arith.sitofp %convert_element_type3A : vector<1x6400xi32> to vector<1x6400xf32>
    %convert_element_type3A_18 = arith.truncf %convert_element_type3A_17 : vector<1x6400xf32> to vector<1x6400xbf16>
    %get3A_19 = arith.constant 0 : index
    %get3A_20 = arith.constant 0 : index
    %get3A_21 = vector.load %arg3[%get3A_19, %get3A_20] : memref<16x6400xf32, #tpu.memory_space<vmem>>, vector<16x6400xf32>
    %convert_element_type3A_22 = arith.truncf %get3A_21 : vector<16x6400xf32> to vector<16x6400xbf16>
    %mul3A = vector.broadcast %convert_element_type3A_18 : vector<1x6400xbf16> to vector<16x6400xbf16>
    %mul3A_23 = arith.mulf %convert_element_type3A_22, %mul3A : vector<16x6400xbf16>
    %get3A_24 = arith.constant 0 : index
    %get3A_25 = arith.constant 0 : index
    %get3A_26 = vector.load %arg2[%get3A_24, %get3A_25] : memref<6400x128xf32, #tpu.memory_space<vmem>>, vector<6400x128xf32>
    %convert_element_type3A_27 = arith.truncf %get3A_26 : vector<6400x128xf32> to vector<6400x128xbf16>
    %get3A_28 = arith.constant 0 : index
    %get3A_29 = arith.constant 0 : index
    %get3A_30 = vector.load %arg6[%get3A_28, %get3A_29] : memref<128x256xbf16, #tpu.memory_space<vmem>>, vector<128x256xbf16>
    %dot_general3A_31 = arith.constant dense<0.000000e+00> : vector<6400x256xf32>
    %dot_general3A_32 = tpu.matmul %convert_element_type3A_27, %get3A_30, %dot_general3A_31 {dimension_numbers = #tpu.dot_dimension_numbers<[1], [0], [0], [1], [0, 0, 1, 1], [], []>, transpose_lhs_hint = false} : vector<6400x128xbf16>, vector<128x256xbf16>, vector<6400x256xf32> -> vector<6400x256xf32>
    %get3A_33 = arith.constant 0 : index
    %get3A_34 = arith.constant 0 : index
    %get3A_35 = vector.load %arg7[%get3A_33, %get3A_34] : memref<16x256xbf16, #tpu.memory_space<vmem>>, vector<16x256xbf16>
    %dot_general3A_36 = arith.constant dense<0.000000e+00> : vector<6400x256xf32>
    %dot_general3A_37 = tpu.matmul %mul3A_23, %get3A_35, %dot_general3A_36 {dimension_numbers = #tpu.dot_dimension_numbers<[0], [0], [1], [1], [0, 1, 1, 1], [], []>, transpose_lhs_hint = false} : vector<16x6400xbf16>, vector<16x256xbf16>, vector<6400x256xf32> -> vector<6400x256xf32>
    %add3A_38 = arith.addf %dot_general3A_32, %dot_general3A_37 : vector<6400x256xf32>
    %reshape3A = vector.shape_cast %add3A_38 : vector<6400x256xf32> to vector<200x32x256xf32>
    %reduce_sum3A = arith.constant dense<0.000000e+00> : vector<200x256xf32>
    %reduce_sum3A_39 = vector.multi_reduction <add>, %reshape3A, %reduce_sum3A [1] : vector<200x32x256xf32> to vector<200x256xf32>
    %eq3A = arith.constant 0 : i32
    %eq3A_40 = arith.cmpi eq, %arg0, %eq3A : i32
    %convert_element_type3A_41 = arith.extui %eq3A_40 : i1 to i32
    %cond3A = arith.constant 0 : i32
    %cond3A_42 = arith.cmpi ne, %convert_element_type3A_41, %cond3A : i32
    scf.if %cond3A_42 {
      %broadcast_in_dim3A_86 = arith.constant 0.000000e+00 : f32
      %broadcast_in_dim3A_87 = vector.broadcast %broadcast_in_dim3A_86 : f32 to vector<1x256xf32>
      %swap3A_88 = arith.constant 0 : index
      %swap3A_89 = arith.constant 0 : index
      %swap3A_90 = vector.load %arg10[%swap3A_88, %swap3A_89] : memref<1x256xf32, #tpu.memory_space<vmem>>, vector<1x256xf32>
      tpu.vector_store %arg10[%swap3A_88, %swap3A_89], %broadcast_in_dim3A_87 {strides = array<i32>} : memref<1x256xf32, #tpu.memory_space<vmem>>, vector<1x256xf32>,
      %broadcast_in_dim3A_91 = arith.constant 0.000000e+00 : f32
      %broadcast_in_dim3A_92 = vector.broadcast %broadcast_in_dim3A_91 : f32 to vector<1x256xf32>
      %swap3A_93 = arith.constant 0 : index
      %swap3A_94 = arith.constant 0 : index
      %swap3A_95 = vector.load %arg11[%swap3A_93, %swap3A_94] : memref<1x256xf32, #tpu.memory_space<vmem>>, vector<1x256xf32>
      tpu.vector_store %arg11[%swap3A_93, %swap3A_94], %broadcast_in_dim3A_92 {strides = array<i32>} : memref<1x256xf32, #tpu.memory_space<vmem>>, vector<1x256xf32>,
    } else {
    }
    %get3A_43 = arith.constant 0 : index
    %get3A_44 = arith.constant 0 : index
    %get3A_45 = vector.load %arg10[%get3A_43, %get3A_44] : memref<1x256xf32, #tpu.memory_space<vmem>>, vector<1x256xf32>
    %reduce_sum3A_46 = arith.constant dense<0.000000e+00> : vector<256xf32>
    %reduce_sum3A_47 = vector.multi_reduction <add>, %add3A_9, %reduce_sum3A_46 [0] : vector<200x256xf32> to vector<256xf32>
    %broadcast_in_dim3A = vector.shape_cast %reduce_sum3A_47 : vector<256xf32> to vector<1x256xf32>
    %mul3A_48 = arith.constant 3.200000e+01 : f32
    %mul3A_49 = vector.broadcast %mul3A_48 : f32 to vector<1x256xf32>
    %mul3A_50 = arith.mulf %mul3A_49, %broadcast_in_dim3A : vector<1x256xf32>
    %reduce_sum3A_51 = arith.constant dense<0.000000e+00> : vector<256xf32>
    %reduce_sum3A_52 = vector.multi_reduction <add>, %reduce_sum3A_39, %reduce_sum3A_51 [0] : vector<200x256xf32> to vector<256xf32>
    %broadcast_in_dim3A_53 = vector.shape_cast %reduce_sum3A_52 : vector<256xf32> to vector<1x256xf32>
    %add3A_54 = arith.addf %mul3A_50, %broadcast_in_dim3A_53 : vector<1x256xf32>
    %add3A_55 = arith.addf %get3A_45, %add3A_54 : vector<1x256xf32>
    %swap3A_56 = arith.constant 0 : index
    %swap3A_57 = arith.constant 0 : index
    %swap3A_58 = vector.load %arg10[%swap3A_56, %swap3A_57] : memref<1x256xf32, #tpu.memory_space<vmem>>, vector<1x256xf32>
    tpu.vector_store %arg10[%swap3A_56, %swap3A_57], %add3A_55 {strides = array<i32>} : memref<1x256xf32, #tpu.memory_space<vmem>>, vector<1x256xf32>,
    %get3A_59 = arith.constant 0 : index
    %get3A_60 = arith.constant 0 : index
    %get3A_61 = vector.load %arg11[%get3A_59, %get3A_60] : memref<1x256xf32, #tpu.memory_space<vmem>>, vector<1x256xf32>
    %mul3A_62 = arith.mulf %add3A_9, %add3A_9 : vector<200x256xf32>
    %reduce_sum3A_63 = arith.constant dense<0.000000e+00> : vector<256xf32>
    %reduce_sum3A_64 = vector.multi_reduction <add>, %mul3A_62, %reduce_sum3A_63 [0] : vector<200x256xf32> to vector<256xf32>
    %broadcast_in_dim3A_65 = vector.shape_cast %reduce_sum3A_64 : vector<256xf32> to vector<1x256xf32>
    %mul3A_66 = arith.constant 3.200000e+01 : f32
    %mul3A_67 = vector.broadcast %mul3A_66 : f32 to vector<1x256xf32>
    %mul3A_68 = arith.mulf %mul3A_67, %broadcast_in_dim3A_65 : vector<1x256xf32>
    %mul3A_69 = arith.mulf %add3A_9, %reduce_sum3A_39 : vector<200x256xf32>
    %reduce_sum3A_70 = arith.constant dense<0.000000e+00> : vector<256xf32>
    %reduce_sum3A_71 = vector.multi_reduction <add>, %mul3A_69, %reduce_sum3A_70 [0] : vector<200x256xf32> to vector<256xf32>
    %broadcast_in_dim3A_72 = vector.shape_cast %reduce_sum3A_71 : vector<256xf32> to vector<1x256xf32>
    %mul3A_73 = arith.constant 2.000000e+00 : f32
    %mul3A_74 = vector.broadcast %mul3A_73 : f32 to vector<1x256xf32>
    %mul3A_75 = arith.mulf %mul3A_74, %broadcast_in_dim3A_72 : vector<1x256xf32>
    %add3A_76 = arith.addf %mul3A_68, %mul3A_75 : vector<1x256xf32>
    %mul3A_77 = arith.mulf %add3A_38, %add3A_38 : vector<6400x256xf32>
    %reduce_sum3A_78 = arith.constant dense<0.000000e+00> : vector<256xf32>
    %reduce_sum3A_79 = vector.multi_reduction <add>, %mul3A_77, %reduce_sum3A_78 [0] : vector<6400x256xf32> to vector<256xf32>
    %broadcast_in_dim3A_80 = vector.shape_cast %reduce_sum3A_79 : vector<256xf32> to vector<1x256xf32>
    %add3A_81 = arith.addf %add3A_76, %broadcast_in_dim3A_80 : vector<1x256xf32>
    %add3A_82 = arith.addf %get3A_61, %add3A_81 : vector<1x256xf32>
    %swap3A_83 = arith.constant 0 : index
    %swap3A_84 = arith.constant 0 : index
    %swap3A_85 = vector.load %arg11[%swap3A_83, %swap3A_84] : memref<1x256xf32, #tpu.memory_space<vmem>>, vector<1x256xf32>
    tpu.vector_store %arg11[%swap3A_83, %swap3A_84], %add3A_82 {strides = array<i32>} : memref<1x256xf32, #tpu.memory_space<vmem>>, vector<1x256xf32>,
    return
  }
  func.func @transform_0(%arg0: i32) -> (i32, i32) {
    %add3A = arith.constant 30 : i32
    %add3A_0 = arith.addi %arg0, %add3A : i32
    %c0_i32 = arith.constant 0 : i32
    %c0_i32_1 = arith.constant 0 : i32
    return %add3A_0, %c0_i32 : i32, i32
  }
  func.func @transform_1(%arg0: i32) -> (i32, i32) {
    %c0_i32 = arith.constant 0 : i32
    %c0_i32_0 = arith.constant 0 : i32
    return %arg0, %c0_i32 : i32, i32
  }
  func.func @transform_2(%arg0: i32) -> (i32, i32) {
    %add3A = arith.constant 30 : i32
    %add3A_0 = arith.addi %arg0, %add3A : i32
    %c0_i32 = arith.constant 0 : i32
    %c0_i32_1 = arith.constant 0 : i32
    return %c0_i32, %add3A_0 : i32, i32
  }
  func.func @transform_3(%arg0: i32) -> (i32, i32) {
    %add3A = arith.constant 30 : i32
    %add3A_0 = arith.addi %arg0, %add3A : i32
    %c0_i32 = arith.constant 0 : i32
    %c0_i32_1 = arith.constant 0 : i32
    return %c0_i32, %add3A_0 : i32, i32
  }
  func.func @transform_4(%arg0: i32) -> (i32, i32) {
    %c0_i32 = arith.constant 0 : i32
    %c0_i32_0 = arith.constant 0 : i32
    %c0_i32_1 = arith.constant 0 : i32
    return %c0_i32, %c0_i32_0 : i32, i32
  }
  func.func @transform_5(%arg0: i32) -> (i32, i32) {
    %c0_i32 = arith.constant 0 : i32
    %c0_i32_0 = arith.constant 0 : i32
    %c0_i32_1 = arith.constant 0 : i32
    return %c0_i32, %c0_i32_0 : i32, i32
  }
  func.func @transform_6(%arg0: i32) -> (i32, i32) {
    %c0_i32 = arith.constant 0 : i32
    %c0_i32_0 = arith.constant 0 : i32
    %c0_i32_1 = arith.constant 0 : i32
    return %c0_i32, %c0_i32_0 : i32, i32
  }
  func.func @transform_7(%arg0: i32) -> (i32, i32) {
    %c0_i32 = arith.constant 0 : i32
    %c0_i32_0 = arith.constant 0 : i32
    %c0_i32_1 = arith.constant 0 : i32
    return %c0_i32, %c0_i32_0 : i32, i32
  }
  func.func @transform_8(%arg0: i32) -> (i32, i32) {
    %c0_i32 = arith.constant 0 : i32
    %c0_i32_0 = arith.constant 0 : i32
    return %arg0, %c0_i32 : i32, i32
  }
  func.func @transform_9(%arg0: i32) -> (i32, i32) {
    %c0_i32 = arith.constant 0 : i32
    %c0_i32_0 = arith.constant 0 : i32
    %c0_i32_1 = arith.constant 0 : i32
    return %c0_i32, %c0_i32_0 : i32, i32
  }
  func.func @transform_10(%arg0: i32) -> (i32, i32) {
    %c0_i32 = arith.constant 0 : i32
    %c0_i32_0 = arith.constant 0 : i32
    %c0_i32_1 = arith.constant 0 : i32
    return %c0_i32, %c0_i32_0 : i32, i32
  }
}

module attributes {stable_mosaic.version = 14 : i64} {
  func.func @_stats_body(%arg0: i32, %arg1: memref<200x128xf32, #tpu.memory_space<vmem>>, %arg2: memref<6400x128xf32, #tpu.memory_space<vmem>>, %arg3: memref<16x6400xf32, #tpu.memory_space<vmem>>, %arg4: memref<1x6400xi32, #tpu.memory_space<vmem>>, %arg5: memref<128x256xf32, #tpu.memory_space<vmem>>, %arg6: memref<128x256xbf16, #tpu.memory_space<vmem>>, %arg7: memref<16x256xbf16, #tpu.memory_space<vmem>>, %arg8: memref<1x256xf32, #tpu.memory_space<vmem>>, %arg9: memref<200x256xf32, #tpu.memory_space<vmem>>, %arg10: memref<1x256xf32, #tpu.memory_space<vmem>>, %arg11: memref<1x256xf32, #tpu.memory_space<vmem>>) attributes {dimension_semantics = [#tpu.dimension_semantics<arbitrary>], iteration_bounds = array<i64: 10>, scalar_prefetch = 0 : i64, scratch_operands = 0 : i64, tpu.core_type = #tpu.core_type<tc>, window_params = [{transform_indices = @transform_0, window_bounds = array<i64: 200, 128>}, {transform_indices = @transform_1, window_bounds = array<i64: 6400, 128>}, {transform_indices = @transform_2, window_bounds = array<i64: 16, 6400>}, {transform_indices = @transform_3, window_bounds = array<i64: 1, 6400>}, {pipeline_mode = #tpu.pipeline_mode<synchronous>, transform_indices = @transform_4, window_bounds = array<i64: 128, 256>}, {pipeline_mode = #tpu.pipeline_mode<synchronous>, transform_indices = @transform_5, window_bounds = array<i64: 128, 256>}, {pipeline_mode = #tpu.pipeline_mode<synchronous>, transform_indices = @transform_6, window_bounds = array<i64: 16, 256>}, {pipeline_mode = #tpu.pipeline_mode<synchronous>, transform_indices = @transform_7, window_bounds = array<i64: 1, 256>}, {transform_indices = @transform_8, window_bounds = array<i64: 200, 256>}, {pipeline_mode = #tpu.pipeline_mode<synchronous>, transform_indices = @transform_9, window_bounds = array<i64: 1, 256>}, {pipeline_mode = #tpu.pipeline_mode<synchronous>, transform_indices = @transform_10, window_bounds = array<i64: 1, 256>}]} {
    %get3A = arith.constant 0 : index
    %get3A_0 = arith.constant 0 : index
    %get3A_1 = vector.load %arg1[%get3A, %get3A_0] : memref<200x128xf32, #tpu.memory_space<vmem>>, vector<200x128xf32>
    %get3A_2 = arith.constant 0 : index
    %get3A_3 = arith.constant 0 : index
    %get3A_4 = vector.load %arg5[%get3A_2, %get3A_3] : memref<128x256xf32, #tpu.memory_space<vmem>>, vector<128x256xf32>
    %dot_general3A = arith.constant dense<0.000000e+00> : vector<200x256xf32>
    %dot_general3A_5 = tpu.matmul %get3A_1, %get3A_4, %dot_general3A {dimension_numbers = #tpu.dot_dimension_numbers<[1], [0], [0], [1], [0, 0, 1, 1], [], []>, transpose_lhs_hint = false} : vector<200x128xf32>, vector<128x256xf32>, vector<200x256xf32> -> vector<200x256xf32>
    %get3A_6 = arith.constant 0 : index
    %get3A_7 = arith.constant 0 : index
    %get3A_8 = vector.load %arg8[%get3A_6, %get3A_7] : memref<1x256xf32, #tpu.memory_space<vmem>>, vector<1x256xf32>
    %add3A = vector.broadcast %get3A_8 : vector<1x256xf32> to vector<200x256xf32>
    %add3A_9 = arith.addf %dot_general3A_5, %add3A : vector<200x256xf32>
    %swap3A = arith.constant 0 : index
    %swap3A_10 = arith.constant 0 : index
    %swap3A_11 = vector.load %arg9[%swap3A, %swap3A_10] : memref<200x256xf32, #tpu.memory_space<vmem>>, vector<200x256xf32>
    tpu.vector_store %arg9[%swap3A, %swap3A_10], %add3A_9 {strides = array<i32>} : memref<200x256xf32, #tpu.memory_space<vmem>>, vector<200x256xf32>,
    %get3A_12 = arith.constant 0 : index
    %get3A_13 = arith.constant 0 : index
    %get3A_14 = vector.load %arg4[%get3A_12, %get3A_13] : memref<1x6400xi32, #tpu.memory_space<vmem>>, vector<1x6400xi32>
    %ne3A = arith.constant 0 : i32
    %ne3A_15 = vector.broadcast %ne3A : i32 to vector<1x6400xi32>
    %ne3A_16 = arith.cmpi ne, %get3A_14, %ne3A_15 : vector<1x6400xi32>
    %convert_element_type3A = arith.extui %ne3A_16 : vector<1x6400xi1> to vector<1x6400xi32>
    %convert_element_type3A_17 = arith.sitofp %convert_element_type3A : vector<1x6400xi32> to vector<1x6400xf32>
    %convert_element_type3A_18 = arith.truncf %convert_element_type3A_17 : vector<1x6400xf32> to vector<1x6400xbf16>
    %get3A_19 = arith.constant 0 : index
    %get3A_20 = arith.constant 0 : index
    %get3A_21 = vector.load %arg3[%get3A_19, %get3A_20] : memref<16x6400xf32, #tpu.memory_space<vmem>>, vector<16x6400xf32>
    %convert_element_type3A_22 = arith.truncf %get3A_21 : vector<16x6400xf32> to vector<16x6400xbf16>
    %mul3A = vector.broadcast %convert_element_type3A_18 : vector<1x6400xbf16> to vector<16x6400xbf16>
    %mul3A_23 = arith.mulf %convert_element_type3A_22, %mul3A : vector<16x6400xbf16>
    %get3A_24 = arith.constant 0 : index
    %get3A_25 = arith.constant 0 : index
    %get3A_26 = vector.load %arg2[%get3A_24, %get3A_25] : memref<6400x128xf32, #tpu.memory_space<vmem>>, vector<6400x128xf32>
    %convert_element_type3A_27 = arith.truncf %get3A_26 : vector<6400x128xf32> to vector<6400x128xbf16>
    %get3A_28 = arith.constant 0 : index
    %get3A_29 = arith.constant 0 : index
    %get3A_30 = vector.load %arg6[%get3A_28, %get3A_29] : memref<128x256xbf16, #tpu.memory_space<vmem>>, vector<128x256xbf16>
    %dot_general3A_31 = arith.constant dense<0.000000e+00> : vector<6400x256xf32>
    %dot_general3A_32 = tpu.matmul %convert_element_type3A_27, %get3A_30, %dot_general3A_31 {dimension_numbers = #tpu.dot_dimension_numbers<[1], [0], [0], [1], [0, 0, 1, 1], [], []>, transpose_lhs_hint = false} : vector<6400x128xbf16>, vector<128x256xbf16>, vector<6400x256xf32> -> vector<6400x256xf32>
    %get3A_33 = arith.constant 0 : index
    %get3A_34 = arith.constant 0 : index
    %get3A_35 = vector.load %arg7[%get3A_33, %get3A_34] : memref<16x256xbf16, #tpu.memory_space<vmem>>, vector<16x256xbf16>
    %dot_general3A_36 = arith.constant dense<0.000000e+00> : vector<6400x256xf32>
    %dot_general3A_37 = tpu.matmul %mul3A_23, %get3A_35, %dot_general3A_36 {dimension_numbers = #tpu.dot_dimension_numbers<[0], [0], [1], [1], [0, 1, 1, 1], [], []>, transpose_lhs_hint = false} : vector<16x6400xbf16>, vector<16x256xbf16>, vector<6400x256xf32> -> vector<6400x256xf32>
    %add3A_38 = arith.addf %dot_general3A_32, %dot_general3A_37 : vector<6400x256xf32>
    %reshape3A = vector.shape_cast %add3A_38 : vector<6400x256xf32> to vector<200x32x256xf32>
    %reduce_sum3A = arith.constant dense<0.000000e+00> : vector<200x256xf32>
    %reduce_sum3A_39 = vector.multi_reduction <add>, %reshape3A, %reduce_sum3A [1] : vector<200x32x256xf32> to vector<200x256xf32>
    %eq3A = arith.constant 0 : i32
    %eq3A_40 = arith.cmpi eq, %arg0, %eq3A : i32
    %convert_element_type3A_41 = arith.extui %eq3A_40 : i1 to i32
    %cond3A = arith.constant 0 : i32
    %cond3A_42 = arith.cmpi ne, %convert_element_type3A_41, %cond3A : i32
    scf.if %cond3A_42 {
      %broadcast_in_dim3A_86 = arith.constant 0.000000e+00 : f32
      %broadcast_in_dim3A_87 = vector.broadcast %broadcast_in_dim3A_86 : f32 to vector<1x256xf32>
      %swap3A_88 = arith.constant 0 : index
      %swap3A_89 = arith.constant 0 : index
      %swap3A_90 = vector.load %arg10[%swap3A_88, %swap3A_89] : memref<1x256xf32, #tpu.memory_space<vmem>>, vector<1x256xf32>
      tpu.vector_store %arg10[%swap3A_88, %swap3A_89], %broadcast_in_dim3A_87 {strides = array<i32>} : memref<1x256xf32, #tpu.memory_space<vmem>>, vector<1x256xf32>,
      %broadcast_in_dim3A_91 = arith.constant 0.000000e+00 : f32
      %broadcast_in_dim3A_92 = vector.broadcast %broadcast_in_dim3A_91 : f32 to vector<1x256xf32>
      %swap3A_93 = arith.constant 0 : index
      %swap3A_94 = arith.constant 0 : index
      %swap3A_95 = vector.load %arg11[%swap3A_93, %swap3A_94] : memref<1x256xf32, #tpu.memory_space<vmem>>, vector<1x256xf32>
      tpu.vector_store %arg11[%swap3A_93, %swap3A_94], %broadcast_in_dim3A_92 {strides = array<i32>} : memref<1x256xf32, #tpu.memory_space<vmem>>, vector<1x256xf32>,
    } else {
    }
    %get3A_43 = arith.constant 0 : index
    %get3A_44 = arith.constant 0 : index
    %get3A_45 = vector.load %arg10[%get3A_43, %get3A_44] : memref<1x256xf32, #tpu.memory_space<vmem>>, vector<1x256xf32>
    %reduce_sum3A_46 = arith.constant dense<0.000000e+00> : vector<256xf32>
    %reduce_sum3A_47 = vector.multi_reduction <add>, %add3A_9, %reduce_sum3A_46 [0] : vector<200x256xf32> to vector<256xf32>
    %broadcast_in_dim3A = vector.shape_cast %reduce_sum3A_47 : vector<256xf32> to vector<1x256xf32>
    %mul3A_48 = arith.constant 3.200000e+01 : f32
    %mul3A_49 = vector.broadcast %mul3A_48 : f32 to vector<1x256xf32>
    %mul3A_50 = arith.mulf %mul3A_49, %broadcast_in_dim3A : vector<1x256xf32>
    %reduce_sum3A_51 = arith.constant dense<0.000000e+00> : vector<256xf32>
    %reduce_sum3A_52 = vector.multi_reduction <add>, %reduce_sum3A_39, %reduce_sum3A_51 [0] : vector<200x256xf32> to vector<256xf32>
    %broadcast_in_dim3A_53 = vector.shape_cast %reduce_sum3A_52 : vector<256xf32> to vector<1x256xf32>
    %add3A_54 = arith.addf %mul3A_50, %broadcast_in_dim3A_53 : vector<1x256xf32>
    %add3A_55 = arith.addf %get3A_45, %add3A_54 : vector<1x256xf32>
    %swap3A_56 = arith.constant 0 : index
    %swap3A_57 = arith.constant 0 : index
    %swap3A_58 = vector.load %arg10[%swap3A_56, %swap3A_57] : memref<1x256xf32, #tpu.memory_space<vmem>>, vector<1x256xf32>
    tpu.vector_store %arg10[%swap3A_56, %swap3A_57], %add3A_55 {strides = array<i32>} : memref<1x256xf32, #tpu.memory_space<vmem>>, vector<1x256xf32>,
    %get3A_59 = arith.constant 0 : index
    %get3A_60 = arith.constant 0 : index
    %get3A_61 = vector.load %arg11[%get3A_59, %get3A_60] : memref<1x256xf32, #tpu.memory_space<vmem>>, vector<1x256xf32>
    %mul3A_62 = arith.mulf %add3A_9, %add3A_9 : vector<200x256xf32>
    %reduce_sum3A_63 = arith.constant dense<0.000000e+00> : vector<256xf32>
    %reduce_sum3A_64 = vector.multi_reduction <add>, %mul3A_62, %reduce_sum3A_63 [0] : vector<200x256xf32> to vector<256xf32>
    %broadcast_in_dim3A_65 = vector.shape_cast %reduce_sum3A_64 : vector<256xf32> to vector<1x256xf32>
    %mul3A_66 = arith.constant 3.200000e+01 : f32
    %mul3A_67 = vector.broadcast %mul3A_66 : f32 to vector<1x256xf32>
    %mul3A_68 = arith.mulf %mul3A_67, %broadcast_in_dim3A_65 : vector<1x256xf32>
    %mul3A_69 = arith.mulf %add3A_9, %reduce_sum3A_39 : vector<200x256xf32>
    %reduce_sum3A_70 = arith.constant dense<0.000000e+00> : vector<256xf32>
    %reduce_sum3A_71 = vector.multi_reduction <add>, %mul3A_69, %reduce_sum3A_70 [0] : vector<200x256xf32> to vector<256xf32>
    %broadcast_in_dim3A_72 = vector.shape_cast %reduce_sum3A_71 : vector<256xf32> to vector<1x256xf32>
    %mul3A_73 = arith.constant 2.000000e+00 : f32
    %mul3A_74 = vector.broadcast %mul3A_73 : f32 to vector<1x256xf32>
    %mul3A_75 = arith.mulf %mul3A_74, %broadcast_in_dim3A_72 : vector<1x256xf32>
    %add3A_76 = arith.addf %mul3A_68, %mul3A_75 : vector<1x256xf32>
    %mul3A_77 = arith.mulf %add3A_38, %add3A_38 : vector<6400x256xf32>
    %reduce_sum3A_78 = arith.constant dense<0.000000e+00> : vector<256xf32>
    %reduce_sum3A_79 = vector.multi_reduction <add>, %mul3A_77, %reduce_sum3A_78 [0] : vector<6400x256xf32> to vector<256xf32>
    %broadcast_in_dim3A_80 = vector.shape_cast %reduce_sum3A_79 : vector<256xf32> to vector<1x256xf32>
    %add3A_81 = arith.addf %add3A_76, %broadcast_in_dim3A_80 : vector<1x256xf32>
    %add3A_82 = arith.addf %get3A_61, %add3A_81 : vector<1x256xf32>
    %swap3A_83 = arith.constant 0 : index
    %swap3A_84 = arith.constant 0 : index
    %swap3A_85 = vector.load %arg11[%swap3A_83, %swap3A_84] : memref<1x256xf32, #tpu.memory_space<vmem>>, vector<1x256xf32>
    tpu.vector_store %arg11[%swap3A_83, %swap3A_84], %add3A_82 {strides = array<i32>} : memref<1x256xf32, #tpu.memory_space<vmem>>, vector<1x256xf32>,
    return
  }
  func.func @transform_0(%arg0: i32) -> (i32, i32) {
    %add3A = arith.constant 40 : i32
    %add3A_0 = arith.addi %arg0, %add3A : i32
    %c0_i32 = arith.constant 0 : i32
    %c0_i32_1 = arith.constant 0 : i32
    return %add3A_0, %c0_i32 : i32, i32
  }
  func.func @transform_1(%arg0: i32) -> (i32, i32) {
    %c0_i32 = arith.constant 0 : i32
    %c0_i32_0 = arith.constant 0 : i32
    return %arg0, %c0_i32 : i32, i32
  }
  func.func @transform_2(%arg0: i32) -> (i32, i32) {
    %add3A = arith.constant 40 : i32
    %add3A_0 = arith.addi %arg0, %add3A : i32
    %c0_i32 = arith.constant 0 : i32
    %c0_i32_1 = arith.constant 0 : i32
    return %c0_i32, %add3A_0 : i32, i32
  }
  func.func @transform_3(%arg0: i32) -> (i32, i32) {
    %add3A = arith.constant 40 : i32
    %add3A_0 = arith.addi %arg0, %add3A : i32
    %c0_i32 = arith.constant 0 : i32
    %c0_i32_1 = arith.constant 0 : i32
    return %c0_i32, %add3A_0 : i32, i32
  }
  func.func @transform_4(%arg0: i32) -> (i32, i32) {
    %c0_i32 = arith.constant 0 : i32
    %c0_i32_0 = arith.constant 0 : i32
    %c0_i32_1 = arith.constant 0 : i32
    return %c0_i32, %c0_i32_0 : i32, i32
  }
  func.func @transform_5(%arg0: i32) -> (i32, i32) {
    %c0_i32 = arith.constant 0 : i32
    %c0_i32_0 = arith.constant 0 : i32
    %c0_i32_1 = arith.constant 0 : i32
    return %c0_i32, %c0_i32_0 : i32, i32
  }
  func.func @transform_6(%arg0: i32) -> (i32, i32) {
    %c0_i32 = arith.constant 0 : i32
    %c0_i32_0 = arith.constant 0 : i32
    %c0_i32_1 = arith.constant 0 : i32
    return %c0_i32, %c0_i32_0 : i32, i32
  }
  func.func @transform_7(%arg0: i32) -> (i32, i32) {
    %c0_i32 = arith.constant 0 : i32
    %c0_i32_0 = arith.constant 0 : i32
    %c0_i32_1 = arith.constant 0 : i32
    return %c0_i32, %c0_i32_0 : i32, i32
  }
  func.func @transform_8(%arg0: i32) -> (i32, i32) {
    %c0_i32 = arith.constant 0 : i32
    %c0_i32_0 = arith.constant 0 : i32
    return %arg0, %c0_i32 : i32, i32
  }
  func.func @transform_9(%arg0: i32) -> (i32, i32) {
    %c0_i32 = arith.constant 0 : i32
    %c0_i32_0 = arith.constant 0 : i32
    %c0_i32_1 = arith.constant 0 : i32
    return %c0_i32, %c0_i32_0 : i32, i32
  }
  func.func @transform_10(%arg0: i32) -> (i32, i32) {
    %c0_i32 = arith.constant 0 : i32
    %c0_i32_0 = arith.constant 0 : i32
    %c0_i32_1 = arith.constant 0 : i32
    return %c0_i32, %c0_i32_0 : i32, i32
  }
}

module attributes {stable_mosaic.version = 14 : i64} {
  func.func @_stats_body(%arg0: i32, %arg1: memref<200x128xf32, #tpu.memory_space<vmem>>, %arg2: memref<6400x128xf32, #tpu.memory_space<vmem>>, %arg3: memref<16x6400xf32, #tpu.memory_space<vmem>>, %arg4: memref<1x6400xi32, #tpu.memory_space<vmem>>, %arg5: memref<128x256xf32, #tpu.memory_space<vmem>>, %arg6: memref<128x256xbf16, #tpu.memory_space<vmem>>, %arg7: memref<16x256xbf16, #tpu.memory_space<vmem>>, %arg8: memref<1x256xf32, #tpu.memory_space<vmem>>, %arg9: memref<200x256xf32, #tpu.memory_space<vmem>>, %arg10: memref<1x256xf32, #tpu.memory_space<vmem>>, %arg11: memref<1x256xf32, #tpu.memory_space<vmem>>) attributes {dimension_semantics = [#tpu.dimension_semantics<arbitrary>], iteration_bounds = array<i64: 10>, scalar_prefetch = 0 : i64, scratch_operands = 0 : i64, tpu.core_type = #tpu.core_type<tc>, window_params = [{transform_indices = @transform_0, window_bounds = array<i64: 200, 128>}, {transform_indices = @transform_1, window_bounds = array<i64: 6400, 128>}, {transform_indices = @transform_2, window_bounds = array<i64: 16, 6400>}, {transform_indices = @transform_3, window_bounds = array<i64: 1, 6400>}, {pipeline_mode = #tpu.pipeline_mode<synchronous>, transform_indices = @transform_4, window_bounds = array<i64: 128, 256>}, {pipeline_mode = #tpu.pipeline_mode<synchronous>, transform_indices = @transform_5, window_bounds = array<i64: 128, 256>}, {pipeline_mode = #tpu.pipeline_mode<synchronous>, transform_indices = @transform_6, window_bounds = array<i64: 16, 256>}, {pipeline_mode = #tpu.pipeline_mode<synchronous>, transform_indices = @transform_7, window_bounds = array<i64: 1, 256>}, {transform_indices = @transform_8, window_bounds = array<i64: 200, 256>}, {pipeline_mode = #tpu.pipeline_mode<synchronous>, transform_indices = @transform_9, window_bounds = array<i64: 1, 256>}, {pipeline_mode = #tpu.pipeline_mode<synchronous>, transform_indices = @transform_10, window_bounds = array<i64: 1, 256>}]} {
    %get3A = arith.constant 0 : index
    %get3A_0 = arith.constant 0 : index
    %get3A_1 = vector.load %arg1[%get3A, %get3A_0] : memref<200x128xf32, #tpu.memory_space<vmem>>, vector<200x128xf32>
    %get3A_2 = arith.constant 0 : index
    %get3A_3 = arith.constant 0 : index
    %get3A_4 = vector.load %arg5[%get3A_2, %get3A_3] : memref<128x256xf32, #tpu.memory_space<vmem>>, vector<128x256xf32>
    %dot_general3A = arith.constant dense<0.000000e+00> : vector<200x256xf32>
    %dot_general3A_5 = tpu.matmul %get3A_1, %get3A_4, %dot_general3A {dimension_numbers = #tpu.dot_dimension_numbers<[1], [0], [0], [1], [0, 0, 1, 1], [], []>, transpose_lhs_hint = false} : vector<200x128xf32>, vector<128x256xf32>, vector<200x256xf32> -> vector<200x256xf32>
    %get3A_6 = arith.constant 0 : index
    %get3A_7 = arith.constant 0 : index
    %get3A_8 = vector.load %arg8[%get3A_6, %get3A_7] : memref<1x256xf32, #tpu.memory_space<vmem>>, vector<1x256xf32>
    %add3A = vector.broadcast %get3A_8 : vector<1x256xf32> to vector<200x256xf32>
    %add3A_9 = arith.addf %dot_general3A_5, %add3A : vector<200x256xf32>
    %swap3A = arith.constant 0 : index
    %swap3A_10 = arith.constant 0 : index
    %swap3A_11 = vector.load %arg9[%swap3A, %swap3A_10] : memref<200x256xf32, #tpu.memory_space<vmem>>, vector<200x256xf32>
    tpu.vector_store %arg9[%swap3A, %swap3A_10], %add3A_9 {strides = array<i32>} : memref<200x256xf32, #tpu.memory_space<vmem>>, vector<200x256xf32>,
    %get3A_12 = arith.constant 0 : index
    %get3A_13 = arith.constant 0 : index
    %get3A_14 = vector.load %arg4[%get3A_12, %get3A_13] : memref<1x6400xi32, #tpu.memory_space<vmem>>, vector<1x6400xi32>
    %ne3A = arith.constant 0 : i32
    %ne3A_15 = vector.broadcast %ne3A : i32 to vector<1x6400xi32>
    %ne3A_16 = arith.cmpi ne, %get3A_14, %ne3A_15 : vector<1x6400xi32>
    %convert_element_type3A = arith.extui %ne3A_16 : vector<1x6400xi1> to vector<1x6400xi32>
    %convert_element_type3A_17 = arith.sitofp %convert_element_type3A : vector<1x6400xi32> to vector<1x6400xf32>
    %convert_element_type3A_18 = arith.truncf %convert_element_type3A_17 : vector<1x6400xf32> to vector<1x6400xbf16>
    %get3A_19 = arith.constant 0 : index
    %get3A_20 = arith.constant 0 : index
    %get3A_21 = vector.load %arg3[%get3A_19, %get3A_20] : memref<16x6400xf32, #tpu.memory_space<vmem>>, vector<16x6400xf32>
    %convert_element_type3A_22 = arith.truncf %get3A_21 : vector<16x6400xf32> to vector<16x6400xbf16>
    %mul3A = vector.broadcast %convert_element_type3A_18 : vector<1x6400xbf16> to vector<16x6400xbf16>
    %mul3A_23 = arith.mulf %convert_element_type3A_22, %mul3A : vector<16x6400xbf16>
    %get3A_24 = arith.constant 0 : index
    %get3A_25 = arith.constant 0 : index
    %get3A_26 = vector.load %arg2[%get3A_24, %get3A_25] : memref<6400x128xf32, #tpu.memory_space<vmem>>, vector<6400x128xf32>
    %convert_element_type3A_27 = arith.truncf %get3A_26 : vector<6400x128xf32> to vector<6400x128xbf16>
    %get3A_28 = arith.constant 0 : index
    %get3A_29 = arith.constant 0 : index
    %get3A_30 = vector.load %arg6[%get3A_28, %get3A_29] : memref<128x256xbf16, #tpu.memory_space<vmem>>, vector<128x256xbf16>
    %dot_general3A_31 = arith.constant dense<0.000000e+00> : vector<6400x256xf32>
    %dot_general3A_32 = tpu.matmul %convert_element_type3A_27, %get3A_30, %dot_general3A_31 {dimension_numbers = #tpu.dot_dimension_numbers<[1], [0], [0], [1], [0, 0, 1, 1], [], []>, transpose_lhs_hint = false} : vector<6400x128xbf16>, vector<128x256xbf16>, vector<6400x256xf32> -> vector<6400x256xf32>
    %get3A_33 = arith.constant 0 : index
    %get3A_34 = arith.constant 0 : index
    %get3A_35 = vector.load %arg7[%get3A_33, %get3A_34] : memref<16x256xbf16, #tpu.memory_space<vmem>>, vector<16x256xbf16>
    %dot_general3A_36 = arith.constant dense<0.000000e+00> : vector<6400x256xf32>
    %dot_general3A_37 = tpu.matmul %mul3A_23, %get3A_35, %dot_general3A_36 {dimension_numbers = #tpu.dot_dimension_numbers<[0], [0], [1], [1], [0, 1, 1, 1], [], []>, transpose_lhs_hint = false} : vector<16x6400xbf16>, vector<16x256xbf16>, vector<6400x256xf32> -> vector<6400x256xf32>
    %add3A_38 = arith.addf %dot_general3A_32, %dot_general3A_37 : vector<6400x256xf32>
    %reshape3A = vector.shape_cast %add3A_38 : vector<6400x256xf32> to vector<200x32x256xf32>
    %reduce_sum3A = arith.constant dense<0.000000e+00> : vector<200x256xf32>
    %reduce_sum3A_39 = vector.multi_reduction <add>, %reshape3A, %reduce_sum3A [1] : vector<200x32x256xf32> to vector<200x256xf32>
    %eq3A = arith.constant 0 : i32
    %eq3A_40 = arith.cmpi eq, %arg0, %eq3A : i32
    %convert_element_type3A_41 = arith.extui %eq3A_40 : i1 to i32
    %cond3A = arith.constant 0 : i32
    %cond3A_42 = arith.cmpi ne, %convert_element_type3A_41, %cond3A : i32
    scf.if %cond3A_42 {
      %broadcast_in_dim3A_86 = arith.constant 0.000000e+00 : f32
      %broadcast_in_dim3A_87 = vector.broadcast %broadcast_in_dim3A_86 : f32 to vector<1x256xf32>
      %swap3A_88 = arith.constant 0 : index
      %swap3A_89 = arith.constant 0 : index
      %swap3A_90 = vector.load %arg10[%swap3A_88, %swap3A_89] : memref<1x256xf32, #tpu.memory_space<vmem>>, vector<1x256xf32>
      tpu.vector_store %arg10[%swap3A_88, %swap3A_89], %broadcast_in_dim3A_87 {strides = array<i32>} : memref<1x256xf32, #tpu.memory_space<vmem>>, vector<1x256xf32>,
      %broadcast_in_dim3A_91 = arith.constant 0.000000e+00 : f32
      %broadcast_in_dim3A_92 = vector.broadcast %broadcast_in_dim3A_91 : f32 to vector<1x256xf32>
      %swap3A_93 = arith.constant 0 : index
      %swap3A_94 = arith.constant 0 : index
      %swap3A_95 = vector.load %arg11[%swap3A_93, %swap3A_94] : memref<1x256xf32, #tpu.memory_space<vmem>>, vector<1x256xf32>
      tpu.vector_store %arg11[%swap3A_93, %swap3A_94], %broadcast_in_dim3A_92 {strides = array<i32>} : memref<1x256xf32, #tpu.memory_space<vmem>>, vector<1x256xf32>,
    } else {
    }
    %get3A_43 = arith.constant 0 : index
    %get3A_44 = arith.constant 0 : index
    %get3A_45 = vector.load %arg10[%get3A_43, %get3A_44] : memref<1x256xf32, #tpu.memory_space<vmem>>, vector<1x256xf32>
    %reduce_sum3A_46 = arith.constant dense<0.000000e+00> : vector<256xf32>
    %reduce_sum3A_47 = vector.multi_reduction <add>, %add3A_9, %reduce_sum3A_46 [0] : vector<200x256xf32> to vector<256xf32>
    %broadcast_in_dim3A = vector.shape_cast %reduce_sum3A_47 : vector<256xf32> to vector<1x256xf32>
    %mul3A_48 = arith.constant 3.200000e+01 : f32
    %mul3A_49 = vector.broadcast %mul3A_48 : f32 to vector<1x256xf32>
    %mul3A_50 = arith.mulf %mul3A_49, %broadcast_in_dim3A : vector<1x256xf32>
    %reduce_sum3A_51 = arith.constant dense<0.000000e+00> : vector<256xf32>
    %reduce_sum3A_52 = vector.multi_reduction <add>, %reduce_sum3A_39, %reduce_sum3A_51 [0] : vector<200x256xf32> to vector<256xf32>
    %broadcast_in_dim3A_53 = vector.shape_cast %reduce_sum3A_52 : vector<256xf32> to vector<1x256xf32>
    %add3A_54 = arith.addf %mul3A_50, %broadcast_in_dim3A_53 : vector<1x256xf32>
    %add3A_55 = arith.addf %get3A_45, %add3A_54 : vector<1x256xf32>
    %swap3A_56 = arith.constant 0 : index
    %swap3A_57 = arith.constant 0 : index
    %swap3A_58 = vector.load %arg10[%swap3A_56, %swap3A_57] : memref<1x256xf32, #tpu.memory_space<vmem>>, vector<1x256xf32>
    tpu.vector_store %arg10[%swap3A_56, %swap3A_57], %add3A_55 {strides = array<i32>} : memref<1x256xf32, #tpu.memory_space<vmem>>, vector<1x256xf32>,
    %get3A_59 = arith.constant 0 : index
    %get3A_60 = arith.constant 0 : index
    %get3A_61 = vector.load %arg11[%get3A_59, %get3A_60] : memref<1x256xf32, #tpu.memory_space<vmem>>, vector<1x256xf32>
    %mul3A_62 = arith.mulf %add3A_9, %add3A_9 : vector<200x256xf32>
    %reduce_sum3A_63 = arith.constant dense<0.000000e+00> : vector<256xf32>
    %reduce_sum3A_64 = vector.multi_reduction <add>, %mul3A_62, %reduce_sum3A_63 [0] : vector<200x256xf32> to vector<256xf32>
    %broadcast_in_dim3A_65 = vector.shape_cast %reduce_sum3A_64 : vector<256xf32> to vector<1x256xf32>
    %mul3A_66 = arith.constant 3.200000e+01 : f32
    %mul3A_67 = vector.broadcast %mul3A_66 : f32 to vector<1x256xf32>
    %mul3A_68 = arith.mulf %mul3A_67, %broadcast_in_dim3A_65 : vector<1x256xf32>
    %mul3A_69 = arith.mulf %add3A_9, %reduce_sum3A_39 : vector<200x256xf32>
    %reduce_sum3A_70 = arith.constant dense<0.000000e+00> : vector<256xf32>
    %reduce_sum3A_71 = vector.multi_reduction <add>, %mul3A_69, %reduce_sum3A_70 [0] : vector<200x256xf32> to vector<256xf32>
    %broadcast_in_dim3A_72 = vector.shape_cast %reduce_sum3A_71 : vector<256xf32> to vector<1x256xf32>
    %mul3A_73 = arith.constant 2.000000e+00 : f32
    %mul3A_74 = vector.broadcast %mul3A_73 : f32 to vector<1x256xf32>
    %mul3A_75 = arith.mulf %mul3A_74, %broadcast_in_dim3A_72 : vector<1x256xf32>
    %add3A_76 = arith.addf %mul3A_68, %mul3A_75 : vector<1x256xf32>
    %mul3A_77 = arith.mulf %add3A_38, %add3A_38 : vector<6400x256xf32>
    %reduce_sum3A_78 = arith.constant dense<0.000000e+00> : vector<256xf32>
    %reduce_sum3A_79 = vector.multi_reduction <add>, %mul3A_77, %reduce_sum3A_78 [0] : vector<6400x256xf32> to vector<256xf32>
    %broadcast_in_dim3A_80 = vector.shape_cast %reduce_sum3A_79 : vector<256xf32> to vector<1x256xf32>
    %add3A_81 = arith.addf %add3A_76, %broadcast_in_dim3A_80 : vector<1x256xf32>
    %add3A_82 = arith.addf %get3A_61, %add3A_81 : vector<1x256xf32>
    %swap3A_83 = arith.constant 0 : index
    %swap3A_84 = arith.constant 0 : index
    %swap3A_85 = vector.load %arg11[%swap3A_83, %swap3A_84] : memref<1x256xf32, #tpu.memory_space<vmem>>, vector<1x256xf32>
    tpu.vector_store %arg11[%swap3A_83, %swap3A_84], %add3A_82 {strides = array<i32>} : memref<1x256xf32, #tpu.memory_space<vmem>>, vector<1x256xf32>,
    return
  }
  func.func @transform_0(%arg0: i32) -> (i32, i32) {
    %add3A = arith.constant 0 : i32
    %add3A_0 = arith.addi %arg0, %add3A : i32
    %c0_i32 = arith.constant 0 : i32
    %c0_i32_1 = arith.constant 0 : i32
    return %add3A_0, %c0_i32 : i32, i32
  }
  func.func @transform_1(%arg0: i32) -> (i32, i32) {
    %c0_i32 = arith.constant 0 : i32
    %c0_i32_0 = arith.constant 0 : i32
    return %arg0, %c0_i32 : i32, i32
  }
  func.func @transform_2(%arg0: i32) -> (i32, i32) {
    %add3A = arith.constant 0 : i32
    %add3A_0 = arith.addi %arg0, %add3A : i32
    %c0_i32 = arith.constant 0 : i32
    %c0_i32_1 = arith.constant 0 : i32
    return %c0_i32, %add3A_0 : i32, i32
  }
  func.func @transform_3(%arg0: i32) -> (i32, i32) {
    %add3A = arith.constant 0 : i32
    %add3A_0 = arith.addi %arg0, %add3A : i32
    %c0_i32 = arith.constant 0 : i32
    %c0_i32_1 = arith.constant 0 : i32
    return %c0_i32, %add3A_0 : i32, i32
  }
  func.func @transform_4(%arg0: i32) -> (i32, i32) {
    %c0_i32 = arith.constant 0 : i32
    %c0_i32_0 = arith.constant 0 : i32
    %c0_i32_1 = arith.constant 0 : i32
    return %c0_i32, %c0_i32_0 : i32, i32
  }
  func.func @transform_5(%arg0: i32) -> (i32, i32) {
    %c0_i32 = arith.constant 0 : i32
    %c0_i32_0 = arith.constant 0 : i32
    %c0_i32_1 = arith.constant 0 : i32
    return %c0_i32, %c0_i32_0 : i32, i32
  }
  func.func @transform_6(%arg0: i32) -> (i32, i32) {
    %c0_i32 = arith.constant 0 : i32
    %c0_i32_0 = arith.constant 0 : i32
    %c0_i32_1 = arith.constant 0 : i32
    return %c0_i32, %c0_i32_0 : i32, i32
  }
  func.func @transform_7(%arg0: i32) -> (i32, i32) {
    %c0_i32 = arith.constant 0 : i32
    %c0_i32_0 = arith.constant 0 : i32
    %c0_i32_1 = arith.constant 0 : i32
    return %c0_i32, %c0_i32_0 : i32, i32
  }
  func.func @transform_8(%arg0: i32) -> (i32, i32) {
    %c0_i32 = arith.constant 0 : i32
    %c0_i32_0 = arith.constant 0 : i32
    return %arg0, %c0_i32 : i32, i32
  }
  func.func @transform_9(%arg0: i32) -> (i32, i32) {
    %c0_i32 = arith.constant 0 : i32
    %c0_i32_0 = arith.constant 0 : i32
    %c0_i32_1 = arith.constant 0 : i32
    return %c0_i32, %c0_i32_0 : i32, i32
  }
  func.func @transform_10(%arg0: i32) -> (i32, i32) {
    %c0_i32 = arith.constant 0 : i32
    %c0_i32_0 = arith.constant 0 : i32
    %c0_i32_1 = arith.constant 0 : i32
    return %c0_i32, %c0_i32_0 : i32, i32
  }
}

module attributes {stable_mosaic.version = 14 : i64} {
  func.func @_main_body(%arg0: i32, %arg1: memref<200x256xf32, #tpu.memory_space<vmem>>, %arg2: memref<6400x128xf32, #tpu.memory_space<vmem>>, %arg3: memref<16x6400xf32, #tpu.memory_space<vmem>>, %arg4: memref<1x6400xi32, #tpu.memory_space<vmem>>, %arg5: memref<200x32xi32, #tpu.memory_space<vmem>>, %arg6: memref<128x256xbf16, #tpu.memory_space<vmem>>, %arg7: memref<16x256xbf16, #tpu.memory_space<vmem>>, %arg8: memref<1x256xf32, #tpu.memory_space<vmem>>, %arg9: memref<1x256xf32, #tpu.memory_space<vmem>>, %arg10: memref<200x128xf32, #tpu.memory_space<vmem>>, %arg11: memref<1x128xf32, #tpu.memory_space<vmem>>, %arg12: memref<1x128xf32, #tpu.memory_space<vmem>>) attributes {dimension_semantics = [#tpu.dimension_semantics<arbitrary>], iteration_bounds = array<i64: 10>, scalar_prefetch = 0 : i64, scratch_operands = 0 : i64, tpu.core_type = #tpu.core_type<tc>, window_params = [{transform_indices = @transform_0, window_bounds = array<i64: 200, 256>}, {transform_indices = @transform_1, window_bounds = array<i64: 6400, 128>}, {transform_indices = @transform_2, window_bounds = array<i64: 16, 6400>}, {transform_indices = @transform_3, window_bounds = array<i64: 1, 6400>}, {transform_indices = @transform_4, window_bounds = array<i64: 200, 32>}, {pipeline_mode = #tpu.pipeline_mode<synchronous>, transform_indices = @transform_5, window_bounds = array<i64: 128, 256>}, {pipeline_mode = #tpu.pipeline_mode<synchronous>, transform_indices = @transform_6, window_bounds = array<i64: 16, 256>}, {pipeline_mode = #tpu.pipeline_mode<synchronous>, transform_indices = @transform_7, window_bounds = array<i64: 1, 256>}, {pipeline_mode = #tpu.pipeline_mode<synchronous>, transform_indices = @transform_8, window_bounds = array<i64: 1, 256>}, {transform_indices = @transform_9, window_bounds = array<i64: 200, 128>}, {pipeline_mode = #tpu.pipeline_mode<synchronous>, transform_indices = @transform_10, window_bounds = array<i64: 1, 128>}, {pipeline_mode = #tpu.pipeline_mode<synchronous>, transform_indices = @transform_11, window_bounds = array<i64: 1, 128>}]} {
    %get3A = arith.constant 0 : index
    %get3A_0 = arith.constant 0 : index
    %get3A_1 = vector.load %arg4[%get3A, %get3A_0] : memref<1x6400xi32, #tpu.memory_space<vmem>>, vector<1x6400xi32>
    %ne3A = arith.constant 0 : i32
    %ne3A_2 = vector.broadcast %ne3A : i32 to vector<1x6400xi32>
    %ne3A_3 = arith.cmpi ne, %get3A_1, %ne3A_2 : vector<1x6400xi32>
    %convert_element_type3A = arith.extui %ne3A_3 : vector<1x6400xi1> to vector<1x6400xi32>
    %convert_element_type3A_4 = arith.sitofp %convert_element_type3A : vector<1x6400xi32> to vector<1x6400xf32>
    %convert_element_type3A_5 = arith.truncf %convert_element_type3A_4 : vector<1x6400xf32> to vector<1x6400xbf16>
    %get3A_6 = arith.constant 0 : index
    %get3A_7 = arith.constant 0 : index
    %get3A_8 = vector.load %arg3[%get3A_6, %get3A_7] : memref<16x6400xf32, #tpu.memory_space<vmem>>, vector<16x6400xf32>
    %convert_element_type3A_9 = arith.truncf %get3A_8 : vector<16x6400xf32> to vector<16x6400xbf16>
    %mul3A = vector.broadcast %convert_element_type3A_5 : vector<1x6400xbf16> to vector<16x6400xbf16>
    %mul3A_10 = arith.mulf %convert_element_type3A_9, %mul3A : vector<16x6400xbf16>
    %get3A_11 = arith.constant 0 : index
    %get3A_12 = arith.constant 0 : index
    %get3A_13 = vector.load %arg2[%get3A_11, %get3A_12] : memref<6400x128xf32, #tpu.memory_space<vmem>>, vector<6400x128xf32>
    %convert_element_type3A_14 = arith.truncf %get3A_13 : vector<6400x128xf32> to vector<6400x128xbf16>
    %get3A_15 = arith.constant 0 : index
    %get3A_16 = arith.constant 0 : index
    %get3A_17 = vector.load %arg6[%get3A_15, %get3A_16] : memref<128x256xbf16, #tpu.memory_space<vmem>>, vector<128x256xbf16>
    %dot_general3A = arith.constant dense<0.000000e+00> : vector<6400x256xf32>
    %dot_general3A_18 = tpu.matmul %convert_element_type3A_14, %get3A_17, %dot_general3A {dimension_numbers = #tpu.dot_dimension_numbers<[1], [0], [0], [1], [0, 0, 1, 1], [], []>, transpose_lhs_hint = false} : vector<6400x128xbf16>, vector<128x256xbf16>, vector<6400x256xf32> -> vector<6400x256xf32>
    %get3A_19 = arith.constant 0 : index
    %get3A_20 = arith.constant 0 : index
    %get3A_21 = vector.load %arg7[%get3A_19, %get3A_20] : memref<16x256xbf16, #tpu.memory_space<vmem>>, vector<16x256xbf16>
    %dot_general3A_22 = arith.constant dense<0.000000e+00> : vector<6400x256xf32>
    %dot_general3A_23 = tpu.matmul %mul3A_10, %get3A_21, %dot_general3A_22 {dimension_numbers = #tpu.dot_dimension_numbers<[0], [0], [1], [1], [0, 1, 1, 1], [], []>, transpose_lhs_hint = false} : vector<16x6400xbf16>, vector<16x256xbf16>, vector<6400x256xf32> -> vector<6400x256xf32>
    %add3A = arith.addf %dot_general3A_18, %dot_general3A_23 : vector<6400x256xf32>
    %get3A_24 = arith.constant 0 : index
    %get3A_25 = arith.constant 0 : index
    %get3A_26 = vector.load %arg1[%get3A_24, %get3A_25] : memref<200x256xf32, #tpu.memory_space<vmem>>, vector<200x256xf32>
    %get3A_27 = arith.constant 0 : index
    %get3A_28 = arith.constant 0 : index
    %get3A_29 = vector.load %arg8[%get3A_27, %get3A_28] : memref<1x256xf32, #tpu.memory_space<vmem>>, vector<1x256xf32>
    %mul3A_30 = vector.broadcast %get3A_29 : vector<1x256xf32> to vector<200x256xf32>
    %mul3A_31 = arith.mulf %get3A_26, %mul3A_30 : vector<200x256xf32>
    %get3A_32 = arith.constant 0 : index
    %get3A_33 = arith.constant 0 : index
    %get3A_34 = vector.load %arg9[%get3A_32, %get3A_33] : memref<1x256xf32, #tpu.memory_space<vmem>>, vector<1x256xf32>
    %add3A_35 = vector.broadcast %get3A_34 : vector<1x256xf32> to vector<200x256xf32>
    %add3A_36 = arith.addf %mul3A_31, %add3A_35 : vector<200x256xf32>
    %broadcast_in_dim3A = vector.shape_cast %add3A_36 : vector<200x256xf32> to vector<200x1x256xf32>
    %broadcast_in_dim3A_37 = vector.shape_cast %broadcast_in_dim3A : vector<200x1x256xf32> to vector<200x1x256xf32>
    %broadcast_in_dim3A_38 = vector.broadcast %broadcast_in_dim3A_37 : vector<200x1x256xf32> to vector<200x32x256xf32>
    %reshape3A = vector.shape_cast %broadcast_in_dim3A_38 : vector<200x32x256xf32> to vector<6400x256xf32>
    %add3A_39 = arith.addf %reshape3A, %add3A : vector<6400x256xf32>
    %slice3A = vector.extract_strided_slice %add3A_39 {offsets = [0, 0], sizes = [6400, 128], strides = [1, 1]} : vector<6400x256xf32> to vector<6400x128xf32>
    %logistic3A = arith.negf %slice3A : vector<6400x128xf32>
    %logistic3A_40 = math.exp %logistic3A : vector<6400x128xf32>
    %logistic3A_41 = arith.constant 1.000000e+00 : f32
    %logistic3A_42 = vector.broadcast %logistic3A_41 : f32 to vector<6400x128xf32>
    %logistic3A_43 = arith.addf %logistic3A_42, %logistic3A_40 : vector<6400x128xf32>
    %logistic3A_44 = arith.divf %logistic3A_42, %logistic3A_43 : vector<6400x128xf32>
    %slice3A_45 = vector.extract_strided_slice %add3A_39 {offsets = [0, 128], sizes = [6400, 128], strides = [1, 1]} : vector<6400x256xf32> to vector<6400x128xf32>
    %custom_jvp_call3A = arith.constant 0.000000e+00 : f32
    %max3A = vector.broadcast %custom_jvp_call3A : f32 to vector<6400x128xf32>
    %max3A_46 = arith.maximumf %slice3A_45, %max3A : vector<6400x128xf32>
    %sub3A = vector.broadcast %custom_jvp_call3A : f32 to vector<6400x128xf32>
    %sub3A_47 = arith.subf %slice3A_45, %sub3A : vector<6400x128xf32>
    %ne3A_48 = arith.cmpf one, %sub3A_47, %sub3A_47 : vector<6400x128xf32>
    %add3A_49 = vector.broadcast %custom_jvp_call3A : f32 to vector<6400x128xf32>
    %add3A_50 = arith.addf %slice3A_45, %add3A_49 : vector<6400x128xf32>
    %abs3A = math.absf %sub3A_47 : vector<6400x128xf32>
    %neg3A = arith.constant 0.000000e+00 : f32
    %neg3A_51 = vector.broadcast %neg3A : f32 to vector<6400x128xf32>
    %neg3A_52 = arith.subf %neg3A_51, %abs3A : vector<6400x128xf32>
    %exp3A = math.exp %neg3A_52 : vector<6400x128xf32>
    %log1p3A = math.log1p %exp3A : vector<6400x128xf32>
    %add3A_53 = arith.addf %max3A_46, %log1p3A : vector<6400x128xf32>
    %select_n3A = arith.select %ne3A_48, %add3A_50, %add3A_53 : vector<6400x128xi1>, vector<6400x128xf32>
    %mul3A_54 = arith.mulf %logistic3A_44, %select_n3A : vector<6400x128xf32>
    %reshape3A_55 = vector.shape_cast %mul3A_54 : vector<6400x128xf32> to vector<200x32x128xf32>
    %reduce_sum3A = arith.constant dense<0.000000e+00> : vector<200x128xf32>
    %reduce_sum3A_56 = vector.multi_reduction <add>, %reshape3A_55, %reduce_sum3A [1] : vector<200x32x128xf32> to vector<200x128xf32>
    %get3A_57 = arith.constant 0 : index
    %get3A_58 = arith.constant 0 : index
    %get3A_59 = vector.load %arg5[%get3A_57, %get3A_58] : memref<200x32xi32, #tpu.memory_space<vmem>>, vector<200x32xi32>
    %eq3A = arith.constant 0 : i32
    %eq3A_60 = vector.broadcast %eq3A : i32 to vector<200x32xi32>
    %eq3A_61 = arith.cmpi eq, %get3A_59, %eq3A_60 : vector<200x32xi32>
    %convert_element_type3A_62 = arith.extui %eq3A_61 : vector<200x32xi1> to vector<200x32xi32>
    %convert_element_type3A_63 = arith.sitofp %convert_element_type3A_62 : vector<200x32xi32> to vector<200x32xf32>
    %reduce_sum3A_64 = arith.constant dense<0.000000e+00> : vector<200xf32>
    %reduce_sum3A_65 = vector.multi_reduction <add>, %convert_element_type3A_63, %reduce_sum3A_64 [1] : vector<200x32xf32> to vector<200xf32>
    %broadcast_in_dim3A_66 = vector.shape_cast %reduce_sum3A_65 : vector<200xf32> to vector<200x1xf32>
    %slice3A_67 = vector.extract_strided_slice %add3A_36 {offsets = [0, 0], sizes = [200, 128], strides = [1, 1]} : vector<200x256xf32> to vector<200x128xf32>
    %logistic3A_68 = arith.negf %slice3A_67 : vector<200x128xf32>
    %logistic3A_69 = math.exp %logistic3A_68 : vector<200x128xf32>
    %logistic3A_70 = arith.constant 1.000000e+00 : f32
    %logistic3A_71 = vector.broadcast %logistic3A_70 : f32 to vector<200x128xf32>
    %logistic3A_72 = arith.addf %logistic3A_71, %logistic3A_69 : vector<200x128xf32>
    %logistic3A_73 = arith.divf %logistic3A_71, %logistic3A_72 : vector<200x128xf32>
    %slice3A_74 = vector.extract_strided_slice %add3A_36 {offsets = [0, 128], sizes = [200, 128], strides = [1, 1]} : vector<200x256xf32> to vector<200x128xf32>
    %custom_jvp_call3A_75 = arith.constant 0.000000e+00 : f32
    %max3A_76 = vector.broadcast %custom_jvp_call3A_75 : f32 to vector<200x128xf32>
    %max3A_77 = arith.maximumf %slice3A_74, %max3A_76 : vector<200x128xf32>
    %sub3A_78 = vector.broadcast %custom_jvp_call3A_75 : f32 to vector<200x128xf32>
    %sub3A_79 = arith.subf %slice3A_74, %sub3A_78 : vector<200x128xf32>
    %ne3A_80 = arith.cmpf one, %sub3A_79, %sub3A_79 : vector<200x128xf32>
    %add3A_81 = vector.broadcast %custom_jvp_call3A_75 : f32 to vector<200x128xf32>
    %add3A_82 = arith.addf %slice3A_74, %add3A_81 : vector<200x128xf32>
    %abs3A_83 = math.absf %sub3A_79 : vector<200x128xf32>
    %neg3A_84 = arith.constant 0.000000e+00 : f32
    %neg3A_85 = vector.broadcast %neg3A_84 : f32 to vector<200x128xf32>
    %neg3A_86 = arith.subf %neg3A_85, %abs3A_83 : vector<200x128xf32>
    %exp3A_87 = math.exp %neg3A_86 : vector<200x128xf32>
    %log1p3A_88 = math.log1p %exp3A_87 : vector<200x128xf32>
    %add3A_89 = arith.addf %max3A_77, %log1p3A_88 : vector<200x128xf32>
    %select_n3A_90 = arith.select %ne3A_80, %add3A_82, %add3A_89 : vector<200x128xi1>, vector<200x128xf32>
    %mul3A_91 = arith.mulf %logistic3A_73, %select_n3A_90 : vector<200x128xf32>
    %mul3A_92 = vector.broadcast %broadcast_in_dim3A_66 : vector<200x1xf32> to vector<200x128xf32>
    %mul3A_93 = arith.mulf %mul3A_92, %mul3A_91 : vector<200x128xf32>
    %sub3A_94 = arith.subf %reduce_sum3A_56, %mul3A_93 : vector<200x128xf32>
    %swap3A = arith.constant 0 : index
    %swap3A_95 = arith.constant 0 : index
    %swap3A_96 = vector.load %arg10[%swap3A, %swap3A_95] : memref<200x128xf32, #tpu.memory_space<vmem>>, vector<200x128xf32>
    tpu.vector_store %arg10[%swap3A, %swap3A_95], %sub3A_94 {strides = array<i32>} : memref<200x128xf32, #tpu.memory_space<vmem>>, vector<200x128xf32>,
    %eq3A_97 = arith.constant 0 : i32
    %eq3A_98 = arith.cmpi eq, %arg0, %eq3A_97 : i32
    %convert_element_type3A_99 = arith.extui %eq3A_98 : i1 to i32
    %cond3A = arith.constant 0 : i32
    %cond3A_100 = arith.cmpi ne, %convert_element_type3A_99, %cond3A : i32
    scf.if %cond3A_100 {
      %broadcast_in_dim3A_122 = arith.constant 0.000000e+00 : f32
      %broadcast_in_dim3A_123 = vector.broadcast %broadcast_in_dim3A_122 : f32 to vector<1x128xf32>
      %swap3A_124 = arith.constant 0 : index
      %swap3A_125 = arith.constant 0 : index
      %swap3A_126 = vector.load %arg11[%swap3A_124, %swap3A_125] : memref<1x128xf32, #tpu.memory_space<vmem>>, vector<1x128xf32>
      tpu.vector_store %arg11[%swap3A_124, %swap3A_125], %broadcast_in_dim3A_123 {strides = array<i32>} : memref<1x128xf32, #tpu.memory_space<vmem>>, vector<1x128xf32>,
      %broadcast_in_dim3A_127 = arith.constant 0.000000e+00 : f32
      %broadcast_in_dim3A_128 = vector.broadcast %broadcast_in_dim3A_127 : f32 to vector<1x128xf32>
      %swap3A_129 = arith.constant 0 : index
      %swap3A_130 = arith.constant 0 : index
      %swap3A_131 = vector.load %arg12[%swap3A_129, %swap3A_130] : memref<1x128xf32, #tpu.memory_space<vmem>>, vector<1x128xf32>
      tpu.vector_store %arg12[%swap3A_129, %swap3A_130], %broadcast_in_dim3A_128 {strides = array<i32>} : memref<1x128xf32, #tpu.memory_space<vmem>>, vector<1x128xf32>,
    } else {
    }
    %get3A_101 = arith.constant 0 : index
    %get3A_102 = arith.constant 0 : index
    %get3A_103 = vector.load %arg11[%get3A_101, %get3A_102] : memref<1x128xf32, #tpu.memory_space<vmem>>, vector<1x128xf32>
    %reduce_sum3A_104 = arith.constant dense<0.000000e+00> : vector<128xf32>
    %reduce_sum3A_105 = vector.multi_reduction <add>, %sub3A_94, %reduce_sum3A_104 [0] : vector<200x128xf32> to vector<128xf32>
    %broadcast_in_dim3A_106 = vector.shape_cast %reduce_sum3A_105 : vector<128xf32> to vector<1x128xf32>
    %add3A_107 = arith.addf %get3A_103, %broadcast_in_dim3A_106 : vector<1x128xf32>
    %swap3A_108 = arith.constant 0 : index
    %swap3A_109 = arith.constant 0 : index
    %swap3A_110 = vector.load %arg11[%swap3A_108, %swap3A_109] : memref<1x128xf32, #tpu.memory_space<vmem>>, vector<1x128xf32>
    tpu.vector_store %arg11[%swap3A_108, %swap3A_109], %add3A_107 {strides = array<i32>} : memref<1x128xf32, #tpu.memory_space<vmem>>, vector<1x128xf32>,
    %get3A_111 = arith.constant 0 : index
    %get3A_112 = arith.constant 0 : index
    %get3A_113 = vector.load %arg12[%get3A_111, %get3A_112] : memref<1x128xf32, #tpu.memory_space<vmem>>, vector<1x128xf32>
    %mul3A_114 = arith.mulf %sub3A_94, %sub3A_94 : vector<200x128xf32>
    %reduce_sum3A_115 = arith.constant dense<0.000000e+00> : vector<128xf32>
    %reduce_sum3A_116 = vector.multi_reduction <add>, %mul3A_114, %reduce_sum3A_115 [0] : vector<200x128xf32> to vector<128xf32>
    %broadcast_in_dim3A_117 = vector.shape_cast %reduce_sum3A_116 : vector<128xf32> to vector<1x128xf32>
    %add3A_118 = arith.addf %get3A_113, %broadcast_in_dim3A_117 : vector<1x128xf32>
    %swap3A_119 = arith.constant 0 : index
    %swap3A_120 = arith.constant 0 : index
    %swap3A_121 = vector.load %arg12[%swap3A_119, %swap3A_120] : memref<1x128xf32, #tpu.memory_space<vmem>>, vector<1x128xf32>
    tpu.vector_store %arg12[%swap3A_119, %swap3A_120], %add3A_118 {strides = array<i32>} : memref<1x128xf32, #tpu.memory_space<vmem>>, vector<1x128xf32>,
    return
  }
  func.func @transform_0(%arg0: i32) -> (i32, i32) {
    %c0_i32 = arith.constant 0 : i32
    %c0_i32_0 = arith.constant 0 : i32
    return %arg0, %c0_i32 : i32, i32
  }
  func.func @transform_1(%arg0: i32) -> (i32, i32) {
    %c0_i32 = arith.constant 0 : i32
    %c0_i32_0 = arith.constant 0 : i32
    return %arg0, %c0_i32 : i32, i32
  }
  func.func @transform_2(%arg0: i32) -> (i32, i32) {
    %add3A = arith.constant 0 : i32
    %add3A_0 = arith.addi %arg0, %add3A : i32
    %c0_i32 = arith.constant 0 : i32
    %c0_i32_1 = arith.constant 0 : i32
    return %c0_i32, %add3A_0 : i32, i32
  }
  func.func @transform_3(%arg0: i32) -> (i32, i32) {
    %add3A = arith.constant 0 : i32
    %add3A_0 = arith.addi %arg0, %add3A : i32
    %c0_i32 = arith.constant 0 : i32
    %c0_i32_1 = arith.constant 0 : i32
    return %c0_i32, %add3A_0 : i32, i32
  }
  func.func @transform_4(%arg0: i32) -> (i32, i32) {
    %add3A = arith.constant 0 : i32
    %add3A_0 = arith.addi %arg0, %add3A : i32
    %c0_i32 = arith.constant 0 : i32
    %c0_i32_1 = arith.constant 0 : i32
    return %add3A_0, %c0_i32 : i32, i32
  }
  func.func @transform_5(%arg0: i32) -> (i32, i32) {
    %c0_i32 = arith.constant 0 : i32
    %c0_i32_0 = arith.constant 0 : i32
    %c0_i32_1 = arith.constant 0 : i32
    return %c0_i32, %c0_i32_0 : i32, i32
  }
  func.func @transform_6(%arg0: i32) -> (i32, i32) {
    %c0_i32 = arith.constant 0 : i32
    %c0_i32_0 = arith.constant 0 : i32
    %c0_i32_1 = arith.constant 0 : i32
    return %c0_i32, %c0_i32_0 : i32, i32
  }
  func.func @transform_7(%arg0: i32) -> (i32, i32) {
    %c0_i32 = arith.constant 0 : i32
    %c0_i32_0 = arith.constant 0 : i32
    %c0_i32_1 = arith.constant 0 : i32
    return %c0_i32, %c0_i32_0 : i32, i32
  }
  func.func @transform_8(%arg0: i32) -> (i32, i32) {
    %c0_i32 = arith.constant 0 : i32
    %c0_i32_0 = arith.constant 0 : i32
    %c0_i32_1 = arith.constant 0 : i32
    return %c0_i32, %c0_i32_0 : i32, i32
  }
  func.func @transform_9(%arg0: i32) -> (i32, i32) {
    %c0_i32 = arith.constant 0 : i32
    %c0_i32_0 = arith.constant 0 : i32
    return %arg0, %c0_i32 : i32, i32
  }
  func.func @transform_10(%arg0: i32) -> (i32, i32) {
    %c0_i32 = arith.constant 0 : i32
    %c0_i32_0 = arith.constant 0 : i32
    %c0_i32_1 = arith.constant 0 : i32
    return %c0_i32, %c0_i32_0 : i32, i32
  }
  func.func @transform_11(%arg0: i32) -> (i32, i32) {
    %c0_i32 = arith.constant 0 : i32
    %c0_i32_0 = arith.constant 0 : i32
    %c0_i32_1 = arith.constant 0 : i32
    return %c0_i32, %c0_i32_0 : i32, i32
  }
}

module attributes {stable_mosaic.version = 14 : i64} {
  func.func @_main_body(%arg0: i32, %arg1: memref<200x256xf32, #tpu.memory_space<vmem>>, %arg2: memref<6400x128xf32, #tpu.memory_space<vmem>>, %arg3: memref<16x6400xf32, #tpu.memory_space<vmem>>, %arg4: memref<1x6400xi32, #tpu.memory_space<vmem>>, %arg5: memref<200x32xi32, #tpu.memory_space<vmem>>, %arg6: memref<128x256xbf16, #tpu.memory_space<vmem>>, %arg7: memref<16x256xbf16, #tpu.memory_space<vmem>>, %arg8: memref<1x256xf32, #tpu.memory_space<vmem>>, %arg9: memref<1x256xf32, #tpu.memory_space<vmem>>, %arg10: memref<200x128xf32, #tpu.memory_space<vmem>>, %arg11: memref<1x128xf32, #tpu.memory_space<vmem>>, %arg12: memref<1x128xf32, #tpu.memory_space<vmem>>) attributes {dimension_semantics = [#tpu.dimension_semantics<arbitrary>], iteration_bounds = array<i64: 10>, scalar_prefetch = 0 : i64, scratch_operands = 0 : i64, tpu.core_type = #tpu.core_type<tc>, window_params = [{transform_indices = @transform_0, window_bounds = array<i64: 200, 256>}, {transform_indices = @transform_1, window_bounds = array<i64: 6400, 128>}, {transform_indices = @transform_2, window_bounds = array<i64: 16, 6400>}, {transform_indices = @transform_3, window_bounds = array<i64: 1, 6400>}, {transform_indices = @transform_4, window_bounds = array<i64: 200, 32>}, {pipeline_mode = #tpu.pipeline_mode<synchronous>, transform_indices = @transform_5, window_bounds = array<i64: 128, 256>}, {pipeline_mode = #tpu.pipeline_mode<synchronous>, transform_indices = @transform_6, window_bounds = array<i64: 16, 256>}, {pipeline_mode = #tpu.pipeline_mode<synchronous>, transform_indices = @transform_7, window_bounds = array<i64: 1, 256>}, {pipeline_mode = #tpu.pipeline_mode<synchronous>, transform_indices = @transform_8, window_bounds = array<i64: 1, 256>}, {transform_indices = @transform_9, window_bounds = array<i64: 200, 128>}, {pipeline_mode = #tpu.pipeline_mode<synchronous>, transform_indices = @transform_10, window_bounds = array<i64: 1, 128>}, {pipeline_mode = #tpu.pipeline_mode<synchronous>, transform_indices = @transform_11, window_bounds = array<i64: 1, 128>}]} {
    %get3A = arith.constant 0 : index
    %get3A_0 = arith.constant 0 : index
    %get3A_1 = vector.load %arg4[%get3A, %get3A_0] : memref<1x6400xi32, #tpu.memory_space<vmem>>, vector<1x6400xi32>
    %ne3A = arith.constant 0 : i32
    %ne3A_2 = vector.broadcast %ne3A : i32 to vector<1x6400xi32>
    %ne3A_3 = arith.cmpi ne, %get3A_1, %ne3A_2 : vector<1x6400xi32>
    %convert_element_type3A = arith.extui %ne3A_3 : vector<1x6400xi1> to vector<1x6400xi32>
    %convert_element_type3A_4 = arith.sitofp %convert_element_type3A : vector<1x6400xi32> to vector<1x6400xf32>
    %convert_element_type3A_5 = arith.truncf %convert_element_type3A_4 : vector<1x6400xf32> to vector<1x6400xbf16>
    %get3A_6 = arith.constant 0 : index
    %get3A_7 = arith.constant 0 : index
    %get3A_8 = vector.load %arg3[%get3A_6, %get3A_7] : memref<16x6400xf32, #tpu.memory_space<vmem>>, vector<16x6400xf32>
    %convert_element_type3A_9 = arith.truncf %get3A_8 : vector<16x6400xf32> to vector<16x6400xbf16>
    %mul3A = vector.broadcast %convert_element_type3A_5 : vector<1x6400xbf16> to vector<16x6400xbf16>
    %mul3A_10 = arith.mulf %convert_element_type3A_9, %mul3A : vector<16x6400xbf16>
    %get3A_11 = arith.constant 0 : index
    %get3A_12 = arith.constant 0 : index
    %get3A_13 = vector.load %arg2[%get3A_11, %get3A_12] : memref<6400x128xf32, #tpu.memory_space<vmem>>, vector<6400x128xf32>
    %convert_element_type3A_14 = arith.truncf %get3A_13 : vector<6400x128xf32> to vector<6400x128xbf16>
    %get3A_15 = arith.constant 0 : index
    %get3A_16 = arith.constant 0 : index
    %get3A_17 = vector.load %arg6[%get3A_15, %get3A_16] : memref<128x256xbf16, #tpu.memory_space<vmem>>, vector<128x256xbf16>
    %dot_general3A = arith.constant dense<0.000000e+00> : vector<6400x256xf32>
    %dot_general3A_18 = tpu.matmul %convert_element_type3A_14, %get3A_17, %dot_general3A {dimension_numbers = #tpu.dot_dimension_numbers<[1], [0], [0], [1], [0, 0, 1, 1], [], []>, transpose_lhs_hint = false} : vector<6400x128xbf16>, vector<128x256xbf16>, vector<6400x256xf32> -> vector<6400x256xf32>
    %get3A_19 = arith.constant 0 : index
    %get3A_20 = arith.constant 0 : index
    %get3A_21 = vector.load %arg7[%get3A_19, %get3A_20] : memref<16x256xbf16, #tpu.memory_space<vmem>>, vector<16x256xbf16>
    %dot_general3A_22 = arith.constant dense<0.000000e+00> : vector<6400x256xf32>
    %dot_general3A_23 = tpu.matmul %mul3A_10, %get3A_21, %dot_general3A_22 {dimension_numbers = #tpu.dot_dimension_numbers<[0], [0], [1], [1], [0, 1, 1, 1], [], []>, transpose_lhs_hint = false} : vector<16x6400xbf16>, vector<16x256xbf16>, vector<6400x256xf32> -> vector<6400x256xf32>
    %add3A = arith.addf %dot_general3A_18, %dot_general3A_23 : vector<6400x256xf32>
    %get3A_24 = arith.constant 0 : index
    %get3A_25 = arith.constant 0 : index
    %get3A_26 = vector.load %arg1[%get3A_24, %get3A_25] : memref<200x256xf32, #tpu.memory_space<vmem>>, vector<200x256xf32>
    %get3A_27 = arith.constant 0 : index
    %get3A_28 = arith.constant 0 : index
    %get3A_29 = vector.load %arg8[%get3A_27, %get3A_28] : memref<1x256xf32, #tpu.memory_space<vmem>>, vector<1x256xf32>
    %mul3A_30 = vector.broadcast %get3A_29 : vector<1x256xf32> to vector<200x256xf32>
    %mul3A_31 = arith.mulf %get3A_26, %mul3A_30 : vector<200x256xf32>
    %get3A_32 = arith.constant 0 : index
    %get3A_33 = arith.constant 0 : index
    %get3A_34 = vector.load %arg9[%get3A_32, %get3A_33] : memref<1x256xf32, #tpu.memory_space<vmem>>, vector<1x256xf32>
    %add3A_35 = vector.broadcast %get3A_34 : vector<1x256xf32> to vector<200x256xf32>
    %add3A_36 = arith.addf %mul3A_31, %add3A_35 : vector<200x256xf32>
    %broadcast_in_dim3A = vector.shape_cast %add3A_36 : vector<200x256xf32> to vector<200x1x256xf32>
    %broadcast_in_dim3A_37 = vector.shape_cast %broadcast_in_dim3A : vector<200x1x256xf32> to vector<200x1x256xf32>
    %broadcast_in_dim3A_38 = vector.broadcast %broadcast_in_dim3A_37 : vector<200x1x256xf32> to vector<200x32x256xf32>
    %reshape3A = vector.shape_cast %broadcast_in_dim3A_38 : vector<200x32x256xf32> to vector<6400x256xf32>
    %add3A_39 = arith.addf %reshape3A, %add3A : vector<6400x256xf32>
    %slice3A = vector.extract_strided_slice %add3A_39 {offsets = [0, 0], sizes = [6400, 128], strides = [1, 1]} : vector<6400x256xf32> to vector<6400x128xf32>
    %logistic3A = arith.negf %slice3A : vector<6400x128xf32>
    %logistic3A_40 = math.exp %logistic3A : vector<6400x128xf32>
    %logistic3A_41 = arith.constant 1.000000e+00 : f32
    %logistic3A_42 = vector.broadcast %logistic3A_41 : f32 to vector<6400x128xf32>
    %logistic3A_43 = arith.addf %logistic3A_42, %logistic3A_40 : vector<6400x128xf32>
    %logistic3A_44 = arith.divf %logistic3A_42, %logistic3A_43 : vector<6400x128xf32>
    %slice3A_45 = vector.extract_strided_slice %add3A_39 {offsets = [0, 128], sizes = [6400, 128], strides = [1, 1]} : vector<6400x256xf32> to vector<6400x128xf32>
    %custom_jvp_call3A = arith.constant 0.000000e+00 : f32
    %max3A = vector.broadcast %custom_jvp_call3A : f32 to vector<6400x128xf32>
    %max3A_46 = arith.maximumf %slice3A_45, %max3A : vector<6400x128xf32>
    %sub3A = vector.broadcast %custom_jvp_call3A : f32 to vector<6400x128xf32>
    %sub3A_47 = arith.subf %slice3A_45, %sub3A : vector<6400x128xf32>
    %ne3A_48 = arith.cmpf one, %sub3A_47, %sub3A_47 : vector<6400x128xf32>
    %add3A_49 = vector.broadcast %custom_jvp_call3A : f32 to vector<6400x128xf32>
    %add3A_50 = arith.addf %slice3A_45, %add3A_49 : vector<6400x128xf32>
    %abs3A = math.absf %sub3A_47 : vector<6400x128xf32>
    %neg3A = arith.constant 0.000000e+00 : f32
    %neg3A_51 = vector.broadcast %neg3A : f32 to vector<6400x128xf32>
    %neg3A_52 = arith.subf %neg3A_51, %abs3A : vector<6400x128xf32>
    %exp3A = math.exp %neg3A_52 : vector<6400x128xf32>
    %log1p3A = math.log1p %exp3A : vector<6400x128xf32>
    %add3A_53 = arith.addf %max3A_46, %log1p3A : vector<6400x128xf32>
    %select_n3A = arith.select %ne3A_48, %add3A_50, %add3A_53 : vector<6400x128xi1>, vector<6400x128xf32>
    %mul3A_54 = arith.mulf %logistic3A_44, %select_n3A : vector<6400x128xf32>
    %reshape3A_55 = vector.shape_cast %mul3A_54 : vector<6400x128xf32> to vector<200x32x128xf32>
    %reduce_sum3A = arith.constant dense<0.000000e+00> : vector<200x128xf32>
    %reduce_sum3A_56 = vector.multi_reduction <add>, %reshape3A_55, %reduce_sum3A [1] : vector<200x32x128xf32> to vector<200x128xf32>
    %get3A_57 = arith.constant 0 : index
    %get3A_58 = arith.constant 0 : index
    %get3A_59 = vector.load %arg5[%get3A_57, %get3A_58] : memref<200x32xi32, #tpu.memory_space<vmem>>, vector<200x32xi32>
    %eq3A = arith.constant 0 : i32
    %eq3A_60 = vector.broadcast %eq3A : i32 to vector<200x32xi32>
    %eq3A_61 = arith.cmpi eq, %get3A_59, %eq3A_60 : vector<200x32xi32>
    %convert_element_type3A_62 = arith.extui %eq3A_61 : vector<200x32xi1> to vector<200x32xi32>
    %convert_element_type3A_63 = arith.sitofp %convert_element_type3A_62 : vector<200x32xi32> to vector<200x32xf32>
    %reduce_sum3A_64 = arith.constant dense<0.000000e+00> : vector<200xf32>
    %reduce_sum3A_65 = vector.multi_reduction <add>, %convert_element_type3A_63, %reduce_sum3A_64 [1] : vector<200x32xf32> to vector<200xf32>
    %broadcast_in_dim3A_66 = vector.shape_cast %reduce_sum3A_65 : vector<200xf32> to vector<200x1xf32>
    %slice3A_67 = vector.extract_strided_slice %add3A_36 {offsets = [0, 0], sizes = [200, 128], strides = [1, 1]} : vector<200x256xf32> to vector<200x128xf32>
    %logistic3A_68 = arith.negf %slice3A_67 : vector<200x128xf32>
    %logistic3A_69 = math.exp %logistic3A_68 : vector<200x128xf32>
    %logistic3A_70 = arith.constant 1.000000e+00 : f32
    %logistic3A_71 = vector.broadcast %logistic3A_70 : f32 to vector<200x128xf32>
    %logistic3A_72 = arith.addf %logistic3A_71, %logistic3A_69 : vector<200x128xf32>
    %logistic3A_73 = arith.divf %logistic3A_71, %logistic3A_72 : vector<200x128xf32>
    %slice3A_74 = vector.extract_strided_slice %add3A_36 {offsets = [0, 128], sizes = [200, 128], strides = [1, 1]} : vector<200x256xf32> to vector<200x128xf32>
    %custom_jvp_call3A_75 = arith.constant 0.000000e+00 : f32
    %max3A_76 = vector.broadcast %custom_jvp_call3A_75 : f32 to vector<200x128xf32>
    %max3A_77 = arith.maximumf %slice3A_74, %max3A_76 : vector<200x128xf32>
    %sub3A_78 = vector.broadcast %custom_jvp_call3A_75 : f32 to vector<200x128xf32>
    %sub3A_79 = arith.subf %slice3A_74, %sub3A_78 : vector<200x128xf32>
    %ne3A_80 = arith.cmpf one, %sub3A_79, %sub3A_79 : vector<200x128xf32>
    %add3A_81 = vector.broadcast %custom_jvp_call3A_75 : f32 to vector<200x128xf32>
    %add3A_82 = arith.addf %slice3A_74, %add3A_81 : vector<200x128xf32>
    %abs3A_83 = math.absf %sub3A_79 : vector<200x128xf32>
    %neg3A_84 = arith.constant 0.000000e+00 : f32
    %neg3A_85 = vector.broadcast %neg3A_84 : f32 to vector<200x128xf32>
    %neg3A_86 = arith.subf %neg3A_85, %abs3A_83 : vector<200x128xf32>
    %exp3A_87 = math.exp %neg3A_86 : vector<200x128xf32>
    %log1p3A_88 = math.log1p %exp3A_87 : vector<200x128xf32>
    %add3A_89 = arith.addf %max3A_77, %log1p3A_88 : vector<200x128xf32>
    %select_n3A_90 = arith.select %ne3A_80, %add3A_82, %add3A_89 : vector<200x128xi1>, vector<200x128xf32>
    %mul3A_91 = arith.mulf %logistic3A_73, %select_n3A_90 : vector<200x128xf32>
    %mul3A_92 = vector.broadcast %broadcast_in_dim3A_66 : vector<200x1xf32> to vector<200x128xf32>
    %mul3A_93 = arith.mulf %mul3A_92, %mul3A_91 : vector<200x128xf32>
    %sub3A_94 = arith.subf %reduce_sum3A_56, %mul3A_93 : vector<200x128xf32>
    %swap3A = arith.constant 0 : index
    %swap3A_95 = arith.constant 0 : index
    %swap3A_96 = vector.load %arg10[%swap3A, %swap3A_95] : memref<200x128xf32, #tpu.memory_space<vmem>>, vector<200x128xf32>
    tpu.vector_store %arg10[%swap3A, %swap3A_95], %sub3A_94 {strides = array<i32>} : memref<200x128xf32, #tpu.memory_space<vmem>>, vector<200x128xf32>,
    %eq3A_97 = arith.constant 0 : i32
    %eq3A_98 = arith.cmpi eq, %arg0, %eq3A_97 : i32
    %convert_element_type3A_99 = arith.extui %eq3A_98 : i1 to i32
    %cond3A = arith.constant 0 : i32
    %cond3A_100 = arith.cmpi ne, %convert_element_type3A_99, %cond3A : i32
    scf.if %cond3A_100 {
      %broadcast_in_dim3A_122 = arith.constant 0.000000e+00 : f32
      %broadcast_in_dim3A_123 = vector.broadcast %broadcast_in_dim3A_122 : f32 to vector<1x128xf32>
      %swap3A_124 = arith.constant 0 : index
      %swap3A_125 = arith.constant 0 : index
      %swap3A_126 = vector.load %arg11[%swap3A_124, %swap3A_125] : memref<1x128xf32, #tpu.memory_space<vmem>>, vector<1x128xf32>
      tpu.vector_store %arg11[%swap3A_124, %swap3A_125], %broadcast_in_dim3A_123 {strides = array<i32>} : memref<1x128xf32, #tpu.memory_space<vmem>>, vector<1x128xf32>,
      %broadcast_in_dim3A_127 = arith.constant 0.000000e+00 : f32
      %broadcast_in_dim3A_128 = vector.broadcast %broadcast_in_dim3A_127 : f32 to vector<1x128xf32>
      %swap3A_129 = arith.constant 0 : index
      %swap3A_130 = arith.constant 0 : index
      %swap3A_131 = vector.load %arg12[%swap3A_129, %swap3A_130] : memref<1x128xf32, #tpu.memory_space<vmem>>, vector<1x128xf32>
      tpu.vector_store %arg12[%swap3A_129, %swap3A_130], %broadcast_in_dim3A_128 {strides = array<i32>} : memref<1x128xf32, #tpu.memory_space<vmem>>, vector<1x128xf32>,
    } else {
    }
    %get3A_101 = arith.constant 0 : index
    %get3A_102 = arith.constant 0 : index
    %get3A_103 = vector.load %arg11[%get3A_101, %get3A_102] : memref<1x128xf32, #tpu.memory_space<vmem>>, vector<1x128xf32>
    %reduce_sum3A_104 = arith.constant dense<0.000000e+00> : vector<128xf32>
    %reduce_sum3A_105 = vector.multi_reduction <add>, %sub3A_94, %reduce_sum3A_104 [0] : vector<200x128xf32> to vector<128xf32>
    %broadcast_in_dim3A_106 = vector.shape_cast %reduce_sum3A_105 : vector<128xf32> to vector<1x128xf32>
    %add3A_107 = arith.addf %get3A_103, %broadcast_in_dim3A_106 : vector<1x128xf32>
    %swap3A_108 = arith.constant 0 : index
    %swap3A_109 = arith.constant 0 : index
    %swap3A_110 = vector.load %arg11[%swap3A_108, %swap3A_109] : memref<1x128xf32, #tpu.memory_space<vmem>>, vector<1x128xf32>
    tpu.vector_store %arg11[%swap3A_108, %swap3A_109], %add3A_107 {strides = array<i32>} : memref<1x128xf32, #tpu.memory_space<vmem>>, vector<1x128xf32>,
    %get3A_111 = arith.constant 0 : index
    %get3A_112 = arith.constant 0 : index
    %get3A_113 = vector.load %arg12[%get3A_111, %get3A_112] : memref<1x128xf32, #tpu.memory_space<vmem>>, vector<1x128xf32>
    %mul3A_114 = arith.mulf %sub3A_94, %sub3A_94 : vector<200x128xf32>
    %reduce_sum3A_115 = arith.constant dense<0.000000e+00> : vector<128xf32>
    %reduce_sum3A_116 = vector.multi_reduction <add>, %mul3A_114, %reduce_sum3A_115 [0] : vector<200x128xf32> to vector<128xf32>
    %broadcast_in_dim3A_117 = vector.shape_cast %reduce_sum3A_116 : vector<128xf32> to vector<1x128xf32>
    %add3A_118 = arith.addf %get3A_113, %broadcast_in_dim3A_117 : vector<1x128xf32>
    %swap3A_119 = arith.constant 0 : index
    %swap3A_120 = arith.constant 0 : index
    %swap3A_121 = vector.load %arg12[%swap3A_119, %swap3A_120] : memref<1x128xf32, #tpu.memory_space<vmem>>, vector<1x128xf32>
    tpu.vector_store %arg12[%swap3A_119, %swap3A_120], %add3A_118 {strides = array<i32>} : memref<1x128xf32, #tpu.memory_space<vmem>>, vector<1x128xf32>,
    return
  }
  func.func @transform_0(%arg0: i32) -> (i32, i32) {
    %c0_i32 = arith.constant 0 : i32
    %c0_i32_0 = arith.constant 0 : i32
    return %arg0, %c0_i32 : i32, i32
  }
  func.func @transform_1(%arg0: i32) -> (i32, i32) {
    %c0_i32 = arith.constant 0 : i32
    %c0_i32_0 = arith.constant 0 : i32
    return %arg0, %c0_i32 : i32, i32
  }
  func.func @transform_2(%arg0: i32) -> (i32, i32) {
    %add3A = arith.constant 10 : i32
    %add3A_0 = arith.addi %arg0, %add3A : i32
    %c0_i32 = arith.constant 0 : i32
    %c0_i32_1 = arith.constant 0 : i32
    return %c0_i32, %add3A_0 : i32, i32
  }
  func.func @transform_3(%arg0: i32) -> (i32, i32) {
    %add3A = arith.constant 10 : i32
    %add3A_0 = arith.addi %arg0, %add3A : i32
    %c0_i32 = arith.constant 0 : i32
    %c0_i32_1 = arith.constant 0 : i32
    return %c0_i32, %add3A_0 : i32, i32
  }
  func.func @transform_4(%arg0: i32) -> (i32, i32) {
    %add3A = arith.constant 10 : i32
    %add3A_0 = arith.addi %arg0, %add3A : i32
    %c0_i32 = arith.constant 0 : i32
    %c0_i32_1 = arith.constant 0 : i32
    return %add3A_0, %c0_i32 : i32, i32
  }
  func.func @transform_5(%arg0: i32) -> (i32, i32) {
    %c0_i32 = arith.constant 0 : i32
    %c0_i32_0 = arith.constant 0 : i32
    %c0_i32_1 = arith.constant 0 : i32
    return %c0_i32, %c0_i32_0 : i32, i32
  }
  func.func @transform_6(%arg0: i32) -> (i32, i32) {
    %c0_i32 = arith.constant 0 : i32
    %c0_i32_0 = arith.constant 0 : i32
    %c0_i32_1 = arith.constant 0 : i32
    return %c0_i32, %c0_i32_0 : i32, i32
  }
  func.func @transform_7(%arg0: i32) -> (i32, i32) {
    %c0_i32 = arith.constant 0 : i32
    %c0_i32_0 = arith.constant 0 : i32
    %c0_i32_1 = arith.constant 0 : i32
    return %c0_i32, %c0_i32_0 : i32, i32
  }
  func.func @transform_8(%arg0: i32) -> (i32, i32) {
    %c0_i32 = arith.constant 0 : i32
    %c0_i32_0 = arith.constant 0 : i32
    %c0_i32_1 = arith.constant 0 : i32
    return %c0_i32, %c0_i32_0 : i32, i32
  }
  func.func @transform_9(%arg0: i32) -> (i32, i32) {
    %c0_i32 = arith.constant 0 : i32
    %c0_i32_0 = arith.constant 0 : i32
    return %arg0, %c0_i32 : i32, i32
  }
  func.func @transform_10(%arg0: i32) -> (i32, i32) {
    %c0_i32 = arith.constant 0 : i32
    %c0_i32_0 = arith.constant 0 : i32
    %c0_i32_1 = arith.constant 0 : i32
    return %c0_i32, %c0_i32_0 : i32, i32
  }
  func.func @transform_11(%arg0: i32) -> (i32, i32) {
    %c0_i32 = arith.constant 0 : i32
    %c0_i32_0 = arith.constant 0 : i32
    %c0_i32_1 = arith.constant 0 : i32
    return %c0_i32, %c0_i32_0 : i32, i32
  }
}

module attributes {stable_mosaic.version = 14 : i64} {
  func.func @_main_body(%arg0: i32, %arg1: memref<200x256xf32, #tpu.memory_space<vmem>>, %arg2: memref<6400x128xf32, #tpu.memory_space<vmem>>, %arg3: memref<16x6400xf32, #tpu.memory_space<vmem>>, %arg4: memref<1x6400xi32, #tpu.memory_space<vmem>>, %arg5: memref<200x32xi32, #tpu.memory_space<vmem>>, %arg6: memref<128x256xbf16, #tpu.memory_space<vmem>>, %arg7: memref<16x256xbf16, #tpu.memory_space<vmem>>, %arg8: memref<1x256xf32, #tpu.memory_space<vmem>>, %arg9: memref<1x256xf32, #tpu.memory_space<vmem>>, %arg10: memref<200x128xf32, #tpu.memory_space<vmem>>, %arg11: memref<1x128xf32, #tpu.memory_space<vmem>>, %arg12: memref<1x128xf32, #tpu.memory_space<vmem>>) attributes {dimension_semantics = [#tpu.dimension_semantics<arbitrary>], iteration_bounds = array<i64: 10>, scalar_prefetch = 0 : i64, scratch_operands = 0 : i64, tpu.core_type = #tpu.core_type<tc>, window_params = [{transform_indices = @transform_0, window_bounds = array<i64: 200, 256>}, {transform_indices = @transform_1, window_bounds = array<i64: 6400, 128>}, {transform_indices = @transform_2, window_bounds = array<i64: 16, 6400>}, {transform_indices = @transform_3, window_bounds = array<i64: 1, 6400>}, {transform_indices = @transform_4, window_bounds = array<i64: 200, 32>}, {pipeline_mode = #tpu.pipeline_mode<synchronous>, transform_indices = @transform_5, window_bounds = array<i64: 128, 256>}, {pipeline_mode = #tpu.pipeline_mode<synchronous>, transform_indices = @transform_6, window_bounds = array<i64: 16, 256>}, {pipeline_mode = #tpu.pipeline_mode<synchronous>, transform_indices = @transform_7, window_bounds = array<i64: 1, 256>}, {pipeline_mode = #tpu.pipeline_mode<synchronous>, transform_indices = @transform_8, window_bounds = array<i64: 1, 256>}, {transform_indices = @transform_9, window_bounds = array<i64: 200, 128>}, {pipeline_mode = #tpu.pipeline_mode<synchronous>, transform_indices = @transform_10, window_bounds = array<i64: 1, 128>}, {pipeline_mode = #tpu.pipeline_mode<synchronous>, transform_indices = @transform_11, window_bounds = array<i64: 1, 128>}]} {
    %get3A = arith.constant 0 : index
    %get3A_0 = arith.constant 0 : index
    %get3A_1 = vector.load %arg4[%get3A, %get3A_0] : memref<1x6400xi32, #tpu.memory_space<vmem>>, vector<1x6400xi32>
    %ne3A = arith.constant 0 : i32
    %ne3A_2 = vector.broadcast %ne3A : i32 to vector<1x6400xi32>
    %ne3A_3 = arith.cmpi ne, %get3A_1, %ne3A_2 : vector<1x6400xi32>
    %convert_element_type3A = arith.extui %ne3A_3 : vector<1x6400xi1> to vector<1x6400xi32>
    %convert_element_type3A_4 = arith.sitofp %convert_element_type3A : vector<1x6400xi32> to vector<1x6400xf32>
    %convert_element_type3A_5 = arith.truncf %convert_element_type3A_4 : vector<1x6400xf32> to vector<1x6400xbf16>
    %get3A_6 = arith.constant 0 : index
    %get3A_7 = arith.constant 0 : index
    %get3A_8 = vector.load %arg3[%get3A_6, %get3A_7] : memref<16x6400xf32, #tpu.memory_space<vmem>>, vector<16x6400xf32>
    %convert_element_type3A_9 = arith.truncf %get3A_8 : vector<16x6400xf32> to vector<16x6400xbf16>
    %mul3A = vector.broadcast %convert_element_type3A_5 : vector<1x6400xbf16> to vector<16x6400xbf16>
    %mul3A_10 = arith.mulf %convert_element_type3A_9, %mul3A : vector<16x6400xbf16>
    %get3A_11 = arith.constant 0 : index
    %get3A_12 = arith.constant 0 : index
    %get3A_13 = vector.load %arg2[%get3A_11, %get3A_12] : memref<6400x128xf32, #tpu.memory_space<vmem>>, vector<6400x128xf32>
    %convert_element_type3A_14 = arith.truncf %get3A_13 : vector<6400x128xf32> to vector<6400x128xbf16>
    %get3A_15 = arith.constant 0 : index
    %get3A_16 = arith.constant 0 : index
    %get3A_17 = vector.load %arg6[%get3A_15, %get3A_16] : memref<128x256xbf16, #tpu.memory_space<vmem>>, vector<128x256xbf16>
    %dot_general3A = arith.constant dense<0.000000e+00> : vector<6400x256xf32>
    %dot_general3A_18 = tpu.matmul %convert_element_type3A_14, %get3A_17, %dot_general3A {dimension_numbers = #tpu.dot_dimension_numbers<[1], [0], [0], [1], [0, 0, 1, 1], [], []>, transpose_lhs_hint = false} : vector<6400x128xbf16>, vector<128x256xbf16>, vector<6400x256xf32> -> vector<6400x256xf32>
    %get3A_19 = arith.constant 0 : index
    %get3A_20 = arith.constant 0 : index
    %get3A_21 = vector.load %arg7[%get3A_19, %get3A_20] : memref<16x256xbf16, #tpu.memory_space<vmem>>, vector<16x256xbf16>
    %dot_general3A_22 = arith.constant dense<0.000000e+00> : vector<6400x256xf32>
    %dot_general3A_23 = tpu.matmul %mul3A_10, %get3A_21, %dot_general3A_22 {dimension_numbers = #tpu.dot_dimension_numbers<[0], [0], [1], [1], [0, 1, 1, 1], [], []>, transpose_lhs_hint = false} : vector<16x6400xbf16>, vector<16x256xbf16>, vector<6400x256xf32> -> vector<6400x256xf32>
    %add3A = arith.addf %dot_general3A_18, %dot_general3A_23 : vector<6400x256xf32>
    %get3A_24 = arith.constant 0 : index
    %get3A_25 = arith.constant 0 : index
    %get3A_26 = vector.load %arg1[%get3A_24, %get3A_25] : memref<200x256xf32, #tpu.memory_space<vmem>>, vector<200x256xf32>
    %get3A_27 = arith.constant 0 : index
    %get3A_28 = arith.constant 0 : index
    %get3A_29 = vector.load %arg8[%get3A_27, %get3A_28] : memref<1x256xf32, #tpu.memory_space<vmem>>, vector<1x256xf32>
    %mul3A_30 = vector.broadcast %get3A_29 : vector<1x256xf32> to vector<200x256xf32>
    %mul3A_31 = arith.mulf %get3A_26, %mul3A_30 : vector<200x256xf32>
    %get3A_32 = arith.constant 0 : index
    %get3A_33 = arith.constant 0 : index
    %get3A_34 = vector.load %arg9[%get3A_32, %get3A_33] : memref<1x256xf32, #tpu.memory_space<vmem>>, vector<1x256xf32>
    %add3A_35 = vector.broadcast %get3A_34 : vector<1x256xf32> to vector<200x256xf32>
    %add3A_36 = arith.addf %mul3A_31, %add3A_35 : vector<200x256xf32>
    %broadcast_in_dim3A = vector.shape_cast %add3A_36 : vector<200x256xf32> to vector<200x1x256xf32>
    %broadcast_in_dim3A_37 = vector.shape_cast %broadcast_in_dim3A : vector<200x1x256xf32> to vector<200x1x256xf32>
    %broadcast_in_dim3A_38 = vector.broadcast %broadcast_in_dim3A_37 : vector<200x1x256xf32> to vector<200x32x256xf32>
    %reshape3A = vector.shape_cast %broadcast_in_dim3A_38 : vector<200x32x256xf32> to vector<6400x256xf32>
    %add3A_39 = arith.addf %reshape3A, %add3A : vector<6400x256xf32>
    %slice3A = vector.extract_strided_slice %add3A_39 {offsets = [0, 0], sizes = [6400, 128], strides = [1, 1]} : vector<6400x256xf32> to vector<6400x128xf32>
    %logistic3A = arith.negf %slice3A : vector<6400x128xf32>
    %logistic3A_40 = math.exp %logistic3A : vector<6400x128xf32>
    %logistic3A_41 = arith.constant 1.000000e+00 : f32
    %logistic3A_42 = vector.broadcast %logistic3A_41 : f32 to vector<6400x128xf32>
    %logistic3A_43 = arith.addf %logistic3A_42, %logistic3A_40 : vector<6400x128xf32>
    %logistic3A_44 = arith.divf %logistic3A_42, %logistic3A_43 : vector<6400x128xf32>
    %slice3A_45 = vector.extract_strided_slice %add3A_39 {offsets = [0, 128], sizes = [6400, 128], strides = [1, 1]} : vector<6400x256xf32> to vector<6400x128xf32>
    %custom_jvp_call3A = arith.constant 0.000000e+00 : f32
    %max3A = vector.broadcast %custom_jvp_call3A : f32 to vector<6400x128xf32>
    %max3A_46 = arith.maximumf %slice3A_45, %max3A : vector<6400x128xf32>
    %sub3A = vector.broadcast %custom_jvp_call3A : f32 to vector<6400x128xf32>
    %sub3A_47 = arith.subf %slice3A_45, %sub3A : vector<6400x128xf32>
    %ne3A_48 = arith.cmpf one, %sub3A_47, %sub3A_47 : vector<6400x128xf32>
    %add3A_49 = vector.broadcast %custom_jvp_call3A : f32 to vector<6400x128xf32>
    %add3A_50 = arith.addf %slice3A_45, %add3A_49 : vector<6400x128xf32>
    %abs3A = math.absf %sub3A_47 : vector<6400x128xf32>
    %neg3A = arith.constant 0.000000e+00 : f32
    %neg3A_51 = vector.broadcast %neg3A : f32 to vector<6400x128xf32>
    %neg3A_52 = arith.subf %neg3A_51, %abs3A : vector<6400x128xf32>
    %exp3A = math.exp %neg3A_52 : vector<6400x128xf32>
    %log1p3A = math.log1p %exp3A : vector<6400x128xf32>
    %add3A_53 = arith.addf %max3A_46, %log1p3A : vector<6400x128xf32>
    %select_n3A = arith.select %ne3A_48, %add3A_50, %add3A_53 : vector<6400x128xi1>, vector<6400x128xf32>
    %mul3A_54 = arith.mulf %logistic3A_44, %select_n3A : vector<6400x128xf32>
    %reshape3A_55 = vector.shape_cast %mul3A_54 : vector<6400x128xf32> to vector<200x32x128xf32>
    %reduce_sum3A = arith.constant dense<0.000000e+00> : vector<200x128xf32>
    %reduce_sum3A_56 = vector.multi_reduction <add>, %reshape3A_55, %reduce_sum3A [1] : vector<200x32x128xf32> to vector<200x128xf32>
    %get3A_57 = arith.constant 0 : index
    %get3A_58 = arith.constant 0 : index
    %get3A_59 = vector.load %arg5[%get3A_57, %get3A_58] : memref<200x32xi32, #tpu.memory_space<vmem>>, vector<200x32xi32>
    %eq3A = arith.constant 0 : i32
    %eq3A_60 = vector.broadcast %eq3A : i32 to vector<200x32xi32>
    %eq3A_61 = arith.cmpi eq, %get3A_59, %eq3A_60 : vector<200x32xi32>
    %convert_element_type3A_62 = arith.extui %eq3A_61 : vector<200x32xi1> to vector<200x32xi32>
    %convert_element_type3A_63 = arith.sitofp %convert_element_type3A_62 : vector<200x32xi32> to vector<200x32xf32>
    %reduce_sum3A_64 = arith.constant dense<0.000000e+00> : vector<200xf32>
    %reduce_sum3A_65 = vector.multi_reduction <add>, %convert_element_type3A_63, %reduce_sum3A_64 [1] : vector<200x32xf32> to vector<200xf32>
    %broadcast_in_dim3A_66 = vector.shape_cast %reduce_sum3A_65 : vector<200xf32> to vector<200x1xf32>
    %slice3A_67 = vector.extract_strided_slice %add3A_36 {offsets = [0, 0], sizes = [200, 128], strides = [1, 1]} : vector<200x256xf32> to vector<200x128xf32>
    %logistic3A_68 = arith.negf %slice3A_67 : vector<200x128xf32>
    %logistic3A_69 = math.exp %logistic3A_68 : vector<200x128xf32>
    %logistic3A_70 = arith.constant 1.000000e+00 : f32
    %logistic3A_71 = vector.broadcast %logistic3A_70 : f32 to vector<200x128xf32>
    %logistic3A_72 = arith.addf %logistic3A_71, %logistic3A_69 : vector<200x128xf32>
    %logistic3A_73 = arith.divf %logistic3A_71, %logistic3A_72 : vector<200x128xf32>
    %slice3A_74 = vector.extract_strided_slice %add3A_36 {offsets = [0, 128], sizes = [200, 128], strides = [1, 1]} : vector<200x256xf32> to vector<200x128xf32>
    %custom_jvp_call3A_75 = arith.constant 0.000000e+00 : f32
    %max3A_76 = vector.broadcast %custom_jvp_call3A_75 : f32 to vector<200x128xf32>
    %max3A_77 = arith.maximumf %slice3A_74, %max3A_76 : vector<200x128xf32>
    %sub3A_78 = vector.broadcast %custom_jvp_call3A_75 : f32 to vector<200x128xf32>
    %sub3A_79 = arith.subf %slice3A_74, %sub3A_78 : vector<200x128xf32>
    %ne3A_80 = arith.cmpf one, %sub3A_79, %sub3A_79 : vector<200x128xf32>
    %add3A_81 = vector.broadcast %custom_jvp_call3A_75 : f32 to vector<200x128xf32>
    %add3A_82 = arith.addf %slice3A_74, %add3A_81 : vector<200x128xf32>
    %abs3A_83 = math.absf %sub3A_79 : vector<200x128xf32>
    %neg3A_84 = arith.constant 0.000000e+00 : f32
    %neg3A_85 = vector.broadcast %neg3A_84 : f32 to vector<200x128xf32>
    %neg3A_86 = arith.subf %neg3A_85, %abs3A_83 : vector<200x128xf32>
    %exp3A_87 = math.exp %neg3A_86 : vector<200x128xf32>
    %log1p3A_88 = math.log1p %exp3A_87 : vector<200x128xf32>
    %add3A_89 = arith.addf %max3A_77, %log1p3A_88 : vector<200x128xf32>
    %select_n3A_90 = arith.select %ne3A_80, %add3A_82, %add3A_89 : vector<200x128xi1>, vector<200x128xf32>
    %mul3A_91 = arith.mulf %logistic3A_73, %select_n3A_90 : vector<200x128xf32>
    %mul3A_92 = vector.broadcast %broadcast_in_dim3A_66 : vector<200x1xf32> to vector<200x128xf32>
    %mul3A_93 = arith.mulf %mul3A_92, %mul3A_91 : vector<200x128xf32>
    %sub3A_94 = arith.subf %reduce_sum3A_56, %mul3A_93 : vector<200x128xf32>
    %swap3A = arith.constant 0 : index
    %swap3A_95 = arith.constant 0 : index
    %swap3A_96 = vector.load %arg10[%swap3A, %swap3A_95] : memref<200x128xf32, #tpu.memory_space<vmem>>, vector<200x128xf32>
    tpu.vector_store %arg10[%swap3A, %swap3A_95], %sub3A_94 {strides = array<i32>} : memref<200x128xf32, #tpu.memory_space<vmem>>, vector<200x128xf32>,
    %eq3A_97 = arith.constant 0 : i32
    %eq3A_98 = arith.cmpi eq, %arg0, %eq3A_97 : i32
    %convert_element_type3A_99 = arith.extui %eq3A_98 : i1 to i32
    %cond3A = arith.constant 0 : i32
    %cond3A_100 = arith.cmpi ne, %convert_element_type3A_99, %cond3A : i32
    scf.if %cond3A_100 {
      %broadcast_in_dim3A_122 = arith.constant 0.000000e+00 : f32
      %broadcast_in_dim3A_123 = vector.broadcast %broadcast_in_dim3A_122 : f32 to vector<1x128xf32>
      %swap3A_124 = arith.constant 0 : index
      %swap3A_125 = arith.constant 0 : index
      %swap3A_126 = vector.load %arg11[%swap3A_124, %swap3A_125] : memref<1x128xf32, #tpu.memory_space<vmem>>, vector<1x128xf32>
      tpu.vector_store %arg11[%swap3A_124, %swap3A_125], %broadcast_in_dim3A_123 {strides = array<i32>} : memref<1x128xf32, #tpu.memory_space<vmem>>, vector<1x128xf32>,
      %broadcast_in_dim3A_127 = arith.constant 0.000000e+00 : f32
      %broadcast_in_dim3A_128 = vector.broadcast %broadcast_in_dim3A_127 : f32 to vector<1x128xf32>
      %swap3A_129 = arith.constant 0 : index
      %swap3A_130 = arith.constant 0 : index
      %swap3A_131 = vector.load %arg12[%swap3A_129, %swap3A_130] : memref<1x128xf32, #tpu.memory_space<vmem>>, vector<1x128xf32>
      tpu.vector_store %arg12[%swap3A_129, %swap3A_130], %broadcast_in_dim3A_128 {strides = array<i32>} : memref<1x128xf32, #tpu.memory_space<vmem>>, vector<1x128xf32>,
    } else {
    }
    %get3A_101 = arith.constant 0 : index
    %get3A_102 = arith.constant 0 : index
    %get3A_103 = vector.load %arg11[%get3A_101, %get3A_102] : memref<1x128xf32, #tpu.memory_space<vmem>>, vector<1x128xf32>
    %reduce_sum3A_104 = arith.constant dense<0.000000e+00> : vector<128xf32>
    %reduce_sum3A_105 = vector.multi_reduction <add>, %sub3A_94, %reduce_sum3A_104 [0] : vector<200x128xf32> to vector<128xf32>
    %broadcast_in_dim3A_106 = vector.shape_cast %reduce_sum3A_105 : vector<128xf32> to vector<1x128xf32>
    %add3A_107 = arith.addf %get3A_103, %broadcast_in_dim3A_106 : vector<1x128xf32>
    %swap3A_108 = arith.constant 0 : index
    %swap3A_109 = arith.constant 0 : index
    %swap3A_110 = vector.load %arg11[%swap3A_108, %swap3A_109] : memref<1x128xf32, #tpu.memory_space<vmem>>, vector<1x128xf32>
    tpu.vector_store %arg11[%swap3A_108, %swap3A_109], %add3A_107 {strides = array<i32>} : memref<1x128xf32, #tpu.memory_space<vmem>>, vector<1x128xf32>,
    %get3A_111 = arith.constant 0 : index
    %get3A_112 = arith.constant 0 : index
    %get3A_113 = vector.load %arg12[%get3A_111, %get3A_112] : memref<1x128xf32, #tpu.memory_space<vmem>>, vector<1x128xf32>
    %mul3A_114 = arith.mulf %sub3A_94, %sub3A_94 : vector<200x128xf32>
    %reduce_sum3A_115 = arith.constant dense<0.000000e+00> : vector<128xf32>
    %reduce_sum3A_116 = vector.multi_reduction <add>, %mul3A_114, %reduce_sum3A_115 [0] : vector<200x128xf32> to vector<128xf32>
    %broadcast_in_dim3A_117 = vector.shape_cast %reduce_sum3A_116 : vector<128xf32> to vector<1x128xf32>
    %add3A_118 = arith.addf %get3A_113, %broadcast_in_dim3A_117 : vector<1x128xf32>
    %swap3A_119 = arith.constant 0 : index
    %swap3A_120 = arith.constant 0 : index
    %swap3A_121 = vector.load %arg12[%swap3A_119, %swap3A_120] : memref<1x128xf32, #tpu.memory_space<vmem>>, vector<1x128xf32>
    tpu.vector_store %arg12[%swap3A_119, %swap3A_120], %add3A_118 {strides = array<i32>} : memref<1x128xf32, #tpu.memory_space<vmem>>, vector<1x128xf32>,
    return
  }
  func.func @transform_0(%arg0: i32) -> (i32, i32) {
    %c0_i32 = arith.constant 0 : i32
    %c0_i32_0 = arith.constant 0 : i32
    return %arg0, %c0_i32 : i32, i32
  }
  func.func @transform_1(%arg0: i32) -> (i32, i32) {
    %c0_i32 = arith.constant 0 : i32
    %c0_i32_0 = arith.constant 0 : i32
    return %arg0, %c0_i32 : i32, i32
  }
  func.func @transform_2(%arg0: i32) -> (i32, i32) {
    %add3A = arith.constant 20 : i32
    %add3A_0 = arith.addi %arg0, %add3A : i32
    %c0_i32 = arith.constant 0 : i32
    %c0_i32_1 = arith.constant 0 : i32
    return %c0_i32, %add3A_0 : i32, i32
  }
  func.func @transform_3(%arg0: i32) -> (i32, i32) {
    %add3A = arith.constant 20 : i32
    %add3A_0 = arith.addi %arg0, %add3A : i32
    %c0_i32 = arith.constant 0 : i32
    %c0_i32_1 = arith.constant 0 : i32
    return %c0_i32, %add3A_0 : i32, i32
  }
  func.func @transform_4(%arg0: i32) -> (i32, i32) {
    %add3A = arith.constant 20 : i32
    %add3A_0 = arith.addi %arg0, %add3A : i32
    %c0_i32 = arith.constant 0 : i32
    %c0_i32_1 = arith.constant 0 : i32
    return %add3A_0, %c0_i32 : i32, i32
  }
  func.func @transform_5(%arg0: i32) -> (i32, i32) {
    %c0_i32 = arith.constant 0 : i32
    %c0_i32_0 = arith.constant 0 : i32
    %c0_i32_1 = arith.constant 0 : i32
    return %c0_i32, %c0_i32_0 : i32, i32
  }
  func.func @transform_6(%arg0: i32) -> (i32, i32) {
    %c0_i32 = arith.constant 0 : i32
    %c0_i32_0 = arith.constant 0 : i32
    %c0_i32_1 = arith.constant 0 : i32
    return %c0_i32, %c0_i32_0 : i32, i32
  }
  func.func @transform_7(%arg0: i32) -> (i32, i32) {
    %c0_i32 = arith.constant 0 : i32
    %c0_i32_0 = arith.constant 0 : i32
    %c0_i32_1 = arith.constant 0 : i32
    return %c0_i32, %c0_i32_0 : i32, i32
  }
  func.func @transform_8(%arg0: i32) -> (i32, i32) {
    %c0_i32 = arith.constant 0 : i32
    %c0_i32_0 = arith.constant 0 : i32
    %c0_i32_1 = arith.constant 0 : i32
    return %c0_i32, %c0_i32_0 : i32, i32
  }
  func.func @transform_9(%arg0: i32) -> (i32, i32) {
    %c0_i32 = arith.constant 0 : i32
    %c0_i32_0 = arith.constant 0 : i32
    return %arg0, %c0_i32 : i32, i32
  }
  func.func @transform_10(%arg0: i32) -> (i32, i32) {
    %c0_i32 = arith.constant 0 : i32
    %c0_i32_0 = arith.constant 0 : i32
    %c0_i32_1 = arith.constant 0 : i32
    return %c0_i32, %c0_i32_0 : i32, i32
  }
  func.func @transform_11(%arg0: i32) -> (i32, i32) {
    %c0_i32 = arith.constant 0 : i32
    %c0_i32_0 = arith.constant 0 : i32
    %c0_i32_1 = arith.constant 0 : i32
    return %c0_i32, %c0_i32_0 : i32, i32
  }
}

module attributes {stable_mosaic.version = 14 : i64} {
  func.func @_main_body(%arg0: i32, %arg1: memref<200x256xf32, #tpu.memory_space<vmem>>, %arg2: memref<6400x128xf32, #tpu.memory_space<vmem>>, %arg3: memref<16x6400xf32, #tpu.memory_space<vmem>>, %arg4: memref<1x6400xi32, #tpu.memory_space<vmem>>, %arg5: memref<200x32xi32, #tpu.memory_space<vmem>>, %arg6: memref<128x256xbf16, #tpu.memory_space<vmem>>, %arg7: memref<16x256xbf16, #tpu.memory_space<vmem>>, %arg8: memref<1x256xf32, #tpu.memory_space<vmem>>, %arg9: memref<1x256xf32, #tpu.memory_space<vmem>>, %arg10: memref<200x128xf32, #tpu.memory_space<vmem>>, %arg11: memref<1x128xf32, #tpu.memory_space<vmem>>, %arg12: memref<1x128xf32, #tpu.memory_space<vmem>>) attributes {dimension_semantics = [#tpu.dimension_semantics<arbitrary>], iteration_bounds = array<i64: 10>, scalar_prefetch = 0 : i64, scratch_operands = 0 : i64, tpu.core_type = #tpu.core_type<tc>, window_params = [{transform_indices = @transform_0, window_bounds = array<i64: 200, 256>}, {transform_indices = @transform_1, window_bounds = array<i64: 6400, 128>}, {transform_indices = @transform_2, window_bounds = array<i64: 16, 6400>}, {transform_indices = @transform_3, window_bounds = array<i64: 1, 6400>}, {transform_indices = @transform_4, window_bounds = array<i64: 200, 32>}, {pipeline_mode = #tpu.pipeline_mode<synchronous>, transform_indices = @transform_5, window_bounds = array<i64: 128, 256>}, {pipeline_mode = #tpu.pipeline_mode<synchronous>, transform_indices = @transform_6, window_bounds = array<i64: 16, 256>}, {pipeline_mode = #tpu.pipeline_mode<synchronous>, transform_indices = @transform_7, window_bounds = array<i64: 1, 256>}, {pipeline_mode = #tpu.pipeline_mode<synchronous>, transform_indices = @transform_8, window_bounds = array<i64: 1, 256>}, {transform_indices = @transform_9, window_bounds = array<i64: 200, 128>}, {pipeline_mode = #tpu.pipeline_mode<synchronous>, transform_indices = @transform_10, window_bounds = array<i64: 1, 128>}, {pipeline_mode = #tpu.pipeline_mode<synchronous>, transform_indices = @transform_11, window_bounds = array<i64: 1, 128>}]} {
    %get3A = arith.constant 0 : index
    %get3A_0 = arith.constant 0 : index
    %get3A_1 = vector.load %arg4[%get3A, %get3A_0] : memref<1x6400xi32, #tpu.memory_space<vmem>>, vector<1x6400xi32>
    %ne3A = arith.constant 0 : i32
    %ne3A_2 = vector.broadcast %ne3A : i32 to vector<1x6400xi32>
    %ne3A_3 = arith.cmpi ne, %get3A_1, %ne3A_2 : vector<1x6400xi32>
    %convert_element_type3A = arith.extui %ne3A_3 : vector<1x6400xi1> to vector<1x6400xi32>
    %convert_element_type3A_4 = arith.sitofp %convert_element_type3A : vector<1x6400xi32> to vector<1x6400xf32>
    %convert_element_type3A_5 = arith.truncf %convert_element_type3A_4 : vector<1x6400xf32> to vector<1x6400xbf16>
    %get3A_6 = arith.constant 0 : index
    %get3A_7 = arith.constant 0 : index
    %get3A_8 = vector.load %arg3[%get3A_6, %get3A_7] : memref<16x6400xf32, #tpu.memory_space<vmem>>, vector<16x6400xf32>
    %convert_element_type3A_9 = arith.truncf %get3A_8 : vector<16x6400xf32> to vector<16x6400xbf16>
    %mul3A = vector.broadcast %convert_element_type3A_5 : vector<1x6400xbf16> to vector<16x6400xbf16>
    %mul3A_10 = arith.mulf %convert_element_type3A_9, %mul3A : vector<16x6400xbf16>
    %get3A_11 = arith.constant 0 : index
    %get3A_12 = arith.constant 0 : index
    %get3A_13 = vector.load %arg2[%get3A_11, %get3A_12] : memref<6400x128xf32, #tpu.memory_space<vmem>>, vector<6400x128xf32>
    %convert_element_type3A_14 = arith.truncf %get3A_13 : vector<6400x128xf32> to vector<6400x128xbf16>
    %get3A_15 = arith.constant 0 : index
    %get3A_16 = arith.constant 0 : index
    %get3A_17 = vector.load %arg6[%get3A_15, %get3A_16] : memref<128x256xbf16, #tpu.memory_space<vmem>>, vector<128x256xbf16>
    %dot_general3A = arith.constant dense<0.000000e+00> : vector<6400x256xf32>
    %dot_general3A_18 = tpu.matmul %convert_element_type3A_14, %get3A_17, %dot_general3A {dimension_numbers = #tpu.dot_dimension_numbers<[1], [0], [0], [1], [0, 0, 1, 1], [], []>, transpose_lhs_hint = false} : vector<6400x128xbf16>, vector<128x256xbf16>, vector<6400x256xf32> -> vector<6400x256xf32>
    %get3A_19 = arith.constant 0 : index
    %get3A_20 = arith.constant 0 : index
    %get3A_21 = vector.load %arg7[%get3A_19, %get3A_20] : memref<16x256xbf16, #tpu.memory_space<vmem>>, vector<16x256xbf16>
    %dot_general3A_22 = arith.constant dense<0.000000e+00> : vector<6400x256xf32>
    %dot_general3A_23 = tpu.matmul %mul3A_10, %get3A_21, %dot_general3A_22 {dimension_numbers = #tpu.dot_dimension_numbers<[0], [0], [1], [1], [0, 1, 1, 1], [], []>, transpose_lhs_hint = false} : vector<16x6400xbf16>, vector<16x256xbf16>, vector<6400x256xf32> -> vector<6400x256xf32>
    %add3A = arith.addf %dot_general3A_18, %dot_general3A_23 : vector<6400x256xf32>
    %get3A_24 = arith.constant 0 : index
    %get3A_25 = arith.constant 0 : index
    %get3A_26 = vector.load %arg1[%get3A_24, %get3A_25] : memref<200x256xf32, #tpu.memory_space<vmem>>, vector<200x256xf32>
    %get3A_27 = arith.constant 0 : index
    %get3A_28 = arith.constant 0 : index
    %get3A_29 = vector.load %arg8[%get3A_27, %get3A_28] : memref<1x256xf32, #tpu.memory_space<vmem>>, vector<1x256xf32>
    %mul3A_30 = vector.broadcast %get3A_29 : vector<1x256xf32> to vector<200x256xf32>
    %mul3A_31 = arith.mulf %get3A_26, %mul3A_30 : vector<200x256xf32>
    %get3A_32 = arith.constant 0 : index
    %get3A_33 = arith.constant 0 : index
    %get3A_34 = vector.load %arg9[%get3A_32, %get3A_33] : memref<1x256xf32, #tpu.memory_space<vmem>>, vector<1x256xf32>
    %add3A_35 = vector.broadcast %get3A_34 : vector<1x256xf32> to vector<200x256xf32>
    %add3A_36 = arith.addf %mul3A_31, %add3A_35 : vector<200x256xf32>
    %broadcast_in_dim3A = vector.shape_cast %add3A_36 : vector<200x256xf32> to vector<200x1x256xf32>
    %broadcast_in_dim3A_37 = vector.shape_cast %broadcast_in_dim3A : vector<200x1x256xf32> to vector<200x1x256xf32>
    %broadcast_in_dim3A_38 = vector.broadcast %broadcast_in_dim3A_37 : vector<200x1x256xf32> to vector<200x32x256xf32>
    %reshape3A = vector.shape_cast %broadcast_in_dim3A_38 : vector<200x32x256xf32> to vector<6400x256xf32>
    %add3A_39 = arith.addf %reshape3A, %add3A : vector<6400x256xf32>
    %slice3A = vector.extract_strided_slice %add3A_39 {offsets = [0, 0], sizes = [6400, 128], strides = [1, 1]} : vector<6400x256xf32> to vector<6400x128xf32>
    %logistic3A = arith.negf %slice3A : vector<6400x128xf32>
    %logistic3A_40 = math.exp %logistic3A : vector<6400x128xf32>
    %logistic3A_41 = arith.constant 1.000000e+00 : f32
    %logistic3A_42 = vector.broadcast %logistic3A_41 : f32 to vector<6400x128xf32>
    %logistic3A_43 = arith.addf %logistic3A_42, %logistic3A_40 : vector<6400x128xf32>
    %logistic3A_44 = arith.divf %logistic3A_42, %logistic3A_43 : vector<6400x128xf32>
    %slice3A_45 = vector.extract_strided_slice %add3A_39 {offsets = [0, 128], sizes = [6400, 128], strides = [1, 1]} : vector<6400x256xf32> to vector<6400x128xf32>
    %custom_jvp_call3A = arith.constant 0.000000e+00 : f32
    %max3A = vector.broadcast %custom_jvp_call3A : f32 to vector<6400x128xf32>
    %max3A_46 = arith.maximumf %slice3A_45, %max3A : vector<6400x128xf32>
    %sub3A = vector.broadcast %custom_jvp_call3A : f32 to vector<6400x128xf32>
    %sub3A_47 = arith.subf %slice3A_45, %sub3A : vector<6400x128xf32>
    %ne3A_48 = arith.cmpf one, %sub3A_47, %sub3A_47 : vector<6400x128xf32>
    %add3A_49 = vector.broadcast %custom_jvp_call3A : f32 to vector<6400x128xf32>
    %add3A_50 = arith.addf %slice3A_45, %add3A_49 : vector<6400x128xf32>
    %abs3A = math.absf %sub3A_47 : vector<6400x128xf32>
    %neg3A = arith.constant 0.000000e+00 : f32
    %neg3A_51 = vector.broadcast %neg3A : f32 to vector<6400x128xf32>
    %neg3A_52 = arith.subf %neg3A_51, %abs3A : vector<6400x128xf32>
    %exp3A = math.exp %neg3A_52 : vector<6400x128xf32>
    %log1p3A = math.log1p %exp3A : vector<6400x128xf32>
    %add3A_53 = arith.addf %max3A_46, %log1p3A : vector<6400x128xf32>
    %select_n3A = arith.select %ne3A_48, %add3A_50, %add3A_53 : vector<6400x128xi1>, vector<6400x128xf32>
    %mul3A_54 = arith.mulf %logistic3A_44, %select_n3A : vector<6400x128xf32>
    %reshape3A_55 = vector.shape_cast %mul3A_54 : vector<6400x128xf32> to vector<200x32x128xf32>
    %reduce_sum3A = arith.constant dense<0.000000e+00> : vector<200x128xf32>
    %reduce_sum3A_56 = vector.multi_reduction <add>, %reshape3A_55, %reduce_sum3A [1] : vector<200x32x128xf32> to vector<200x128xf32>
    %get3A_57 = arith.constant 0 : index
    %get3A_58 = arith.constant 0 : index
    %get3A_59 = vector.load %arg5[%get3A_57, %get3A_58] : memref<200x32xi32, #tpu.memory_space<vmem>>, vector<200x32xi32>
    %eq3A = arith.constant 0 : i32
    %eq3A_60 = vector.broadcast %eq3A : i32 to vector<200x32xi32>
    %eq3A_61 = arith.cmpi eq, %get3A_59, %eq3A_60 : vector<200x32xi32>
    %convert_element_type3A_62 = arith.extui %eq3A_61 : vector<200x32xi1> to vector<200x32xi32>
    %convert_element_type3A_63 = arith.sitofp %convert_element_type3A_62 : vector<200x32xi32> to vector<200x32xf32>
    %reduce_sum3A_64 = arith.constant dense<0.000000e+00> : vector<200xf32>
    %reduce_sum3A_65 = vector.multi_reduction <add>, %convert_element_type3A_63, %reduce_sum3A_64 [1] : vector<200x32xf32> to vector<200xf32>
    %broadcast_in_dim3A_66 = vector.shape_cast %reduce_sum3A_65 : vector<200xf32> to vector<200x1xf32>
    %slice3A_67 = vector.extract_strided_slice %add3A_36 {offsets = [0, 0], sizes = [200, 128], strides = [1, 1]} : vector<200x256xf32> to vector<200x128xf32>
    %logistic3A_68 = arith.negf %slice3A_67 : vector<200x128xf32>
    %logistic3A_69 = math.exp %logistic3A_68 : vector<200x128xf32>
    %logistic3A_70 = arith.constant 1.000000e+00 : f32
    %logistic3A_71 = vector.broadcast %logistic3A_70 : f32 to vector<200x128xf32>
    %logistic3A_72 = arith.addf %logistic3A_71, %logistic3A_69 : vector<200x128xf32>
    %logistic3A_73 = arith.divf %logistic3A_71, %logistic3A_72 : vector<200x128xf32>
    %slice3A_74 = vector.extract_strided_slice %add3A_36 {offsets = [0, 128], sizes = [200, 128], strides = [1, 1]} : vector<200x256xf32> to vector<200x128xf32>
    %custom_jvp_call3A_75 = arith.constant 0.000000e+00 : f32
    %max3A_76 = vector.broadcast %custom_jvp_call3A_75 : f32 to vector<200x128xf32>
    %max3A_77 = arith.maximumf %slice3A_74, %max3A_76 : vector<200x128xf32>
    %sub3A_78 = vector.broadcast %custom_jvp_call3A_75 : f32 to vector<200x128xf32>
    %sub3A_79 = arith.subf %slice3A_74, %sub3A_78 : vector<200x128xf32>
    %ne3A_80 = arith.cmpf one, %sub3A_79, %sub3A_79 : vector<200x128xf32>
    %add3A_81 = vector.broadcast %custom_jvp_call3A_75 : f32 to vector<200x128xf32>
    %add3A_82 = arith.addf %slice3A_74, %add3A_81 : vector<200x128xf32>
    %abs3A_83 = math.absf %sub3A_79 : vector<200x128xf32>
    %neg3A_84 = arith.constant 0.000000e+00 : f32
    %neg3A_85 = vector.broadcast %neg3A_84 : f32 to vector<200x128xf32>
    %neg3A_86 = arith.subf %neg3A_85, %abs3A_83 : vector<200x128xf32>
    %exp3A_87 = math.exp %neg3A_86 : vector<200x128xf32>
    %log1p3A_88 = math.log1p %exp3A_87 : vector<200x128xf32>
    %add3A_89 = arith.addf %max3A_77, %log1p3A_88 : vector<200x128xf32>
    %select_n3A_90 = arith.select %ne3A_80, %add3A_82, %add3A_89 : vector<200x128xi1>, vector<200x128xf32>
    %mul3A_91 = arith.mulf %logistic3A_73, %select_n3A_90 : vector<200x128xf32>
    %mul3A_92 = vector.broadcast %broadcast_in_dim3A_66 : vector<200x1xf32> to vector<200x128xf32>
    %mul3A_93 = arith.mulf %mul3A_92, %mul3A_91 : vector<200x128xf32>
    %sub3A_94 = arith.subf %reduce_sum3A_56, %mul3A_93 : vector<200x128xf32>
    %swap3A = arith.constant 0 : index
    %swap3A_95 = arith.constant 0 : index
    %swap3A_96 = vector.load %arg10[%swap3A, %swap3A_95] : memref<200x128xf32, #tpu.memory_space<vmem>>, vector<200x128xf32>
    tpu.vector_store %arg10[%swap3A, %swap3A_95], %sub3A_94 {strides = array<i32>} : memref<200x128xf32, #tpu.memory_space<vmem>>, vector<200x128xf32>,
    %eq3A_97 = arith.constant 0 : i32
    %eq3A_98 = arith.cmpi eq, %arg0, %eq3A_97 : i32
    %convert_element_type3A_99 = arith.extui %eq3A_98 : i1 to i32
    %cond3A = arith.constant 0 : i32
    %cond3A_100 = arith.cmpi ne, %convert_element_type3A_99, %cond3A : i32
    scf.if %cond3A_100 {
      %broadcast_in_dim3A_122 = arith.constant 0.000000e+00 : f32
      %broadcast_in_dim3A_123 = vector.broadcast %broadcast_in_dim3A_122 : f32 to vector<1x128xf32>
      %swap3A_124 = arith.constant 0 : index
      %swap3A_125 = arith.constant 0 : index
      %swap3A_126 = vector.load %arg11[%swap3A_124, %swap3A_125] : memref<1x128xf32, #tpu.memory_space<vmem>>, vector<1x128xf32>
      tpu.vector_store %arg11[%swap3A_124, %swap3A_125], %broadcast_in_dim3A_123 {strides = array<i32>} : memref<1x128xf32, #tpu.memory_space<vmem>>, vector<1x128xf32>,
      %broadcast_in_dim3A_127 = arith.constant 0.000000e+00 : f32
      %broadcast_in_dim3A_128 = vector.broadcast %broadcast_in_dim3A_127 : f32 to vector<1x128xf32>
      %swap3A_129 = arith.constant 0 : index
      %swap3A_130 = arith.constant 0 : index
      %swap3A_131 = vector.load %arg12[%swap3A_129, %swap3A_130] : memref<1x128xf32, #tpu.memory_space<vmem>>, vector<1x128xf32>
      tpu.vector_store %arg12[%swap3A_129, %swap3A_130], %broadcast_in_dim3A_128 {strides = array<i32>} : memref<1x128xf32, #tpu.memory_space<vmem>>, vector<1x128xf32>,
    } else {
    }
    %get3A_101 = arith.constant 0 : index
    %get3A_102 = arith.constant 0 : index
    %get3A_103 = vector.load %arg11[%get3A_101, %get3A_102] : memref<1x128xf32, #tpu.memory_space<vmem>>, vector<1x128xf32>
    %reduce_sum3A_104 = arith.constant dense<0.000000e+00> : vector<128xf32>
    %reduce_sum3A_105 = vector.multi_reduction <add>, %sub3A_94, %reduce_sum3A_104 [0] : vector<200x128xf32> to vector<128xf32>
    %broadcast_in_dim3A_106 = vector.shape_cast %reduce_sum3A_105 : vector<128xf32> to vector<1x128xf32>
    %add3A_107 = arith.addf %get3A_103, %broadcast_in_dim3A_106 : vector<1x128xf32>
    %swap3A_108 = arith.constant 0 : index
    %swap3A_109 = arith.constant 0 : index
    %swap3A_110 = vector.load %arg11[%swap3A_108, %swap3A_109] : memref<1x128xf32, #tpu.memory_space<vmem>>, vector<1x128xf32>
    tpu.vector_store %arg11[%swap3A_108, %swap3A_109], %add3A_107 {strides = array<i32>} : memref<1x128xf32, #tpu.memory_space<vmem>>, vector<1x128xf32>,
    %get3A_111 = arith.constant 0 : index
    %get3A_112 = arith.constant 0 : index
    %get3A_113 = vector.load %arg12[%get3A_111, %get3A_112] : memref<1x128xf32, #tpu.memory_space<vmem>>, vector<1x128xf32>
    %mul3A_114 = arith.mulf %sub3A_94, %sub3A_94 : vector<200x128xf32>
    %reduce_sum3A_115 = arith.constant dense<0.000000e+00> : vector<128xf32>
    %reduce_sum3A_116 = vector.multi_reduction <add>, %mul3A_114, %reduce_sum3A_115 [0] : vector<200x128xf32> to vector<128xf32>
    %broadcast_in_dim3A_117 = vector.shape_cast %reduce_sum3A_116 : vector<128xf32> to vector<1x128xf32>
    %add3A_118 = arith.addf %get3A_113, %broadcast_in_dim3A_117 : vector<1x128xf32>
    %swap3A_119 = arith.constant 0 : index
    %swap3A_120 = arith.constant 0 : index
    %swap3A_121 = vector.load %arg12[%swap3A_119, %swap3A_120] : memref<1x128xf32, #tpu.memory_space<vmem>>, vector<1x128xf32>
    tpu.vector_store %arg12[%swap3A_119, %swap3A_120], %add3A_118 {strides = array<i32>} : memref<1x128xf32, #tpu.memory_space<vmem>>, vector<1x128xf32>,
    return
  }
  func.func @transform_0(%arg0: i32) -> (i32, i32) {
    %c0_i32 = arith.constant 0 : i32
    %c0_i32_0 = arith.constant 0 : i32
    return %arg0, %c0_i32 : i32, i32
  }
  func.func @transform_1(%arg0: i32) -> (i32, i32) {
    %c0_i32 = arith.constant 0 : i32
    %c0_i32_0 = arith.constant 0 : i32
    return %arg0, %c0_i32 : i32, i32
  }
  func.func @transform_2(%arg0: i32) -> (i32, i32) {
    %add3A = arith.constant 30 : i32
    %add3A_0 = arith.addi %arg0, %add3A : i32
    %c0_i32 = arith.constant 0 : i32
    %c0_i32_1 = arith.constant 0 : i32
    return %c0_i32, %add3A_0 : i32, i32
  }
  func.func @transform_3(%arg0: i32) -> (i32, i32) {
    %add3A = arith.constant 30 : i32
    %add3A_0 = arith.addi %arg0, %add3A : i32
    %c0_i32 = arith.constant 0 : i32
    %c0_i32_1 = arith.constant 0 : i32
    return %c0_i32, %add3A_0 : i32, i32
  }
  func.func @transform_4(%arg0: i32) -> (i32, i32) {
    %add3A = arith.constant 30 : i32
    %add3A_0 = arith.addi %arg0, %add3A : i32
    %c0_i32 = arith.constant 0 : i32
    %c0_i32_1 = arith.constant 0 : i32
    return %add3A_0, %c0_i32 : i32, i32
  }
  func.func @transform_5(%arg0: i32) -> (i32, i32) {
    %c0_i32 = arith.constant 0 : i32
    %c0_i32_0 = arith.constant 0 : i32
    %c0_i32_1 = arith.constant 0 : i32
    return %c0_i32, %c0_i32_0 : i32, i32
  }
  func.func @transform_6(%arg0: i32) -> (i32, i32) {
    %c0_i32 = arith.constant 0 : i32
    %c0_i32_0 = arith.constant 0 : i32
    %c0_i32_1 = arith.constant 0 : i32
    return %c0_i32, %c0_i32_0 : i32, i32
  }
  func.func @transform_7(%arg0: i32) -> (i32, i32) {
    %c0_i32 = arith.constant 0 : i32
    %c0_i32_0 = arith.constant 0 : i32
    %c0_i32_1 = arith.constant 0 : i32
    return %c0_i32, %c0_i32_0 : i32, i32
  }
  func.func @transform_8(%arg0: i32) -> (i32, i32) {
    %c0_i32 = arith.constant 0 : i32
    %c0_i32_0 = arith.constant 0 : i32
    %c0_i32_1 = arith.constant 0 : i32
    return %c0_i32, %c0_i32_0 : i32, i32
  }
  func.func @transform_9(%arg0: i32) -> (i32, i32) {
    %c0_i32 = arith.constant 0 : i32
    %c0_i32_0 = arith.constant 0 : i32
    return %arg0, %c0_i32 : i32, i32
  }
  func.func @transform_10(%arg0: i32) -> (i32, i32) {
    %c0_i32 = arith.constant 0 : i32
    %c0_i32_0 = arith.constant 0 : i32
    %c0_i32_1 = arith.constant 0 : i32
    return %c0_i32, %c0_i32_0 : i32, i32
  }
  func.func @transform_11(%arg0: i32) -> (i32, i32) {
    %c0_i32 = arith.constant 0 : i32
    %c0_i32_0 = arith.constant 0 : i32
    %c0_i32_1 = arith.constant 0 : i32
    return %c0_i32, %c0_i32_0 : i32, i32
  }
}

module attributes {stable_mosaic.version = 14 : i64} {
  func.func @_main_body(%arg0: i32, %arg1: memref<200x256xf32, #tpu.memory_space<vmem>>, %arg2: memref<6400x128xf32, #tpu.memory_space<vmem>>, %arg3: memref<16x6400xf32, #tpu.memory_space<vmem>>, %arg4: memref<1x6400xi32, #tpu.memory_space<vmem>>, %arg5: memref<200x32xi32, #tpu.memory_space<vmem>>, %arg6: memref<128x256xbf16, #tpu.memory_space<vmem>>, %arg7: memref<16x256xbf16, #tpu.memory_space<vmem>>, %arg8: memref<1x256xf32, #tpu.memory_space<vmem>>, %arg9: memref<1x256xf32, #tpu.memory_space<vmem>>, %arg10: memref<200x128xf32, #tpu.memory_space<vmem>>, %arg11: memref<1x128xf32, #tpu.memory_space<vmem>>, %arg12: memref<1x128xf32, #tpu.memory_space<vmem>>) attributes {dimension_semantics = [#tpu.dimension_semantics<arbitrary>], iteration_bounds = array<i64: 10>, scalar_prefetch = 0 : i64, scratch_operands = 0 : i64, tpu.core_type = #tpu.core_type<tc>, window_params = [{transform_indices = @transform_0, window_bounds = array<i64: 200, 256>}, {transform_indices = @transform_1, window_bounds = array<i64: 6400, 128>}, {transform_indices = @transform_2, window_bounds = array<i64: 16, 6400>}, {transform_indices = @transform_3, window_bounds = array<i64: 1, 6400>}, {transform_indices = @transform_4, window_bounds = array<i64: 200, 32>}, {pipeline_mode = #tpu.pipeline_mode<synchronous>, transform_indices = @transform_5, window_bounds = array<i64: 128, 256>}, {pipeline_mode = #tpu.pipeline_mode<synchronous>, transform_indices = @transform_6, window_bounds = array<i64: 16, 256>}, {pipeline_mode = #tpu.pipeline_mode<synchronous>, transform_indices = @transform_7, window_bounds = array<i64: 1, 256>}, {pipeline_mode = #tpu.pipeline_mode<synchronous>, transform_indices = @transform_8, window_bounds = array<i64: 1, 256>}, {transform_indices = @transform_9, window_bounds = array<i64: 200, 128>}, {pipeline_mode = #tpu.pipeline_mode<synchronous>, transform_indices = @transform_10, window_bounds = array<i64: 1, 128>}, {pipeline_mode = #tpu.pipeline_mode<synchronous>, transform_indices = @transform_11, window_bounds = array<i64: 1, 128>}]} {
    %get3A = arith.constant 0 : index
    %get3A_0 = arith.constant 0 : index
    %get3A_1 = vector.load %arg4[%get3A, %get3A_0] : memref<1x6400xi32, #tpu.memory_space<vmem>>, vector<1x6400xi32>
    %ne3A = arith.constant 0 : i32
    %ne3A_2 = vector.broadcast %ne3A : i32 to vector<1x6400xi32>
    %ne3A_3 = arith.cmpi ne, %get3A_1, %ne3A_2 : vector<1x6400xi32>
    %convert_element_type3A = arith.extui %ne3A_3 : vector<1x6400xi1> to vector<1x6400xi32>
    %convert_element_type3A_4 = arith.sitofp %convert_element_type3A : vector<1x6400xi32> to vector<1x6400xf32>
    %convert_element_type3A_5 = arith.truncf %convert_element_type3A_4 : vector<1x6400xf32> to vector<1x6400xbf16>
    %get3A_6 = arith.constant 0 : index
    %get3A_7 = arith.constant 0 : index
    %get3A_8 = vector.load %arg3[%get3A_6, %get3A_7] : memref<16x6400xf32, #tpu.memory_space<vmem>>, vector<16x6400xf32>
    %convert_element_type3A_9 = arith.truncf %get3A_8 : vector<16x6400xf32> to vector<16x6400xbf16>
    %mul3A = vector.broadcast %convert_element_type3A_5 : vector<1x6400xbf16> to vector<16x6400xbf16>
    %mul3A_10 = arith.mulf %convert_element_type3A_9, %mul3A : vector<16x6400xbf16>
    %get3A_11 = arith.constant 0 : index
    %get3A_12 = arith.constant 0 : index
    %get3A_13 = vector.load %arg2[%get3A_11, %get3A_12] : memref<6400x128xf32, #tpu.memory_space<vmem>>, vector<6400x128xf32>
    %convert_element_type3A_14 = arith.truncf %get3A_13 : vector<6400x128xf32> to vector<6400x128xbf16>
    %get3A_15 = arith.constant 0 : index
    %get3A_16 = arith.constant 0 : index
    %get3A_17 = vector.load %arg6[%get3A_15, %get3A_16] : memref<128x256xbf16, #tpu.memory_space<vmem>>, vector<128x256xbf16>
    %dot_general3A = arith.constant dense<0.000000e+00> : vector<6400x256xf32>
    %dot_general3A_18 = tpu.matmul %convert_element_type3A_14, %get3A_17, %dot_general3A {dimension_numbers = #tpu.dot_dimension_numbers<[1], [0], [0], [1], [0, 0, 1, 1], [], []>, transpose_lhs_hint = false} : vector<6400x128xbf16>, vector<128x256xbf16>, vector<6400x256xf32> -> vector<6400x256xf32>
    %get3A_19 = arith.constant 0 : index
    %get3A_20 = arith.constant 0 : index
    %get3A_21 = vector.load %arg7[%get3A_19, %get3A_20] : memref<16x256xbf16, #tpu.memory_space<vmem>>, vector<16x256xbf16>
    %dot_general3A_22 = arith.constant dense<0.000000e+00> : vector<6400x256xf32>
    %dot_general3A_23 = tpu.matmul %mul3A_10, %get3A_21, %dot_general3A_22 {dimension_numbers = #tpu.dot_dimension_numbers<[0], [0], [1], [1], [0, 1, 1, 1], [], []>, transpose_lhs_hint = false} : vector<16x6400xbf16>, vector<16x256xbf16>, vector<6400x256xf32> -> vector<6400x256xf32>
    %add3A = arith.addf %dot_general3A_18, %dot_general3A_23 : vector<6400x256xf32>
    %get3A_24 = arith.constant 0 : index
    %get3A_25 = arith.constant 0 : index
    %get3A_26 = vector.load %arg1[%get3A_24, %get3A_25] : memref<200x256xf32, #tpu.memory_space<vmem>>, vector<200x256xf32>
    %get3A_27 = arith.constant 0 : index
    %get3A_28 = arith.constant 0 : index
    %get3A_29 = vector.load %arg8[%get3A_27, %get3A_28] : memref<1x256xf32, #tpu.memory_space<vmem>>, vector<1x256xf32>
    %mul3A_30 = vector.broadcast %get3A_29 : vector<1x256xf32> to vector<200x256xf32>
    %mul3A_31 = arith.mulf %get3A_26, %mul3A_30 : vector<200x256xf32>
    %get3A_32 = arith.constant 0 : index
    %get3A_33 = arith.constant 0 : index
    %get3A_34 = vector.load %arg9[%get3A_32, %get3A_33] : memref<1x256xf32, #tpu.memory_space<vmem>>, vector<1x256xf32>
    %add3A_35 = vector.broadcast %get3A_34 : vector<1x256xf32> to vector<200x256xf32>
    %add3A_36 = arith.addf %mul3A_31, %add3A_35 : vector<200x256xf32>
    %broadcast_in_dim3A = vector.shape_cast %add3A_36 : vector<200x256xf32> to vector<200x1x256xf32>
    %broadcast_in_dim3A_37 = vector.shape_cast %broadcast_in_dim3A : vector<200x1x256xf32> to vector<200x1x256xf32>
    %broadcast_in_dim3A_38 = vector.broadcast %broadcast_in_dim3A_37 : vector<200x1x256xf32> to vector<200x32x256xf32>
    %reshape3A = vector.shape_cast %broadcast_in_dim3A_38 : vector<200x32x256xf32> to vector<6400x256xf32>
    %add3A_39 = arith.addf %reshape3A, %add3A : vector<6400x256xf32>
    %slice3A = vector.extract_strided_slice %add3A_39 {offsets = [0, 0], sizes = [6400, 128], strides = [1, 1]} : vector<6400x256xf32> to vector<6400x128xf32>
    %logistic3A = arith.negf %slice3A : vector<6400x128xf32>
    %logistic3A_40 = math.exp %logistic3A : vector<6400x128xf32>
    %logistic3A_41 = arith.constant 1.000000e+00 : f32
    %logistic3A_42 = vector.broadcast %logistic3A_41 : f32 to vector<6400x128xf32>
    %logistic3A_43 = arith.addf %logistic3A_42, %logistic3A_40 : vector<6400x128xf32>
    %logistic3A_44 = arith.divf %logistic3A_42, %logistic3A_43 : vector<6400x128xf32>
    %slice3A_45 = vector.extract_strided_slice %add3A_39 {offsets = [0, 128], sizes = [6400, 128], strides = [1, 1]} : vector<6400x256xf32> to vector<6400x128xf32>
    %custom_jvp_call3A = arith.constant 0.000000e+00 : f32
    %max3A = vector.broadcast %custom_jvp_call3A : f32 to vector<6400x128xf32>
    %max3A_46 = arith.maximumf %slice3A_45, %max3A : vector<6400x128xf32>
    %sub3A = vector.broadcast %custom_jvp_call3A : f32 to vector<6400x128xf32>
    %sub3A_47 = arith.subf %slice3A_45, %sub3A : vector<6400x128xf32>
    %ne3A_48 = arith.cmpf one, %sub3A_47, %sub3A_47 : vector<6400x128xf32>
    %add3A_49 = vector.broadcast %custom_jvp_call3A : f32 to vector<6400x128xf32>
    %add3A_50 = arith.addf %slice3A_45, %add3A_49 : vector<6400x128xf32>
    %abs3A = math.absf %sub3A_47 : vector<6400x128xf32>
    %neg3A = arith.constant 0.000000e+00 : f32
    %neg3A_51 = vector.broadcast %neg3A : f32 to vector<6400x128xf32>
    %neg3A_52 = arith.subf %neg3A_51, %abs3A : vector<6400x128xf32>
    %exp3A = math.exp %neg3A_52 : vector<6400x128xf32>
    %log1p3A = math.log1p %exp3A : vector<6400x128xf32>
    %add3A_53 = arith.addf %max3A_46, %log1p3A : vector<6400x128xf32>
    %select_n3A = arith.select %ne3A_48, %add3A_50, %add3A_53 : vector<6400x128xi1>, vector<6400x128xf32>
    %mul3A_54 = arith.mulf %logistic3A_44, %select_n3A : vector<6400x128xf32>
    %reshape3A_55 = vector.shape_cast %mul3A_54 : vector<6400x128xf32> to vector<200x32x128xf32>
    %reduce_sum3A = arith.constant dense<0.000000e+00> : vector<200x128xf32>
    %reduce_sum3A_56 = vector.multi_reduction <add>, %reshape3A_55, %reduce_sum3A [1] : vector<200x32x128xf32> to vector<200x128xf32>
    %get3A_57 = arith.constant 0 : index
    %get3A_58 = arith.constant 0 : index
    %get3A_59 = vector.load %arg5[%get3A_57, %get3A_58] : memref<200x32xi32, #tpu.memory_space<vmem>>, vector<200x32xi32>
    %eq3A = arith.constant 0 : i32
    %eq3A_60 = vector.broadcast %eq3A : i32 to vector<200x32xi32>
    %eq3A_61 = arith.cmpi eq, %get3A_59, %eq3A_60 : vector<200x32xi32>
    %convert_element_type3A_62 = arith.extui %eq3A_61 : vector<200x32xi1> to vector<200x32xi32>
    %convert_element_type3A_63 = arith.sitofp %convert_element_type3A_62 : vector<200x32xi32> to vector<200x32xf32>
    %reduce_sum3A_64 = arith.constant dense<0.000000e+00> : vector<200xf32>
    %reduce_sum3A_65 = vector.multi_reduction <add>, %convert_element_type3A_63, %reduce_sum3A_64 [1] : vector<200x32xf32> to vector<200xf32>
    %broadcast_in_dim3A_66 = vector.shape_cast %reduce_sum3A_65 : vector<200xf32> to vector<200x1xf32>
    %slice3A_67 = vector.extract_strided_slice %add3A_36 {offsets = [0, 0], sizes = [200, 128], strides = [1, 1]} : vector<200x256xf32> to vector<200x128xf32>
    %logistic3A_68 = arith.negf %slice3A_67 : vector<200x128xf32>
    %logistic3A_69 = math.exp %logistic3A_68 : vector<200x128xf32>
    %logistic3A_70 = arith.constant 1.000000e+00 : f32
    %logistic3A_71 = vector.broadcast %logistic3A_70 : f32 to vector<200x128xf32>
    %logistic3A_72 = arith.addf %logistic3A_71, %logistic3A_69 : vector<200x128xf32>
    %logistic3A_73 = arith.divf %logistic3A_71, %logistic3A_72 : vector<200x128xf32>
    %slice3A_74 = vector.extract_strided_slice %add3A_36 {offsets = [0, 128], sizes = [200, 128], strides = [1, 1]} : vector<200x256xf32> to vector<200x128xf32>
    %custom_jvp_call3A_75 = arith.constant 0.000000e+00 : f32
    %max3A_76 = vector.broadcast %custom_jvp_call3A_75 : f32 to vector<200x128xf32>
    %max3A_77 = arith.maximumf %slice3A_74, %max3A_76 : vector<200x128xf32>
    %sub3A_78 = vector.broadcast %custom_jvp_call3A_75 : f32 to vector<200x128xf32>
    %sub3A_79 = arith.subf %slice3A_74, %sub3A_78 : vector<200x128xf32>
    %ne3A_80 = arith.cmpf one, %sub3A_79, %sub3A_79 : vector<200x128xf32>
    %add3A_81 = vector.broadcast %custom_jvp_call3A_75 : f32 to vector<200x128xf32>
    %add3A_82 = arith.addf %slice3A_74, %add3A_81 : vector<200x128xf32>
    %abs3A_83 = math.absf %sub3A_79 : vector<200x128xf32>
    %neg3A_84 = arith.constant 0.000000e+00 : f32
    %neg3A_85 = vector.broadcast %neg3A_84 : f32 to vector<200x128xf32>
    %neg3A_86 = arith.subf %neg3A_85, %abs3A_83 : vector<200x128xf32>
    %exp3A_87 = math.exp %neg3A_86 : vector<200x128xf32>
    %log1p3A_88 = math.log1p %exp3A_87 : vector<200x128xf32>
    %add3A_89 = arith.addf %max3A_77, %log1p3A_88 : vector<200x128xf32>
    %select_n3A_90 = arith.select %ne3A_80, %add3A_82, %add3A_89 : vector<200x128xi1>, vector<200x128xf32>
    %mul3A_91 = arith.mulf %logistic3A_73, %select_n3A_90 : vector<200x128xf32>
    %mul3A_92 = vector.broadcast %broadcast_in_dim3A_66 : vector<200x1xf32> to vector<200x128xf32>
    %mul3A_93 = arith.mulf %mul3A_92, %mul3A_91 : vector<200x128xf32>
    %sub3A_94 = arith.subf %reduce_sum3A_56, %mul3A_93 : vector<200x128xf32>
    %swap3A = arith.constant 0 : index
    %swap3A_95 = arith.constant 0 : index
    %swap3A_96 = vector.load %arg10[%swap3A, %swap3A_95] : memref<200x128xf32, #tpu.memory_space<vmem>>, vector<200x128xf32>
    tpu.vector_store %arg10[%swap3A, %swap3A_95], %sub3A_94 {strides = array<i32>} : memref<200x128xf32, #tpu.memory_space<vmem>>, vector<200x128xf32>,
    %eq3A_97 = arith.constant 0 : i32
    %eq3A_98 = arith.cmpi eq, %arg0, %eq3A_97 : i32
    %convert_element_type3A_99 = arith.extui %eq3A_98 : i1 to i32
    %cond3A = arith.constant 0 : i32
    %cond3A_100 = arith.cmpi ne, %convert_element_type3A_99, %cond3A : i32
    scf.if %cond3A_100 {
      %broadcast_in_dim3A_122 = arith.constant 0.000000e+00 : f32
      %broadcast_in_dim3A_123 = vector.broadcast %broadcast_in_dim3A_122 : f32 to vector<1x128xf32>
      %swap3A_124 = arith.constant 0 : index
      %swap3A_125 = arith.constant 0 : index
      %swap3A_126 = vector.load %arg11[%swap3A_124, %swap3A_125] : memref<1x128xf32, #tpu.memory_space<vmem>>, vector<1x128xf32>
      tpu.vector_store %arg11[%swap3A_124, %swap3A_125], %broadcast_in_dim3A_123 {strides = array<i32>} : memref<1x128xf32, #tpu.memory_space<vmem>>, vector<1x128xf32>,
      %broadcast_in_dim3A_127 = arith.constant 0.000000e+00 : f32
      %broadcast_in_dim3A_128 = vector.broadcast %broadcast_in_dim3A_127 : f32 to vector<1x128xf32>
      %swap3A_129 = arith.constant 0 : index
      %swap3A_130 = arith.constant 0 : index
      %swap3A_131 = vector.load %arg12[%swap3A_129, %swap3A_130] : memref<1x128xf32, #tpu.memory_space<vmem>>, vector<1x128xf32>
      tpu.vector_store %arg12[%swap3A_129, %swap3A_130], %broadcast_in_dim3A_128 {strides = array<i32>} : memref<1x128xf32, #tpu.memory_space<vmem>>, vector<1x128xf32>,
    } else {
    }
    %get3A_101 = arith.constant 0 : index
    %get3A_102 = arith.constant 0 : index
    %get3A_103 = vector.load %arg11[%get3A_101, %get3A_102] : memref<1x128xf32, #tpu.memory_space<vmem>>, vector<1x128xf32>
    %reduce_sum3A_104 = arith.constant dense<0.000000e+00> : vector<128xf32>
    %reduce_sum3A_105 = vector.multi_reduction <add>, %sub3A_94, %reduce_sum3A_104 [0] : vector<200x128xf32> to vector<128xf32>
    %broadcast_in_dim3A_106 = vector.shape_cast %reduce_sum3A_105 : vector<128xf32> to vector<1x128xf32>
    %add3A_107 = arith.addf %get3A_103, %broadcast_in_dim3A_106 : vector<1x128xf32>
    %swap3A_108 = arith.constant 0 : index
    %swap3A_109 = arith.constant 0 : index
    %swap3A_110 = vector.load %arg11[%swap3A_108, %swap3A_109] : memref<1x128xf32, #tpu.memory_space<vmem>>, vector<1x128xf32>
    tpu.vector_store %arg11[%swap3A_108, %swap3A_109], %add3A_107 {strides = array<i32>} : memref<1x128xf32, #tpu.memory_space<vmem>>, vector<1x128xf32>,
    %get3A_111 = arith.constant 0 : index
    %get3A_112 = arith.constant 0 : index
    %get3A_113 = vector.load %arg12[%get3A_111, %get3A_112] : memref<1x128xf32, #tpu.memory_space<vmem>>, vector<1x128xf32>
    %mul3A_114 = arith.mulf %sub3A_94, %sub3A_94 : vector<200x128xf32>
    %reduce_sum3A_115 = arith.constant dense<0.000000e+00> : vector<128xf32>
    %reduce_sum3A_116 = vector.multi_reduction <add>, %mul3A_114, %reduce_sum3A_115 [0] : vector<200x128xf32> to vector<128xf32>
    %broadcast_in_dim3A_117 = vector.shape_cast %reduce_sum3A_116 : vector<128xf32> to vector<1x128xf32>
    %add3A_118 = arith.addf %get3A_113, %broadcast_in_dim3A_117 : vector<1x128xf32>
    %swap3A_119 = arith.constant 0 : index
    %swap3A_120 = arith.constant 0 : index
    %swap3A_121 = vector.load %arg12[%swap3A_119, %swap3A_120] : memref<1x128xf32, #tpu.memory_space<vmem>>, vector<1x128xf32>
    tpu.vector_store %arg12[%swap3A_119, %swap3A_120], %add3A_118 {strides = array<i32>} : memref<1x128xf32, #tpu.memory_space<vmem>>, vector<1x128xf32>,
    return
  }
  func.func @transform_0(%arg0: i32) -> (i32, i32) {
    %c0_i32 = arith.constant 0 : i32
    %c0_i32_0 = arith.constant 0 : i32
    return %arg0, %c0_i32 : i32, i32
  }
  func.func @transform_1(%arg0: i32) -> (i32, i32) {
    %c0_i32 = arith.constant 0 : i32
    %c0_i32_0 = arith.constant 0 : i32
    return %arg0, %c0_i32 : i32, i32
  }
  func.func @transform_2(%arg0: i32) -> (i32, i32) {
    %add3A = arith.constant 40 : i32
    %add3A_0 = arith.addi %arg0, %add3A : i32
    %c0_i32 = arith.constant 0 : i32
    %c0_i32_1 = arith.constant 0 : i32
    return %c0_i32, %add3A_0 : i32, i32
  }
  func.func @transform_3(%arg0: i32) -> (i32, i32) {
    %add3A = arith.constant 40 : i32
    %add3A_0 = arith.addi %arg0, %add3A : i32
    %c0_i32 = arith.constant 0 : i32
    %c0_i32_1 = arith.constant 0 : i32
    return %c0_i32, %add3A_0 : i32, i32
  }
  func.func @transform_4(%arg0: i32) -> (i32, i32) {
    %add3A = arith.constant 40 : i32
    %add3A_0 = arith.addi %arg0, %add3A : i32
    %c0_i32 = arith.constant 0 : i32
    %c0_i32_1 = arith.constant 0 : i32
    return %add3A_0, %c0_i32 : i32, i32
  }
  func.func @transform_5(%arg0: i32) -> (i32, i32) {
    %c0_i32 = arith.constant 0 : i32
    %c0_i32_0 = arith.constant 0 : i32
    %c0_i32_1 = arith.constant 0 : i32
    return %c0_i32, %c0_i32_0 : i32, i32
  }
  func.func @transform_6(%arg0: i32) -> (i32, i32) {
    %c0_i32 = arith.constant 0 : i32
    %c0_i32_0 = arith.constant 0 : i32
    %c0_i32_1 = arith.constant 0 : i32
    return %c0_i32, %c0_i32_0 : i32, i32
  }
  func.func @transform_7(%arg0: i32) -> (i32, i32) {
    %c0_i32 = arith.constant 0 : i32
    %c0_i32_0 = arith.constant 0 : i32
    %c0_i32_1 = arith.constant 0 : i32
    return %c0_i32, %c0_i32_0 : i32, i32
  }
  func.func @transform_8(%arg0: i32) -> (i32, i32) {
    %c0_i32 = arith.constant 0 : i32
    %c0_i32_0 = arith.constant 0 : i32
    %c0_i32_1 = arith.constant 0 : i32
    return %c0_i32, %c0_i32_0 : i32, i32
  }
  func.func @transform_9(%arg0: i32) -> (i32, i32) {
    %c0_i32 = arith.constant 0 : i32
    %c0_i32_0 = arith.constant 0 : i32
    return %arg0, %c0_i32 : i32, i32
  }
  func.func @transform_10(%arg0: i32) -> (i32, i32) {
    %c0_i32 = arith.constant 0 : i32
    %c0_i32_0 = arith.constant 0 : i32
    %c0_i32_1 = arith.constant 0 : i32
    return %c0_i32, %c0_i32_0 : i32, i32
  }
  func.func @transform_11(%arg0: i32) -> (i32, i32) {
    %c0_i32 = arith.constant 0 : i32
    %c0_i32_0 = arith.constant 0 : i32
    %c0_i32_1 = arith.constant 0 : i32
    return %c0_i32, %c0_i32_0 : i32, i32
  }
}

module attributes {stable_mosaic.version = 14 : i64} {
  func.func @_final_body(%arg0: i32, %arg1: memref<200x128xf32, #tpu.memory_space<vmem>>, %arg2: memref<200x128xf32, #tpu.memory_space<vmem>>, %arg3: memref<1x128xf32, #tpu.memory_space<vmem>>, %arg4: memref<1x128xf32, #tpu.memory_space<vmem>>, %arg5: memref<200x128xf32, #tpu.memory_space<vmem>>) attributes {dimension_semantics = [#tpu.dimension_semantics<arbitrary>], iteration_bounds = array<i64: 50>, scalar_prefetch = 0 : i64, scratch_operands = 0 : i64, tpu.core_type = #tpu.core_type<tc>, window_params = [{transform_indices = @transform_0, window_bounds = array<i64: 200, 128>}, {transform_indices = @transform_1, window_bounds = array<i64: 200, 128>}, {pipeline_mode = #tpu.pipeline_mode<synchronous>, transform_indices = @transform_2, window_bounds = array<i64: 1, 128>}, {pipeline_mode = #tpu.pipeline_mode<synchronous>, transform_indices = @transform_3, window_bounds = array<i64: 1, 128>}, {transform_indices = @transform_4, window_bounds = array<i64: 200, 128>}]} {
    %get3A = arith.constant 0 : index
    %get3A_0 = arith.constant 0 : index
    %get3A_1 = vector.load %arg2[%get3A, %get3A_0] : memref<200x128xf32, #tpu.memory_space<vmem>>, vector<200x128xf32>
    %get3A_2 = arith.constant 0 : index
    %get3A_3 = arith.constant 0 : index
    %get3A_4 = vector.load %arg3[%get3A_2, %get3A_3] : memref<1x128xf32, #tpu.memory_space<vmem>>, vector<1x128xf32>
    %mul3A = vector.broadcast %get3A_4 : vector<1x128xf32> to vector<200x128xf32>
    %mul3A_5 = arith.mulf %get3A_1, %mul3A : vector<200x128xf32>
    %get3A_6 = arith.constant 0 : index
    %get3A_7 = arith.constant 0 : index
    %get3A_8 = vector.load %arg4[%get3A_6, %get3A_7] : memref<1x128xf32, #tpu.memory_space<vmem>>, vector<1x128xf32>
    %add3A = vector.broadcast %get3A_8 : vector<1x128xf32> to vector<200x128xf32>
    %add3A_9 = arith.addf %mul3A_5, %add3A : vector<200x128xf32>
    %get3A_10 = arith.constant 0 : index
    %get3A_11 = arith.constant 0 : index
    %get3A_12 = vector.load %arg1[%get3A_10, %get3A_11] : memref<200x128xf32, #tpu.memory_space<vmem>>, vector<200x128xf32>
    %add3A_13 = arith.addf %get3A_12, %add3A_9 : vector<200x128xf32>
    %custom_jvp_call3A = arith.constant 0.000000e+00 : f32
    %max3A = vector.broadcast %custom_jvp_call3A : f32 to vector<200x128xf32>
    %max3A_14 = arith.maximumf %add3A_13, %max3A : vector<200x128xf32>
    %sub3A = vector.broadcast %custom_jvp_call3A : f32 to vector<200x128xf32>
    %sub3A_15 = arith.subf %add3A_13, %sub3A : vector<200x128xf32>
    %ne3A = arith.cmpf one, %sub3A_15, %sub3A_15 : vector<200x128xf32>
    %add3A_16 = vector.broadcast %custom_jvp_call3A : f32 to vector<200x128xf32>
    %add3A_17 = arith.addf %add3A_13, %add3A_16 : vector<200x128xf32>
    %abs3A = math.absf %sub3A_15 : vector<200x128xf32>
    %neg3A = arith.constant 0.000000e+00 : f32
    %neg3A_18 = vector.broadcast %neg3A : f32 to vector<200x128xf32>
    %neg3A_19 = arith.subf %neg3A_18, %abs3A : vector<200x128xf32>
    %exp3A = math.exp %neg3A_19 : vector<200x128xf32>
    %log1p3A = math.log1p %exp3A : vector<200x128xf32>
    %add3A_20 = arith.addf %max3A_14, %log1p3A : vector<200x128xf32>
    %select_n3A = arith.select %ne3A, %add3A_17, %add3A_20 : vector<200x128xi1>, vector<200x128xf32>
    %swap3A = arith.constant 0 : index
    %swap3A_21 = arith.constant 0 : index
    %swap3A_22 = vector.load %arg5[%swap3A, %swap3A_21] : memref<200x128xf32, #tpu.memory_space<vmem>>, vector<200x128xf32>
    tpu.vector_store %arg5[%swap3A, %swap3A_21], %select_n3A {strides = array<i32>} : memref<200x128xf32, #tpu.memory_space<vmem>>, vector<200x128xf32>,
    return
  }
  func.func @transform_0(%arg0: i32) -> (i32, i32) {
    %c0_i32 = arith.constant 0 : i32
    %c0_i32_0 = arith.constant 0 : i32
    return %arg0, %c0_i32 : i32, i32
  }
  func.func @transform_1(%arg0: i32) -> (i32, i32) {
    %c0_i32 = arith.constant 0 : i32
    %c0_i32_0 = arith.constant 0 : i32
    return %arg0, %c0_i32 : i32, i32
  }
  func.func @transform_2(%arg0: i32) -> (i32, i32) {
    %c0_i32 = arith.constant 0 : i32
    %c0_i32_0 = arith.constant 0 : i32
    %c0_i32_1 = arith.constant 0 : i32
    return %c0_i32, %c0_i32_0 : i32, i32
  }
  func.func @transform_3(%arg0: i32) -> (i32, i32) {
    %c0_i32 = arith.constant 0 : i32
    %c0_i32_0 = arith.constant 0 : i32
    %c0_i32_1 = arith.constant 0 : i32
    return %c0_i32, %c0_i32_0 : i32, i32
  }
  func.func @transform_4(%arg0: i32) -> (i32, i32) {
    %c0_i32 = arith.constant 0 : i32
    %c0_i32_0 = arith.constant 0 : i32
    return %arg0, %c0_i32 : i32, i32
  }
}

</mosaic_0001>

<sc_bundles>
// kernel: kernel.18.cloned.1.call-start
scs
__scs_entry_jumppad:
0x0: {  	(pc) =	sbr.rel $0x88, $3  }
0x1: {  	(tag) =	ssettag $0x0;
	lr =	simm.s32 $0x1  }
0x2: {  	[smem:$0x3F98] =	sst lr;
	_ =	strace $0xD0000000  }
0x3: {  	_ = 	snop  }
0x4: {  	_ = 	snop  }
0x5: {  	_ = 	snop  }
0x6: {  	_ = 	snop  }
0x7: {  	_ = 	snop  }
__scs_overlays_trampoline_lowered:
0x8: {  	[smem:$0x3FA7] =	sst s0  }
0x9: {  	[smem:$0x3FA8] =	sst s1  }
0xa: {  	[smem:$0x3FA9] =	sst s2  }
0xb: {  	[smem:$0x3FAA] =	sst s3  }
0xc: {  	[smem:$0x3FAB] =	sst s4  }
0xd: {  	[smem:$0x3FAC] =	sst s5  }
0xe: {  	[smem:$0x3FAD] =	sst s6  }
0xf: {  	[smem:$0x3FAE] =	sst s7  }
0x10: {  	[smem:$0x3FAF] =	sst s8  }
0x11: {  	[smem:$0x3FB0] =	sst s9;
	s0 =	simm.s32 @!p0 $0x0  }
0x12: {  	s1 =	sld [smem:$0x3F96];
	s0 =	simm.s32 @p0 $0x1  }
0x13: {  	[smem:$0x3FB1] =	sst s0;
	s0 =	simm.s32 @!p1 $0x0  }
0x14: {  	s2 =	sld [smem:$0x3F95];
	s0 =	simm.s32 @p1 $0x1  }
0x15: {  	[smem:$0x3FB2] =	sst s0;
	s0 =	simm.s32 @!p2 $0x0  }
0x16: {  	s3 =	sld [smem:$0x3FDB];
	s0 =	simm.s32 @p2 $0x1  }
0x17: {  	s4 =	simm.s32 $0x1BF5;
	[smem:$0x3FB4] =	sst s0  }
0x18: {  	s0 =	sld [smem:$0x3F97];
	_ =	swait.ge [sflag:s4], $0x0  }
0x19: {  	s7 =	sld [smem:$0x3F98]  }
0x1a: {  	s8 =	sadd.s32 $0xFFFFE003, lr  }
0x1b: {  	s9 =	sadd.s32 $0xFFFFFEF7, lr;
	s5 =	simm.s32 $0xFFFFFFFF;
	p2 =	slt.u32 s8, $0xFFFFF086  }
0x1c: {  	p1 =	slt.u32 s9, $0xF7A;
	s5 =	simm.s32 @!p2 $0x0  }
0x1d: {  	s5 =	simm.s32 @p1 $0x1;
	p0 =	seq.s32 s7, s2  }
0x1e: {  	s7 =	smul.u32 @!p0 $0xF7A, s2;
	p2 =	seq.s32 @!p0 s5, $0x0  }
0x1f: {  	s9 =	smul.u32 $0xF7A, s1;
	s8 =	simm.s32 @!p0 $0x1BF5;
	p2 =	por !p2, p0  }
0x20: {  	[sflag:s8] =	ssyncset.s32 @!p0 $0xFFFFF086;
	s6 =	sadd.s32 @!p0 s3, s7;
	s7 =	simm.s32 @!p0 $0x108  }
0x21: {  	s3 =	sadd.s32 s3, s9;
	s6 =	sadd.s32 @!p0 $0x88, s6;
	s7 =	simm.s32 @p2 $0x1082  }
0x22: {  	[simem:s7], [sflag:s8] =	dma.local @!p0 [hbm:s6], $0xF7A  }
0x23: {  	s9 =	sor.u32 $0xD0000000, s2;
	s6 =	simm.s32 $0x108;
	_ =	swait.ge @!p0 [sflag:s8], $0x0  }
0x24: {  	s3 =	sadd.s32 $0x88, s3;
	s6 =	simm.s32 @!p1 $0x1082;
	[sflag:s4] =	ssyncset.s32 $0xFFFFF086  }
0x25: {  	[simem:s6], [sflag:s4] =	dma.local [hbm:s3], $0xF7A  }
0x26: {  	[smem:$0x3F98] =	sst s1;
	(tag) =	ssettag s2;
	_ =	strace s9  }
0x27: {  	s1 =	sld [smem:$0x3FA8]  }
0x28: {  	s2 =	sld [smem:$0x3FA9]  }
0x29: {  	s4 =	sld [smem:$0x3FAB]  }
0x2a: {  	p0 =	seq.s32 s5, $0x0;
	s5 =	sld [smem:$0x3FAC]  }
0x2b: {  	s6 =	sld [smem:$0x3FAD]  }
0x2c: {  	s7 =	sld [smem:$0x3FAE]  }
0x2d: {  	s3 =	simm.s32 $0x108;
	s8 =	sld [smem:$0x3FAF]  }
0x2e: {  	s3 =	simm.s32 @!p0 $0x1082;
	s9 =	sld [smem:$0x3FB0]  }
0x2f: {  	lr =	sadd.s32 s0, s3;
	s0 =	sld [smem:$0x3FA7]  }
0x30: {  	s3 =	sld [smem:$0x3FAA]  }
0x31: {  	[smem:$0x3FB3] =	sst s10  }
0x32: {  	s10 =	sld [smem:$0x3FB1];
	_ =	sdelay $0x3  }
0x33: {  	p0 =	seq.s32 s10, $0x1;
	s10 =	sld [smem:$0x3FB3];
	_ =	sdelay $0x3  }
0x34: {  	[smem:$0x3FB3] =	sst s10  }
0x35: {  	s10 =	sld [smem:$0x3FB2];
	_ =	sdelay $0x3  }
0x36: {  	p1 =	seq.s32 s10, $0x1;
	s10 =	sld [smem:$0x3FB3];
	_ =	sdelay $0x3  }
0x37: {  	[smem:$0x3FB3] =	sst s10  }
0x38: {  	s10 =	sld [smem:$0x3FB4]  }
0x39: {  	_ = 	snop;
	(pc) =	sbr.ind lr, $3  }
0x3a: {  	_ = 	snop  }
0x3b: {  	_ = 	snop  }
0x3c: {  	p2 =	seq.s32 s10, $0x1;
	s10 =	sld [smem:$0x3FB3]  }
0x3d: {  	_ =	shalt  }
0x3e: {  	_ =	shalt  }
0x3f: {  	_ =	shalt  }
0x40: {  	_ =	shalt  }
0x41: {  	_ =	shalt  }
0x42: {  	_ =	shalt  }
0x43: {  	_ =	shalt  }
0x44: {  	_ =	shalt  }
0x45: {  	_ =	shalt  }
0x46: {  	_ =	shalt  }
0x47: {  	_ =	shalt  }
0x48: {  	_ =	shalt  }
0x49: {  	_ =	shalt  }
0x4a: {  	_ =	shalt  }
0x4b: {  	_ =	shalt  }
0x4c: {  	_ =	shalt  }
0x4d: {  	_ =	shalt  }
0x4e: {  	_ =	shalt  }
0x4f: {  	_ =	shalt  }
0x50: {  	_ =	shalt  }
0x51: {  	_ =	shalt  }
0x52: {  	_ =	shalt  }
0x53: {  	_ =	shalt  }
0x54: {  	_ =	shalt  }
0x55: {  	_ =	shalt  }
0x56: {  	_ =	shalt  }
0x57: {  	_ =	shalt  }
0x58: {  	_ =	shalt  }
0x59: {  	_ =	shalt  }
0x5a: {  	_ =	shalt  }
0x5b: {  	_ =	shalt  }
0x5c: {  	_ =	shalt  }
0x5d: {  	_ =	shalt  }
0x5e: {  	_ =	shalt  }
0x5f: {  	_ =	shalt  }
0x60: {  	_ =	shalt  }
0x61: {  	_ =	shalt  }
0x62: {  	_ =	shalt  }
0x63: {  	_ =	shalt  }
0x64: {  	_ =	shalt  }
0x65: {  	_ =	shalt  }
0x66: {  	_ =	shalt  }
0x67: {  	_ =	shalt  }
0x68: {  	_ =	shalt  }
0x69: {  	_ =	shalt  }
0x6a: {  	_ =	shalt  }
0x6b: {  	_ =	shalt  }
0x6c: {  	_ =	shalt  }
0x6d: {  	_ =	shalt  }
0x6e: {  	_ =	shalt  }
0x6f: {  	_ =	shalt  }
0x70: {  	_ =	shalt  }
0x71: {  	_ =	shalt  }
0x72: {  	_ =	shalt  }
0x73: {  	_ =	shalt  }
0x74: {  	_ =	shalt  }
0x75: {  	_ =	shalt  }
0x76: {  	_ =	shalt  }
0x77: {  	_ =	shalt  }
0x78: {  	_ =	shalt  }
0x79: {  	_ =	shalt  }
0x7a: {  	_ =	shalt  }
0x7b: {  	_ =	shalt  }
0x7c: {  	_ =	shalt  }
0x7d: {  	_ =	shalt  }
0x7e: {  	_ =	shalt  }
0x7f: {  	_ =	shalt  }
0x80: {  	_ =	shalt  }
0x81: {  	_ =	shalt  }
0x82: {  	_ =	shalt  }
0x83: {  	_ =	shalt  }
0x84: {  	_ =	shalt  }
0x85: {  	_ =	shalt  }
0x86: {  	_ =	shalt  }
0x87: {  	_ =	shalt  }
.Lfunc_end0:
.L_simem_size_0:
called_computation_lowered:
.L_overlay_start_0:
0x88: {  	s2 =	sld [smem:$0x3FD9]  }
0x89: {  	s3 =	sld [smem:$0x3FFE];
	_ =	sdelay $0x1  }
0x8a: {  	s1 =	srdreg.scid  }
0x8b: {  	s0 =	sand.u32 $0x1, s1  }
0x8c: {  	s17 =	sshll.u32 s0, $0xA;
	s2 =	sadd.s32 s3, s2  }
0x8d: {  	s2 =	sadd.s32 s2, s17  }
0x8e: {  	[smem:$0x3FBF] =	sst s2  }
0x8f: {  	_ = 	snop  }
0x90: {  	(tm) =	ssettm $0x1  }
0x91: {  	s18 =	sld [smem:$0x3FFB];
	_ =	sdelay $0x3  }
0x92: {  	_ =	strace s18  }
0x93: {  	s2 =	sld [smem:$0x3FFC];
	_ =	sdelay $0x3  }
0x94: {  	_ =	strace s2  }
0x95: {  	s2 =	sld [smem:$0x3FFD];
	_ =	sdelay $0x3  }
0x96: {  	_ =	strace s2  }
0x97: {  	_ =	strace $0x8FFFFFFF  }
0x98: {  	s19 =	sld [smem:$0x3FDB];
	_ =	sdelay $0x1  }
0x99: {  	s20 =	simm.s32 $_scs_section_size  }
0x9a: {  	s4 =	simm.s32 $_size__tile_overlayer_lowered;
	s5 =	simm.s32 $_tile_overlayer_lowered  }
0x9b: {  	s6 =	simm.s32 $0x1BFF;
	s21 =	sshll.u32 s5, $0x1;
	s3 =	sadd.s32 s20, s19  }
0x9c: {  	s22 =	simm.s32 $0x0;
	s4 =	sshll.u32 s4, $0x1;
	s5 =	sadd.s32 s21, s3  }
0x9d: {  	[timem:s22], [sflag:s6] =	dma.local [hbm:s5], s4  }
0x9e: {  	_ =	swait.ge [sflag:s6], s4  }
0x9f: {  	s4 =	ssub.s32 $0x0, s4;
	[sflag:s6] =	ssyncset.done $0x0  }
0xa0: {  	[sflag:s6] =	ssyncadd.s32 s4;
	_ =	sdelay $0x1  }
0xa1: {  	s23 =	simm.s32 $0x1B8B  }
0xa2: {  	_ =	swait.ge [sflag:s23], $0x1  }
0xa3: {  	[sflag:s23] =	ssyncset.done $0x0  }
0xa4: {  	[sflag:s23] =	ssyncadd.s32 $0xFFFFFFFF  }
0xa5: {  	s4 =	sld [smem:$0x0]  }
0xa6: {  	s5 =	sand.u32 $0xFFFFFFFE, s1  }
0xa7: {  	p0 =	sne.s32 s1, s5  }
0xa8: {  	s5 =	sshll.u32 @p0 s5, $0xE  }
0xa9: {  	s5 =	sadd.s32 @p0 $0x11B8D, s5;
	s6 =	sshll.u32 @p0 s4, $0x11  }
0xaa: {  	s5 =	sor.u32 @p0 s6, s5  }
0xab: {  	[sflag:s5] =	ssyncadd.remote.s32 @p0 $0x1;
	_ =	sdelay $0x1  }
0xac: {  	s5 =	simm.s32 @p0 $0x1B8D  }
0xad: {  	_ =	swait.eq @p0 [sflag:s5], $0x1  }
0xae: {  	[sflag:s5] =	ssyncadd.s32 @p0 $0xFFFFFFFF  }
0xaf: {  	s6 =	sshll.u32 @!p0 s1, $0xE  }
0xb0: {  	s6 =	sor.u32 @!p0 $0x4000, s6;
	s5 =	simm.s32 @!p0 $0x1B8D  }
0xb1: {  	s4 =	sshll.u32 @!p0 s4, $0x11;
	s6 =	sadd.s32 @!p0 $0x11B8D, s6;
	_ =	swait.eq @!p0 [sflag:s5], $0x1  }
0xb2: {  	s4 =	sor.u32 @!p0 s4, s6;
	[sflag:s5] =	ssyncadd.s32 @!p0 $0xFFFFFFFF  }
0xb3: {  	s25 =	simm.s32 $0x1B8E;
	s24 =	sld [smem:$0x3FFE];
	[sflag:s4] =	ssyncadd.remote.s32 @!p0 $0x1  }
0xb4: {  	s26 =	simm.s32 $execute0_lowered;
	[smem:$0x3FD2] =	sst s25  }
0xb5: {  	s5 =	sshll.u32 s26, $0x1;
	_ =	strace $0x80000052;
	[dreg:$0x1] =	wrdreg $0xFFFFFFFF  }
0xb6: {  	s28 =	simm.s32 $_size_execute0_lowered;
	s3 =	sadd.s32 s3, s5;
	[dreg:$0x0] =	wrdreg $0x0  }
0xb7: {  	s5 =	sshll.u32 s28, $0x1;
	[dreg:$0x2] =	wrdreg s3  }
0xb8: {  	[dreg:$0x3] =	wrdreg s5  }
0xb9: {  	[dreg:$0x4] =	wrdreg $0xC0  }
0xba: {  	_ =	task [dreg:s22], $0x5FFFF  }
0xbb: {  	[dreg:$0x1] =	wrdreg $0xFFFFFFFF  }
0xbc: {  	[dreg:$0x0] =	wrdreg $0x60  }
0xbd: {  	[dreg:$0x2] =	wrdreg s24  }
0xbe: {  	[dreg:$0x3] =	wrdreg $0x9  }
0xbf: {  	_ =	task.clear_ibuf [dreg:s22], $0x4FFFF;
	_ =	strace $0x90000052  }
0xc0: {  	s29 =	simm.s32 $0x9;
	_ =	strace $0x80000054  }
0xc1: {  	_ =	swait.ge [sflag:s29], $0x1  }
0xc2: {  	[sflag:s29] =	ssyncadd.s32 $0xFFFFFFFF  }
0xc3: {  	_ =	strace $0x90000054  }
0xc4: {  	_ =	sfence  }
0xc5: {  	s30 =	sld [smem:$0x0];
	_ =	sdelay $0x2  }
0xc6: {  	s31 =	sshll.u32 s1, $0xD;
	s1 =	sshrl.u32 s1, $0x2  }
0xc7: {  	s4 =	sand.u32 $0x4000, s31;
	s1 =	sadd.s32 s1, s30  }
0xc8: {  	s0 =	sor.u32 s4, s0;
	s1 =	sshll.u32 s1, $0x11  }
0xc9: {  	s0 =	sor.u32 s1, s0  }
0xca: {  	s0 =	sadd.s32 $0x8F2B, s0  }
0xcb: {  	[sflag:s0] =	ssyncadd.remote.s32 $0x1  }
0xcc: {  	_ =	sfence.sel $0xFFFF  }
0xcd: {  	[dreg:$0x0] =	wrdreg $0xFFFFFFFF;
	(pc) =	sbr.abs _section_cstart, $3  }
0xce: {  	[dreg:$0x1] =	wrdreg $0xFFFFFFFF  }
0xcf: {  	_ =	task.clear_ibuf [dreg:s22], $0x2FFFF;
	_ =	strace $0x9FFFFFFF  }
0xd0: {  	(tm) =	ssettm $0x7FFFFFFF  }
0xd1: {  	_ =	shalt  }
tec
execute0_lowered:
.L_overlay_start_1:
0x0: {  	(tag) =	ssettag $0x1  }
0x1: {  	s4 =	rddreg [dreg:$0x0];
	s2 =	srdreg.scid  }
0x2: {  	s0 =	rddreg [dreg:$0x1];
	s1 =	stileid.u32  }
0x3: {  	s7 =	sand.u32 $0x1, s2;
	s2 =	simm.s32 $0x0;
	s3 =	sshll.u32 s1, $0x5  }
0x4: {  	s8 =	sshll.u32 s1, $0xC;
	s31 =	sshll.u32 s1, $0x1;
	s5 =	sshll.u32 s7, $0x4  }
0x5: {  	[smem:$0x7FF] =	sst s2;
	s9 =	ssub.s32 $0x2, s7;
	s8 =	sadd.s32 s8, s4  }
0x6: {  	s30 =	sshll.u32 s7, $0xB;
	s7 =	sor.u32 s7, s31;
	s5 =	sor.u32 s5, s3  }
0x7: {  	_ =	strace $0x80000053;
	s3 =	sadd.s32 $0xEA00, s4;
	s6 =	sand.u32 $0x180, s5  }
0x8: {  	s29 =	sshrl.u32 s9, $0x1;
	s5 =	sand.u32 $0x70, s5;
	s6 =	sadd.s32 s6, s4  }
0x9: {  	s4 =	ssub.s32 s9, s29;
	s5 =	sadd.s32 s5, s6;
	s6 =	sadd.s32 s30, s8  }
0xa: {  	s4 =	smax.u32 s4, $0x1;
	s5 =	sadd.s32 $0x41DC00, s5;
	s6 =	sadd.s32 $0x41FC00, s6  }
.LBB2_1:
0xb: {  	s8 =	sadd.s32 $0x0, s7  }
0xc: {  	p0 =	sgt.u32 s8, $0x1F3  }
0xd: {  	s8 =	simm.s32 @!p0 $0x0;
	s9 =	simm.s32 @!p0 $0x3  }
0xe: {  	[tilespmem:s8], [sflag:$0x3] =	stream.linear.gather @!p0 [hbm4b:s5+s8], $0x80, $0x38;
	[tilespmem:$0x4080] =	vst v63  }
0xf: {  	_ =	swait.ge @!p0 [sflag:s9], $0x80  }
0x10: {  	[sflag:s9] =	ssyncset.done @!p0 $0x0;
	p0 =	por p0, p0  }
0x11: {  	[sflag:s9] =	ssyncadd.s32 @!p0 $0xFFFFFF80;
	s10 =	simm.s32 @!p0 $0x80;
	s11 =	simm.s32 @!p0 $0x1  }
0x12: {  	[tilespmem:s10], [sflag:$0x1] =	stream.indirect.gather @!p0 [hbm4b:s3+s10], $0x80, s8, s10, $0xb8;
	[tilespmem:$0x4080] =	vst v63  }
0x13: {  	_ =	swait.ge @!p0 [sflag:s11], $0x4000  }
0x14: {  	[sflag:s11] =	ssyncset.done @!p0 $0x0  }
0x15: {  	s31 =	sadd.s32 $0x20, s7;
	[sflag:s11] =	ssyncadd.s32 @!p0 $0xFFFFC000;
	s11 =	simm.s32 @!p0 $0x2  }
0x16: {  	[hbm4b:s6+s8] =	stream.linear.scatter @!p0 [tilespmem:s10], [sflag:$0x2], $0x4000, $0x38;
	[tilespmem:$0x4080] =	vst v63  }
0x17: {  	p1 =	sgt.u32 s31, $0x1F3;
	s9 =	simm.s32 $0x40;
	_ =	swait.ge @!p0 [sflag:s11], $0x4000  }
0x18: {  	s8 =	sadd.s32 $0x10000, s6;
	s10 =	sadd.s32 $0x200, s5;
	[sflag:s11] =	ssyncset.done @!p0 $0x0  }
.LBB2_2:
0x19: {  	s12 =	simm.s32 @!p1 $0x0;
	s13 =	simm.s32 @!p1 $0x3;
	[sflag:s11] =	ssyncadd.s32 @!p0 $0xFFFFC000  }
0x1a: {  	[tilespmem:s12], [sflag:$0x3] =	stream.linear.gather @!p1 [hbm4b:s10+s12], $0x80, $0x38;
	[tilespmem:$0x4080] =	vst v63  }
0x1b: {  	s14 =	smov.u32 s9;
	s9 =	sadd.s32 $0x20, s9;
	_ =	swait.ge @!p1 [sflag:s13], $0x80  }
0x1c: {  	p0 =	por p1, p1;
	p2 =	sne.s32 s9, $0x200;
	[sflag:s13] =	ssyncset.done @!p1 $0x0  }
0x1d: {  	s11 =	simm.s32 @!p0 $0x1;
	[sflag:s13] =	ssyncadd.s32 @!p0 $0xFFFFFF80;
	s13 =	simm.s32 @!p0 $0x80  }
0x1e: {  	[tilespmem:s13], [sflag:$0x1] =	stream.indirect.gather @!p0 [hbm4b:s3+s13], $0x80, s12, s13, $0xb8;
	[tilespmem:$0x4080] =	vst v63  }
0x1f: {  	_ =	swait.ge @!p0 [sflag:s11], $0x4000  }
.Ltmp0:
0x20: {  	[sflag:s11] =	ssyncset.done @!p0 $0x0;
	(pc) =	sbr.rel @p2 .LBB2_2-.Ltmp0, $4  }
0x21: {  	[sflag:s11] =	ssyncadd.s32 @!p0 $0xFFFFC000;
	s11 =	simm.s32 @!p0 $0x2  }
0x22: {  	[hbm4b:s8+s12] =	stream.linear.scatter @!p0 [tilespmem:s13], [sflag:$0x2], $0x4000, $0x38;
	[tilespmem:$0x4080] =	vst v63  }
0x23: {  	s12 =	sadd.s32 s14, s7;
	s8 =	sadd.s32 $0x10000, s8;
	_ =	swait.ge @!p0 [sflag:s11], $0x4000  }
0x24: {  	s10 =	sadd.s32 $0x200, s10;
	p1 =	sgt.u32 s12, $0x1F3;
	[sflag:s11] =	ssyncset.done @!p0 $0x0  }
0x25: {  	s9 =	simm.s32 @!p1 $0x0;
	s12 =	simm.s32 @!p1 $0x3;
	[sflag:s11] =	ssyncadd.s32 @!p0 $0xFFFFC000  }
0x26: {  	[tilespmem:s9], [sflag:$0x3] =	stream.linear.gather @!p1 [hbm4b:s10+s9], $0x80, $0x38;
	[tilespmem:$0x4080] =	vst v63  }
0x27: {  	_ =	swait.ge @!p1 [sflag:s12], $0x80  }
0x28: {  	p0 =	por p1, p1;
	[sflag:s12] =	ssyncset.done @!p1 $0x0  }
0x29: {  	s10 =	simm.s32 @!p0 $0x80;
	s11 =	simm.s32 @!p0 $0x1;
	[sflag:s12] =	ssyncadd.s32 @!p0 $0xFFFFFF80  }
0x2a: {  	[tilespmem:s10], [sflag:$0x1] =	stream.indirect.gather @!p0 [hbm4b:s3+s10], $0x80, s9, s10, $0xb8;
	[tilespmem:$0x4080] =	vst v63  }
0x2b: {  	s2 =	sadd.s32 $0x1, s2;
	_ =	swait.ge @!p0 [sflag:s11], $0x4000  }
0x2c: {  	p1 =	sne.s32 s2, s4;
	[sflag:s11] =	ssyncset.done @!p0 $0x0  }
.Ltmp1:
0x2d: {  	[sflag:s11] =	ssyncadd.s32 @!p0 $0xFFFFC000;
	s11 =	simm.s32 @!p0 $0x2;
	(pc) =	sbr.rel @p1 .LBB2_1-.Ltmp1, $4  }
0x2e: {  	[hbm4b:s8+s9] =	stream.linear.scatter @!p0 [tilespmem:s10], [sflag:$0x2], $0x4000, $0x38;
	[tilespmem:$0x4080] =	vst v63  }
0x2f: {  	_ =	swait.ge @!p0 [sflag:s11], $0x4000  }
0x30: {  	[sflag:s11] =	ssyncset.done @!p0 $0x0  }
0x31: {  	[sflag:s11] =	ssyncadd.s32 @!p0 $0xFFFFC000  }
0x32: {  	_ =	sfence.sel $0x180000  }
0x33: {  	[bflag:$0x0] =	sbarrier.arrive $0xFFFF  }
0x34: {  	p0 =	sne.s32 s1, $0x0;
	_ =	strace $0x90000053  }
0x35: {  	s0 =	sadd.s32 @!p0 $0x100000, s0;
	[bflag:$0x2] =	sbarrier.arrive $0xFFFF  }
0x36: {  	[sflag:s0] =	ssyncadd.tile.s32 @!p0 $0x1;
	_ =	shalt  }
.Lfunc_end2:
_tile_overlayer_lowered:
.L_overlay_start_2:
0x37: {  	(tag) =	ssettag $0x2  }
0x38: {  	s0 =	rddreg [dreg:$0x0];
	s2 =	stileid.u32  }
0x39: {  	s1 =	rddreg [dreg:$0x1];
	p0 =	sne.s32 s2, $0x0  }
0x3a: {  	s3 =	rddreg [dreg:$0x2];
	[bflag:$0x3] =	sbarrier.arrive $0xFFFF;
	s2 =	simm.s32 @!p0 $0x1C02  }
0x3b: {  	[timem:s3], [sflag:s2] =	dma.local @!p0 [hbm:s0], s1  }
0x3c: {  	s0 =	simm.s32 @!p0 $0x2  }
0x3d: {  	_ =	swait.ge @!p0 [sflag:s0], s1  }
0x3e: {  	s1 =	ssub.s32 @!p0 $0x0, s1;
	[sflag:s0] =	ssyncset.done @!p0 $0x0  }
0x3f: {  	[sflag:s0] =	ssyncadd.s32 @!p0 s1  }
0x40: {  	[bflag:$0x3] =	sbarrier.arrive $0xFFFF  }
0x41: {  	_ =	shalt  }

// kernel: kernel.21.cloned.1.call-start
scs
__scs_entry_jumppad:
0x0: {  	(pc) =	sbr.rel $0x88, $3  }
0x1: {  	(tag) =	ssettag $0x0;
	lr =	simm.s32 $0x1  }
0x2: {  	[smem:$0x3F98] =	sst lr;
	_ =	strace $0xD0000000  }
0x3: {  	_ = 	snop  }
0x4: {  	_ = 	snop  }
0x5: {  	_ = 	snop  }
0x6: {  	_ = 	snop  }
0x7: {  	_ = 	snop  }
__scs_overlays_trampoline_lowered:
0x8: {  	[smem:$0x3FA7] =	sst s0  }
0x9: {  	[smem:$0x3FA8] =	sst s1  }
0xa: {  	[smem:$0x3FA9] =	sst s2  }
0xb: {  	[smem:$0x3FAA] =	sst s3  }
0xc: {  	[smem:$0x3FAB] =	sst s4  }
0xd: {  	[smem:$0x3FAC] =	sst s5  }
0xe: {  	[smem:$0x3FAD] =	sst s6  }
0xf: {  	[smem:$0x3FAE] =	sst s7  }
0x10: {  	[smem:$0x3FAF] =	sst s8  }
0x11: {  	[smem:$0x3FB0] =	sst s9;
	s0 =	simm.s32 @!p0 $0x0  }
0x12: {  	s1 =	sld [smem:$0x3F96];
	s0 =	simm.s32 @p0 $0x1  }
0x13: {  	[smem:$0x3FB1] =	sst s0;
	s0 =	simm.s32 @!p1 $0x0  }
0x14: {  	s2 =	sld [smem:$0x3F95];
	s0 =	simm.s32 @p1 $0x1  }
0x15: {  	[smem:$0x3FB2] =	sst s0;
	s0 =	simm.s32 @!p2 $0x0  }
0x16: {  	s3 =	sld [smem:$0x3FDB];
	s0 =	simm.s32 @p2 $0x1  }
0x17: {  	s4 =	simm.s32 $0x1BF5;
	[smem:$0x3FB4] =	sst s0  }
0x18: {  	s0 =	sld [smem:$0x3F97];
	_ =	swait.ge [sflag:s4], $0x0  }
0x19: {  	s7 =	sld [smem:$0x3F98]  }
0x1a: {  	s8 =	sadd.s32 $0xFFFFE003, lr  }
0x1b: {  	s9 =	sadd.s32 $0xFFFFFEF7, lr;
	s5 =	simm.s32 $0xFFFFFFFF;
	p2 =	slt.u32 s8, $0xFFFFF086  }
0x1c: {  	p1 =	slt.u32 s9, $0xF7A;
	s5 =	simm.s32 @!p2 $0x0  }
0x1d: {  	s5 =	simm.s32 @p1 $0x1;
	p0 =	seq.s32 s7, s2  }
0x1e: {  	s7 =	smul.u32 @!p0 $0xF7A, s2;
	p2 =	seq.s32 @!p0 s5, $0x0  }
0x1f: {  	s9 =	smul.u32 $0xF7A, s1;
	s8 =	simm.s32 @!p0 $0x1BF5;
	p2 =	por !p2, p0  }
0x20: {  	[sflag:s8] =	ssyncset.s32 @!p0 $0xFFFFF086;
	s6 =	sadd.s32 @!p0 s3, s7;
	s7 =	simm.s32 @!p0 $0x108  }
0x21: {  	s3 =	sadd.s32 s3, s9;
	s6 =	sadd.s32 @!p0 $0x88, s6;
	s7 =	simm.s32 @p2 $0x1082  }
0x22: {  	[simem:s7], [sflag:s8] =	dma.local @!p0 [hbm:s6], $0xF7A  }
0x23: {  	s9 =	sor.u32 $0xD0000000, s2;
	s6 =	simm.s32 $0x108;
	_ =	swait.ge @!p0 [sflag:s8], $0x0  }
0x24: {  	s3 =	sadd.s32 $0x88, s3;
	s6 =	simm.s32 @!p1 $0x1082;
	[sflag:s4] =	ssyncset.s32 $0xFFFFF086  }
0x25: {  	[simem:s6], [sflag:s4] =	dma.local [hbm:s3], $0xF7A  }
0x26: {  	[smem:$0x3F98] =	sst s1;
	(tag) =	ssettag s2;
	_ =	strace s9  }
0x27: {  	s1 =	sld [smem:$0x3FA8]  }
0x28: {  	s2 =	sld [smem:$0x3FA9]  }
0x29: {  	s4 =	sld [smem:$0x3FAB]  }
0x2a: {  	p0 =	seq.s32 s5, $0x0;
	s5 =	sld [smem:$0x3FAC]  }
0x2b: {  	s6 =	sld [smem:$0x3FAD]  }
0x2c: {  	s7 =	sld [smem:$0x3FAE]  }
0x2d: {  	s3 =	simm.s32 $0x108;
	s8 =	sld [smem:$0x3FAF]  }
0x2e: {  	s3 =	simm.s32 @!p0 $0x1082;
	s9 =	sld [smem:$0x3FB0]  }
0x2f: {  	lr =	sadd.s32 s0, s3;
	s0 =	sld [smem:$0x3FA7]  }
0x30: {  	s3 =	sld [smem:$0x3FAA]  }
0x31: {  	[smem:$0x3FB3] =	sst s10  }
0x32: {  	s10 =	sld [smem:$0x3FB1];
	_ =	sdelay $0x3  }
0x33: {  	p0 =	seq.s32 s10, $0x1;
	s10 =	sld [smem:$0x3FB3];
	_ =	sdelay $0x3  }
0x34: {  	[smem:$0x3FB3] =	sst s10  }
0x35: {  	s10 =	sld [smem:$0x3FB2];
	_ =	sdelay $0x3  }
0x36: {  	p1 =	seq.s32 s10, $0x1;
	s10 =	sld [smem:$0x3FB3];
	_ =	sdelay $0x3  }
0x37: {  	[smem:$0x3FB3] =	sst s10  }
0x38: {  	s10 =	sld [smem:$0x3FB4]  }
0x39: {  	_ = 	snop;
	(pc) =	sbr.ind lr, $3  }
0x3a: {  	_ = 	snop  }
0x3b: {  	_ = 	snop  }
0x3c: {  	p2 =	seq.s32 s10, $0x1;
	s10 =	sld [smem:$0x3FB3]  }
0x3d: {  	_ =	shalt  }
0x3e: {  	_ =	shalt  }
0x3f: {  	_ =	shalt  }
0x40: {  	_ =	shalt  }
0x41: {  	_ =	shalt  }
0x42: {  	_ =	shalt  }
0x43: {  	_ =	shalt  }
0x44: {  	_ =	shalt  }
0x45: {  	_ =	shalt  }
0x46: {  	_ =	shalt  }
0x47: {  	_ =	shalt  }
0x48: {  	_ =	shalt  }
0x49: {  	_ =	shalt  }
0x4a: {  	_ =	shalt  }
0x4b: {  	_ =	shalt  }
0x4c: {  	_ =	shalt  }
0x4d: {  	_ =	shalt  }
0x4e: {  	_ =	shalt  }
0x4f: {  	_ =	shalt  }
0x50: {  	_ =	shalt  }
0x51: {  	_ =	shalt  }
0x52: {  	_ =	shalt  }
0x53: {  	_ =	shalt  }
0x54: {  	_ =	shalt  }
0x55: {  	_ =	shalt  }
0x56: {  	_ =	shalt  }
0x57: {  	_ =	shalt  }
0x58: {  	_ =	shalt  }
0x59: {  	_ =	shalt  }
0x5a: {  	_ =	shalt  }
0x5b: {  	_ =	shalt  }
0x5c: {  	_ =	shalt  }
0x5d: {  	_ =	shalt  }
0x5e: {  	_ =	shalt  }
0x5f: {  	_ =	shalt  }
0x60: {  	_ =	shalt  }
0x61: {  	_ =	shalt  }
0x62: {  	_ =	shalt  }
0x63: {  	_ =	shalt  }
0x64: {  	_ =	shalt  }
0x65: {  	_ =	shalt  }
0x66: {  	_ =	shalt  }
0x67: {  	_ =	shalt  }
0x68: {  	_ =	shalt  }
0x69: {  	_ =	shalt  }
0x6a: {  	_ =	shalt  }
0x6b: {  	_ =	shalt  }
0x6c: {  	_ =	shalt  }
0x6d: {  	_ =	shalt  }
0x6e: {  	_ =	shalt  }
0x6f: {  	_ =	shalt  }
0x70: {  	_ =	shalt  }
0x71: {  	_ =	shalt  }
0x72: {  	_ =	shalt  }
0x73: {  	_ =	shalt  }
0x74: {  	_ =	shalt  }
0x75: {  	_ =	shalt  }
0x76: {  	_ =	shalt  }
0x77: {  	_ =	shalt  }
0x78: {  	_ =	shalt  }
0x79: {  	_ =	shalt  }
0x7a: {  	_ =	shalt  }
0x7b: {  	_ =	shalt  }
0x7c: {  	_ =	shalt  }
0x7d: {  	_ =	shalt  }
0x7e: {  	_ =	shalt  }
0x7f: {  	_ =	shalt  }
0x80: {  	_ =	shalt  }
0x81: {  	_ =	shalt  }
0x82: {  	_ =	shalt  }
0x83: {  	_ =	shalt  }
0x84: {  	_ =	shalt  }
0x85: {  	_ =	shalt  }
0x86: {  	_ =	shalt  }
0x87: {  	_ =	shalt  }
.Lfunc_end0:
.L_simem_size_0:
called_computation.1_lowered:
.L_overlay_start_0:
0x88: {  	s2 =	sld [smem:$0x3FD9]  }
0x89: {  	s3 =	sld [smem:$0x3FFE];
	_ =	sdelay $0x1  }
0x8a: {  	s1 =	srdreg.scid  }
0x8b: {  	s0 =	sand.u32 $0x1, s1  }
0x8c: {  	s16 =	sshll.u32 s0, $0xA;
	s2 =	sadd.s32 s3, s2  }
0x8d: {  	s2 =	sadd.s32 s2, s16  }
0x8e: {  	[smem:$0x3FBF] =	sst s2  }
0x8f: {  	_ = 	snop  }
0x90: {  	(tm) =	ssettm $0x1  }
0x91: {  	s17 =	sld [smem:$0x3FFB];
	_ =	sdelay $0x3  }
0x92: {  	_ =	strace s17  }
0x93: {  	s2 =	sld [smem:$0x3FFC];
	_ =	sdelay $0x3  }
0x94: {  	_ =	strace s2  }
0x95: {  	s2 =	sld [smem:$0x3FFD];
	_ =	sdelay $0x3  }
0x96: {  	_ =	strace s2  }
0x97: {  	_ =	strace $0x8FFFFFFF  }
0x98: {  	s18 =	sld [smem:$0x3FDB];
	_ =	sdelay $0x1  }
0x99: {  	s19 =	simm.s32 $_scs_section_size  }
0x9a: {  	s4 =	simm.s32 $_size__tile_overlayer_lowered;
	s5 =	simm.s32 $_tile_overlayer_lowered  }
0x9b: {  	s22 =	simm.s32 $0x1BFF;
	s21 =	sshll.u32 s5, $0x1;
	s2 =	sadd.s32 s19, s18  }
0x9c: {  	s6 =	simm.s32 $0x0;
	s20 =	sshll.u32 s4, $0x1;
	s4 =	sadd.s32 s21, s2  }
0x9d: {  	[timem:s6], [sflag:s22] =	dma.local [hbm:s4], s20  }
0x9e: {  	_ =	swait.ge [sflag:s22], s20  }
0x9f: {  	s3 =	ssub.s32 $0x0, s20;
	[sflag:s22] =	ssyncset.done $0x0  }
0xa0: {  	[sflag:s22] =	ssyncadd.s32 s3;
	_ =	sdelay $0x1  }
0xa1: {  	s23 =	simm.s32 $0x1B8B  }
0xa2: {  	_ =	swait.ge [sflag:s23], $0x1  }
0xa3: {  	[sflag:s23] =	ssyncset.done $0x0  }
0xa4: {  	s25 =	simm.s32 $0x1B8E;
	s24 =	sld [smem:$0x3FFE];
	[sflag:s23] =	ssyncadd.s32 $0xFFFFFFFF  }
0xa5: {  	s26 =	simm.s32 $execute0_lowered;
	[smem:$0x3FD2] =	sst s25  }
0xa6: {  	s4 =	sshll.u32 s26, $0x1;
	_ =	strace $0x80000046;
	[dreg:$0x1] =	wrdreg $0xFFFFFFFF  }
0xa7: {  	s28 =	simm.s32 $_size_execute0_lowered;
	s2 =	sadd.s32 s2, s4;
	[dreg:$0x0] =	wrdreg $0x0  }
0xa8: {  	s4 =	sshll.u32 s28, $0x1;
	[dreg:$0x2] =	wrdreg s2  }
0xa9: {  	[dreg:$0x3] =	wrdreg s4  }
0xaa: {  	[dreg:$0x4] =	wrdreg $0xC0  }
0xab: {  	_ =	task [dreg:s6], $0x5FFFF  }
0xac: {  	[dreg:$0x1] =	wrdreg $0xFFFFFFFF  }
0xad: {  	[dreg:$0x0] =	wrdreg $0x60  }
0xae: {  	[dreg:$0x2] =	wrdreg s24  }
0xaf: {  	[dreg:$0x3] =	wrdreg $0xA  }
0xb0: {  	_ =	task.clear_ibuf [dreg:s6], $0x4FFFF;
	_ =	strace $0x90000046  }
0xb1: {  	s29 =	simm.s32 $0xA;
	_ =	strace $0x80000048  }
0xb2: {  	_ =	swait.ge [sflag:s29], $0x1  }
0xb3: {  	[sflag:s29] =	ssyncadd.s32 $0xFFFFFFFF  }
0xb4: {  	_ =	strace $0x90000048  }
0xb5: {  	_ =	sfence  }
0xb6: {  	s30 =	sld [smem:$0x0];
	_ =	sdelay $0x2  }
0xb7: {  	s31 =	sshll.u32 s1, $0xD;
	s1 =	sshrl.u32 s1, $0x2  }
0xb8: {  	s3 =	sand.u32 $0x4000, s31;
	s1 =	sadd.s32 s1, s30  }
0xb9: {  	s0 =	sor.u32 s3, s0;
	s1 =	sshll.u32 s1, $0x11  }
0xba: {  	s0 =	sor.u32 s1, s0  }
0xbb: {  	s0 =	sadd.s32 $0x8F2B, s0  }
0xbc: {  	[sflag:s0] =	ssyncadd.remote.s32 $0x1  }
0xbd: {  	_ =	sfence.sel $0xFFFF  }
0xbe: {  	[dreg:$0x0] =	wrdreg $0xFFFFFFFF;
	(pc) =	sbr.abs _section_cstart, $3  }
0xbf: {  	[dreg:$0x1] =	wrdreg $0xFFFFFFFF  }
0xc0: {  	_ =	task.clear_ibuf [dreg:s6], $0x2FFFF;
	_ =	strace $0x9FFFFFFF  }
0xc1: {  	(tm) =	ssettm $0x7FFFFFFF  }
tec
execute0_lowered:
.L_overlay_start_1:
0x0: {  	(tag) =	ssettag $0x1  }
0x1: {  	s4 =	rddreg [dreg:$0x0];
	s2 =	srdreg.scid  }
0x2: {  	s0 =	rddreg [dreg:$0x1];
	s1 =	stileid.u32  }
0x3: {  	s7 =	sand.u32 $0x1, s2;
	s2 =	simm.s32 $0x0;
	s3 =	sshll.u32 s1, $0x5  }
0x4: {  	s8 =	sshll.u32 s1, $0xC;
	s31 =	sshll.u32 s1, $0x1;
	s5 =	sshll.u32 s7, $0x4  }
0x5: {  	[smem:$0x7FF] =	sst s2;
	s9 =	ssub.s32 $0x2, s7;
	s8 =	sadd.s32 s8, s4  }
0x6: {  	s30 =	sshll.u32 s7, $0xB;
	s7 =	sor.u32 s7, s31;
	s5 =	sor.u32 s5, s3  }
0x7: {  	_ =	strace $0x80000047;
	s3 =	sadd.s32 $0xEA00, s4;
	s6 =	sand.u32 $0x180, s5  }
0x8: {  	s29 =	sshrl.u32 s9, $0x1;
	s5 =	sand.u32 $0x70, s5;
	s6 =	sadd.s32 s6, s4  }
0x9: {  	s4 =	ssub.s32 s9, s29;
	s5 =	sadd.s32 s5, s6;
	s6 =	sadd.s32 s30, s8  }
0xa: {  	s4 =	smax.u32 s4, $0x1;
	s5 =	sadd.s32 $0x6A00, s5;
	s6 =	sadd.s32 $0x35C00, s6  }
.LBB2_1:
0xb: {  	s8 =	sadd.s32 $0x0, s7  }
0xc: {  	p0 =	sgt.u32 s8, $0x1F3  }
0xd: {  	s8 =	simm.s32 @!p0 $0x0;
	s9 =	simm.s32 @!p0 $0x3  }
0xe: {  	[tilespmem:s8], [sflag:$0x3] =	stream.linear.gather @!p0 [hbm4b:s5+s8], $0x80, $0x38;
	[tilespmem:$0x4080] =	vst v63  }
0xf: {  	_ =	swait.ge @!p0 [sflag:s9], $0x80  }
0x10: {  	[sflag:s9] =	ssyncset.done @!p0 $0x0;
	p0 =	por p0, p0  }
0x11: {  	[sflag:s9] =	ssyncadd.s32 @!p0 $0xFFFFFF80;
	s10 =	simm.s32 @!p0 $0x80;
	s11 =	simm.s32 @!p0 $0x1  }
0x12: {  	[tilespmem:s10], [sflag:$0x1] =	stream.indirect.gather @!p0 [hbm4b:s3+s10], $0x80, s8, s10, $0xb8;
	[tilespmem:$0x4080] =	vst v63  }
0x13: {  	_ =	swait.ge @!p0 [sflag:s11], $0x4000  }
0x14: {  	[sflag:s11] =	ssyncset.done @!p0 $0x0  }
0x15: {  	s31 =	sadd.s32 $0x20, s7;
	[sflag:s11] =	ssyncadd.s32 @!p0 $0xFFFFC000;
	s11 =	simm.s32 @!p0 $0x2  }
0x16: {  	[hbm4b:s6+s8] =	stream.linear.scatter @!p0 [tilespmem:s10], [sflag:$0x2], $0x4000, $0x38;
	[tilespmem:$0x4080] =	vst v63  }
0x17: {  	p1 =	sgt.u32 s31, $0x1F3;
	s9 =	simm.s32 $0x40;
	_ =	swait.ge @!p0 [sflag:s11], $0x4000  }
0x18: {  	s8 =	sadd.s32 $0x10000, s6;
	s10 =	sadd.s32 $0x200, s5;
	[sflag:s11] =	ssyncset.done @!p0 $0x0  }
.LBB2_2:
0x19: {  	s12 =	simm.s32 @!p1 $0x0;
	s13 =	simm.s32 @!p1 $0x3;
	[sflag:s11] =	ssyncadd.s32 @!p0 $0xFFFFC000  }
0x1a: {  	[tilespmem:s12], [sflag:$0x3] =	stream.linear.gather @!p1 [hbm4b:s10+s12], $0x80, $0x38;
	[tilespmem:$0x4080] =	vst v63  }
0x1b: {  	s14 =	smov.u32 s9;
	s9 =	sadd.s32 $0x20, s9;
	_ =	swait.ge @!p1 [sflag:s13], $0x80  }
0x1c: {  	p0 =	por p1, p1;
	p2 =	sne.s32 s9, $0x200;
	[sflag:s13] =	ssyncset.done @!p1 $0x0  }
0x1d: {  	s11 =	simm.s32 @!p0 $0x1;
	[sflag:s13] =	ssyncadd.s32 @!p0 $0xFFFFFF80;
	s13 =	simm.s32 @!p0 $0x80  }
0x1e: {  	[tilespmem:s13], [sflag:$0x1] =	stream.indirect.gather @!p0 [hbm4b:s3+s13], $0x80, s12, s13, $0xb8;
	[tilespmem:$0x4080] =	vst v63  }
0x1f: {  	_ =	swait.ge @!p0 [sflag:s11], $0x4000  }
.Ltmp0:
0x20: {  	[sflag:s11] =	ssyncset.done @!p0 $0x0;
	(pc) =	sbr.rel @p2 .LBB2_2-.Ltmp0, $4  }
0x21: {  	[sflag:s11] =	ssyncadd.s32 @!p0 $0xFFFFC000;
	s11 =	simm.s32 @!p0 $0x2  }
0x22: {  	[hbm4b:s8+s12] =	stream.linear.scatter @!p0 [tilespmem:s13], [sflag:$0x2], $0x4000, $0x38;
	[tilespmem:$0x4080] =	vst v63  }
0x23: {  	s12 =	sadd.s32 s14, s7;
	s8 =	sadd.s32 $0x10000, s8;
	_ =	swait.ge @!p0 [sflag:s11], $0x4000  }
0x24: {  	s10 =	sadd.s32 $0x200, s10;
	p1 =	sgt.u32 s12, $0x1F3;
	[sflag:s11] =	ssyncset.done @!p0 $0x0  }
0x25: {  	s9 =	simm.s32 @!p1 $0x0;
	s12 =	simm.s32 @!p1 $0x3;
	[sflag:s11] =	ssyncadd.s32 @!p0 $0xFFFFC000  }
0x26: {  	[tilespmem:s9], [sflag:$0x3] =	stream.linear.gather @!p1 [hbm4b:s10+s9], $0x80, $0x38;
	[tilespmem:$0x4080] =	vst v63  }
0x27: {  	_ =	swait.ge @!p1 [sflag:s12], $0x80  }
0x28: {  	p0 =	por p1, p1;
	[sflag:s12] =	ssyncset.done @!p1 $0x0  }
0x29: {  	s10 =	simm.s32 @!p0 $0x80;
	s11 =	simm.s32 @!p0 $0x1;
	[sflag:s12] =	ssyncadd.s32 @!p0 $0xFFFFFF80  }
0x2a: {  	[tilespmem:s10], [sflag:$0x1] =	stream.indirect.gather @!p0 [hbm4b:s3+s10], $0x80, s9, s10, $0xb8;
	[tilespmem:$0x4080] =	vst v63  }
0x2b: {  	s2 =	sadd.s32 $0x1, s2;
	_ =	swait.ge @!p0 [sflag:s11], $0x4000  }
0x2c: {  	p1 =	sne.s32 s2, s4;
	[sflag:s11] =	ssyncset.done @!p0 $0x0  }
.Ltmp1:
0x2d: {  	[sflag:s11] =	ssyncadd.s32 @!p0 $0xFFFFC000;
	s11 =	simm.s32 @!p0 $0x2;
	(pc) =	sbr.rel @p1 .LBB2_1-.Ltmp1, $4  }
0x2e: {  	[hbm4b:s8+s9] =	stream.linear.scatter @!p0 [tilespmem:s10], [sflag:$0x2], $0x4000, $0x38;
	[tilespmem:$0x4080] =	vst v63  }
0x2f: {  	_ =	swait.ge @!p0 [sflag:s11], $0x4000  }
0x30: {  	[sflag:s11] =	ssyncset.done @!p0 $0x0  }
0x31: {  	[sflag:s11] =	ssyncadd.s32 @!p0 $0xFFFFC000  }
0x32: {  	_ =	sfence.sel $0x180000  }
0x33: {  	[bflag:$0x0] =	sbarrier.arrive $0xFFFF  }
0x34: {  	p0 =	sne.s32 s1, $0x0;
	_ =	strace $0x90000047  }
0x35: {  	s0 =	sadd.s32 @!p0 $0x100000, s0;
	[bflag:$0x2] =	sbarrier.arrive $0xFFFF  }
0x36: {  	[sflag:s0] =	ssyncadd.tile.s32 @!p0 $0x1;
	_ =	shalt  }
.Lfunc_end2:
_tile_overlayer_lowered:
.L_overlay_start_2:
0x37: {  	(tag) =	ssettag $0x2  }
0x38: {  	s0 =	rddreg [dreg:$0x0];
	s2 =	stileid.u32  }
0x39: {  	s1 =	rddreg [dreg:$0x1];
	p0 =	sne.s32 s2, $0x0  }
0x3a: {  	s3 =	rddreg [dreg:$0x2];
	[bflag:$0x3] =	sbarrier.arrive $0xFFFF;
	s2 =	simm.s32 @!p0 $0x1C02  }
0x3b: {  	[timem:s3], [sflag:s2] =	dma.local @!p0 [hbm:s0], s1  }
0x3c: {  	s0 =	simm.s32 @!p0 $0x2  }
0x3d: {  	_ =	swait.ge @!p0 [sflag:s0], s1  }
0x3e: {  	s1 =	ssub.s32 @!p0 $0x0, s1;
	[sflag:s0] =	ssyncset.done @!p0 $0x0  }
0x3f: {  	[sflag:s0] =	ssyncadd.s32 @!p0 s1  }
0x40: {  	[bflag:$0x3] =	sbarrier.arrive $0xFFFF  }
0x41: {  	_ =	shalt  }

// kernel: kernel.24.cloned.1.call-start
scs
__scs_entry_jumppad:
0x0: {  	(pc) =	sbr.rel $0x88, $3  }
0x1: {  	(tag) =	ssettag $0x0;
	lr =	simm.s32 $0x1  }
0x2: {  	[smem:$0x3F98] =	sst lr;
	_ =	strace $0xD0000000  }
0x3: {  	_ = 	snop  }
0x4: {  	_ = 	snop  }
0x5: {  	_ = 	snop  }
0x6: {  	_ = 	snop  }
0x7: {  	_ = 	snop  }
__scs_overlays_trampoline_lowered:
0x8: {  	[smem:$0x3FA7] =	sst s0  }
0x9: {  	[smem:$0x3FA8] =	sst s1  }
0xa: {  	[smem:$0x3FA9] =	sst s2  }
0xb: {  	[smem:$0x3FAA] =	sst s3  }
0xc: {  	[smem:$0x3FAB] =	sst s4  }
0xd: {  	[smem:$0x3FAC] =	sst s5  }
0xe: {  	[smem:$0x3FAD] =	sst s6  }
0xf: {  	[smem:$0x3FAE] =	sst s7  }
0x10: {  	[smem:$0x3FAF] =	sst s8  }
0x11: {  	[smem:$0x3FB0] =	sst s9;
	s0 =	simm.s32 @!p0 $0x0  }
0x12: {  	s1 =	sld [smem:$0x3F96];
	s0 =	simm.s32 @p0 $0x1  }
0x13: {  	[smem:$0x3FB1] =	sst s0;
	s0 =	simm.s32 @!p1 $0x0  }
0x14: {  	s2 =	sld [smem:$0x3F95];
	s0 =	simm.s32 @p1 $0x1  }
0x15: {  	[smem:$0x3FB2] =	sst s0;
	s0 =	simm.s32 @!p2 $0x0  }
0x16: {  	s3 =	sld [smem:$0x3FDB];
	s0 =	simm.s32 @p2 $0x1  }
0x17: {  	s4 =	simm.s32 $0x1BF5;
	[smem:$0x3FB4] =	sst s0  }
0x18: {  	s0 =	sld [smem:$0x3F97];
	_ =	swait.ge [sflag:s4], $0x0  }
0x19: {  	s7 =	sld [smem:$0x3F98]  }
0x1a: {  	s8 =	sadd.s32 $0xFFFFE003, lr  }
0x1b: {  	s9 =	sadd.s32 $0xFFFFFEF7, lr;
	s5 =	simm.s32 $0xFFFFFFFF;
	p2 =	slt.u32 s8, $0xFFFFF086  }
0x1c: {  	p1 =	slt.u32 s9, $0xF7A;
	s5 =	simm.s32 @!p2 $0x0  }
0x1d: {  	s5 =	simm.s32 @p1 $0x1;
	p0 =	seq.s32 s7, s2  }
0x1e: {  	s7 =	smul.u32 @!p0 $0xF7A, s2;
	p2 =	seq.s32 @!p0 s5, $0x0  }
0x1f: {  	s9 =	smul.u32 $0xF7A, s1;
	s8 =	simm.s32 @!p0 $0x1BF5;
	p2 =	por !p2, p0  }
0x20: {  	[sflag:s8] =	ssyncset.s32 @!p0 $0xFFFFF086;
	s6 =	sadd.s32 @!p0 s3, s7;
	s7 =	simm.s32 @!p0 $0x108  }
0x21: {  	s3 =	sadd.s32 s3, s9;
	s6 =	sadd.s32 @!p0 $0x88, s6;
	s7 =	simm.s32 @p2 $0x1082  }
0x22: {  	[simem:s7], [sflag:s8] =	dma.local @!p0 [hbm:s6], $0xF7A  }
0x23: {  	s9 =	sor.u32 $0xD0000000, s2;
	s6 =	simm.s32 $0x108;
	_ =	swait.ge @!p0 [sflag:s8], $0x0  }
0x24: {  	s3 =	sadd.s32 $0x88, s3;
	s6 =	simm.s32 @!p1 $0x1082;
	[sflag:s4] =	ssyncset.s32 $0xFFFFF086  }
0x25: {  	[simem:s6], [sflag:s4] =	dma.local [hbm:s3], $0xF7A  }
0x26: {  	[smem:$0x3F98] =	sst s1;
	(tag) =	ssettag s2;
	_ =	strace s9  }
0x27: {  	s1 =	sld [smem:$0x3FA8]  }
0x28: {  	s2 =	sld [smem:$0x3FA9]  }
0x29: {  	s4 =	sld [smem:$0x3FAB]  }
0x2a: {  	p0 =	seq.s32 s5, $0x0;
	s5 =	sld [smem:$0x3FAC]  }
0x2b: {  	s6 =	sld [smem:$0x3FAD]  }
0x2c: {  	s7 =	sld [smem:$0x3FAE]  }
0x2d: {  	s3 =	simm.s32 $0x108;
	s8 =	sld [smem:$0x3FAF]  }
0x2e: {  	s3 =	simm.s32 @!p0 $0x1082;
	s9 =	sld [smem:$0x3FB0]  }
0x2f: {  	lr =	sadd.s32 s0, s3;
	s0 =	sld [smem:$0x3FA7]  }
0x30: {  	s3 =	sld [smem:$0x3FAA]  }
0x31: {  	[smem:$0x3FB3] =	sst s10  }
0x32: {  	s10 =	sld [smem:$0x3FB1];
	_ =	sdelay $0x3  }
0x33: {  	p0 =	seq.s32 s10, $0x1;
	s10 =	sld [smem:$0x3FB3];
	_ =	sdelay $0x3  }
0x34: {  	[smem:$0x3FB3] =	sst s10  }
0x35: {  	s10 =	sld [smem:$0x3FB2];
	_ =	sdelay $0x3  }
0x36: {  	p1 =	seq.s32 s10, $0x1;
	s10 =	sld [smem:$0x3FB3];
	_ =	sdelay $0x3  }
0x37: {  	[smem:$0x3FB3] =	sst s10  }
0x38: {  	s10 =	sld [smem:$0x3FB4]  }
0x39: {  	_ = 	snop;
	(pc) =	sbr.ind lr, $3  }
0x3a: {  	_ = 	snop  }
0x3b: {  	_ = 	snop  }
0x3c: {  	p2 =	seq.s32 s10, $0x1;
	s10 =	sld [smem:$0x3FB3]  }
0x3d: {  	_ =	shalt  }
0x3e: {  	_ =	shalt  }
0x3f: {  	_ =	shalt  }
0x40: {  	_ =	shalt  }
0x41: {  	_ =	shalt  }
0x42: {  	_ =	shalt  }
0x43: {  	_ =	shalt  }
0x44: {  	_ =	shalt  }
0x45: {  	_ =	shalt  }
0x46: {  	_ =	shalt  }
0x47: {  	_ =	shalt  }
0x48: {  	_ =	shalt  }
0x49: {  	_ =	shalt  }
0x4a: {  	_ =	shalt  }
0x4b: {  	_ =	shalt  }
0x4c: {  	_ =	shalt  }
0x4d: {  	_ =	shalt  }
0x4e: {  	_ =	shalt  }
0x4f: {  	_ =	shalt  }
0x50: {  	_ =	shalt  }
0x51: {  	_ =	shalt  }
0x52: {  	_ =	shalt  }
0x53: {  	_ =	shalt  }
0x54: {  	_ =	shalt  }
0x55: {  	_ =	shalt  }
0x56: {  	_ =	shalt  }
0x57: {  	_ =	shalt  }
0x58: {  	_ =	shalt  }
0x59: {  	_ =	shalt  }
0x5a: {  	_ =	shalt  }
0x5b: {  	_ =	shalt  }
0x5c: {  	_ =	shalt  }
0x5d: {  	_ =	shalt  }
0x5e: {  	_ =	shalt  }
0x5f: {  	_ =	shalt  }
0x60: {  	_ =	shalt  }
0x61: {  	_ =	shalt  }
0x62: {  	_ =	shalt  }
0x63: {  	_ =	shalt  }
0x64: {  	_ =	shalt  }
0x65: {  	_ =	shalt  }
0x66: {  	_ =	shalt  }
0x67: {  	_ =	shalt  }
0x68: {  	_ =	shalt  }
0x69: {  	_ =	shalt  }
0x6a: {  	_ =	shalt  }
0x6b: {  	_ =	shalt  }
0x6c: {  	_ =	shalt  }
0x6d: {  	_ =	shalt  }
0x6e: {  	_ =	shalt  }
0x6f: {  	_ =	shalt  }
0x70: {  	_ =	shalt  }
0x71: {  	_ =	shalt  }
0x72: {  	_ =	shalt  }
0x73: {  	_ =	shalt  }
0x74: {  	_ =	shalt  }
0x75: {  	_ =	shalt  }
0x76: {  	_ =	shalt  }
0x77: {  	_ =	shalt  }
0x78: {  	_ =	shalt  }
0x79: {  	_ =	shalt  }
0x7a: {  	_ =	shalt  }
0x7b: {  	_ =	shalt  }
0x7c: {  	_ =	shalt  }
0x7d: {  	_ =	shalt  }
0x7e: {  	_ =	shalt  }
0x7f: {  	_ =	shalt  }
0x80: {  	_ =	shalt  }
0x81: {  	_ =	shalt  }
0x82: {  	_ =	shalt  }
0x83: {  	_ =	shalt  }
0x84: {  	_ =	shalt  }
0x85: {  	_ =	shalt  }
0x86: {  	_ =	shalt  }
0x87: {  	_ =	shalt  }
.Lfunc_end0:
.L_simem_size_0:
called_computation.2_lowered:
.L_overlay_start_0:
0x88: {  	s2 =	sld [smem:$0x3FD9]  }
0x89: {  	s3 =	sld [smem:$0x3FFE];
	_ =	sdelay $0x1  }
0x8a: {  	s1 =	srdreg.scid  }
0x8b: {  	s0 =	sand.u32 $0x1, s1  }
0x8c: {  	s17 =	sshll.u32 s0, $0xA;
	s2 =	sadd.s32 s3, s2  }
0x8d: {  	s2 =	sadd.s32 s2, s17  }
0x8e: {  	[smem:$0x3FBF] =	sst s2  }
0x8f: {  	_ = 	snop  }
0x90: {  	(tm) =	ssettm $0x1  }
0x91: {  	s18 =	sld [smem:$0x3FFB];
	_ =	sdelay $0x3  }
0x92: {  	_ =	strace s18  }
0x93: {  	s2 =	sld [smem:$0x3FFC];
	_ =	sdelay $0x3  }
0x94: {  	_ =	strace s2  }
0x95: {  	s2 =	sld [smem:$0x3FFD];
	_ =	sdelay $0x3  }
0x96: {  	_ =	strace s2  }
0x97: {  	_ =	strace $0x8FFFFFFF  }
0x98: {  	s19 =	sld [smem:$0x3FDB];
	_ =	sdelay $0x1  }
0x99: {  	s20 =	simm.s32 $_scs_section_size  }
0x9a: {  	s4 =	simm.s32 $_size__tile_overlayer_lowered;
	s5 =	simm.s32 $_tile_overlayer_lowered  }
0x9b: {  	s6 =	simm.s32 $0x1BFF;
	s21 =	sshll.u32 s5, $0x1;
	s3 =	sadd.s32 s20, s19  }
0x9c: {  	s22 =	simm.s32 $0x0;
	s4 =	sshll.u32 s4, $0x1;
	s5 =	sadd.s32 s21, s3  }
0x9d: {  	[timem:s22], [sflag:s6] =	dma.local [hbm:s5], s4  }
0x9e: {  	_ =	swait.ge [sflag:s6], s4  }
0x9f: {  	s4 =	ssub.s32 $0x0, s4;
	[sflag:s6] =	ssyncset.done $0x0  }
0xa0: {  	[sflag:s6] =	ssyncadd.s32 s4;
	_ =	sdelay $0x1  }
0xa1: {  	s23 =	simm.s32 $0x1B8B  }
0xa2: {  	_ =	swait.ge [sflag:s23], $0x1  }
0xa3: {  	[sflag:s23] =	ssyncset.done $0x0  }
0xa4: {  	[sflag:s23] =	ssyncadd.s32 $0xFFFFFFFF  }
0xa5: {  	s4 =	sld [smem:$0x0]  }
0xa6: {  	s5 =	sand.u32 $0xFFFFFFFE, s1  }
0xa7: {  	p0 =	sne.s32 s1, s5  }
0xa8: {  	s5 =	sshll.u32 @p0 s5, $0xE  }
0xa9: {  	s5 =	sadd.s32 @p0 $0x11B8D, s5;
	s6 =	sshll.u32 @p0 s4, $0x11  }
0xaa: {  	s5 =	sor.u32 @p0 s6, s5  }
0xab: {  	[sflag:s5] =	ssyncadd.remote.s32 @p0 $0x1;
	_ =	sdelay $0x1  }
0xac: {  	s5 =	simm.s32 @p0 $0x1B8D  }
0xad: {  	_ =	swait.eq @p0 [sflag:s5], $0x1  }
0xae: {  	[sflag:s5] =	ssyncadd.s32 @p0 $0xFFFFFFFF  }
0xaf: {  	s6 =	sshll.u32 @!p0 s1, $0xE  }
0xb0: {  	s6 =	sor.u32 @!p0 $0x4000, s6;
	s5 =	simm.s32 @!p0 $0x1B8D  }
0xb1: {  	s4 =	sshll.u32 @!p0 s4, $0x11;
	s6 =	sadd.s32 @!p0 $0x11B8D, s6;
	_ =	swait.eq @!p0 [sflag:s5], $0x1  }
0xb2: {  	s4 =	sor.u32 @!p0 s4, s6;
	[sflag:s5] =	ssyncadd.s32 @!p0 $0xFFFFFFFF  }
0xb3: {  	s25 =	simm.s32 $0x1B8E;
	s24 =	sld [smem:$0x3FFE];
	[sflag:s4] =	ssyncadd.remote.s32 @!p0 $0x1  }
0xb4: {  	s26 =	simm.s32 $execute0_lowered;
	[smem:$0x3FD2] =	sst s25  }
0xb5: {  	s5 =	sshll.u32 s26, $0x1;
	_ =	strace $0x80000049;
	[dreg:$0x1] =	wrdreg $0xFFFFFFFF  }
0xb6: {  	s28 =	simm.s32 $_size_execute0_lowered;
	s3 =	sadd.s32 s3, s5;
	[dreg:$0x0] =	wrdreg $0x0  }
0xb7: {  	s5 =	sshll.u32 s28, $0x1;
	[dreg:$0x2] =	wrdreg s3  }
0xb8: {  	[dreg:$0x3] =	wrdreg s5  }
0xb9: {  	[dreg:$0x4] =	wrdreg $0xC0  }
0xba: {  	_ =	task [dreg:s22], $0x5FFFF  }
0xbb: {  	[dreg:$0x1] =	wrdreg $0xFFFFFFFF  }
0xbc: {  	[dreg:$0x0] =	wrdreg $0x60  }
0xbd: {  	[dreg:$0x2] =	wrdreg s24  }
0xbe: {  	[dreg:$0x3] =	wrdreg $0xB  }
0xbf: {  	_ =	task.clear_ibuf [dreg:s22], $0x4FFFF;
	_ =	strace $0x90000049  }
0xc0: {  	s29 =	simm.s32 $0xB;
	_ =	strace $0x8000004B  }
0xc1: {  	_ =	swait.ge [sflag:s29], $0x1  }
0xc2: {  	[sflag:s29] =	ssyncadd.s32 $0xFFFFFFFF  }
0xc3: {  	_ =	strace $0x9000004B  }
0xc4: {  	_ =	sfence  }
0xc5: {  	s30 =	sld [smem:$0x0];
	_ =	sdelay $0x2  }
0xc6: {  	s31 =	sshll.u32 s1, $0xD;
	s1 =	sshrl.u32 s1, $0x2  }
0xc7: {  	s4 =	sand.u32 $0x4000, s31;
	s1 =	sadd.s32 s1, s30  }
0xc8: {  	s0 =	sor.u32 s4, s0;
	s1 =	sshll.u32 s1, $0x11  }
0xc9: {  	s0 =	sor.u32 s1, s0  }
0xca: {  	s0 =	sadd.s32 $0x8F2B, s0  }
0xcb: {  	[sflag:s0] =	ssyncadd.remote.s32 $0x1  }
0xcc: {  	_ =	sfence.sel $0xFFFF  }
0xcd: {  	[dreg:$0x0] =	wrdreg $0xFFFFFFFF;
	(pc) =	sbr.abs _section_cstart, $3  }
0xce: {  	[dreg:$0x1] =	wrdreg $0xFFFFFFFF  }
0xcf: {  	_ =	task.clear_ibuf [dreg:s22], $0x2FFFF;
	_ =	strace $0x9FFFFFFF  }
0xd0: {  	(tm) =	ssettm $0x7FFFFFFF  }
0xd1: {  	_ =	shalt  }
tec
execute0_lowered:
.L_overlay_start_1:
0x0: {  	(tag) =	ssettag $0x1  }
0x1: {  	s4 =	rddreg [dreg:$0x0];
	s2 =	srdreg.scid  }
0x2: {  	s0 =	rddreg [dreg:$0x1];
	s1 =	stileid.u32  }
0x3: {  	s7 =	sand.u32 $0x1, s2;
	s2 =	simm.s32 $0x0;
	s3 =	sshll.u32 s1, $0x5  }
0x4: {  	s8 =	sshll.u32 s1, $0xC;
	s31 =	sshll.u32 s1, $0x1;
	s5 =	sshll.u32 s7, $0x4  }
0x5: {  	[smem:$0x7FF] =	sst s2;
	s9 =	ssub.s32 $0x2, s7;
	s8 =	sadd.s32 s8, s4  }
0x6: {  	s30 =	sshll.u32 s7, $0xB;
	s7 =	sor.u32 s7, s31;
	s5 =	sor.u32 s5, s3  }
0x7: {  	_ =	strace $0x8000004A;
	s3 =	sadd.s32 $0xEA00, s4;
	s6 =	sand.u32 $0x180, s5  }
0x8: {  	s29 =	sshrl.u32 s9, $0x1;
	s5 =	sand.u32 $0x70, s5;
	s6 =	sadd.s32 s6, s4  }
0x9: {  	s4 =	ssub.s32 s9, s29;
	s5 =	sadd.s32 s5, s6;
	s6 =	sadd.s32 s30, s8  }
0xa: {  	s4 =	smax.u32 s4, $0x1;
	s5 =	sadd.s32 $0x8A00, s5;
	s6 =	sadd.s32 $0x12FC00, s6  }
.LBB2_1:
0xb: {  	s8 =	sadd.s32 $0x0, s7  }
0xc: {  	p0 =	sgt.u32 s8, $0x1F3  }
0xd: {  	s8 =	simm.s32 @!p0 $0x0;
	s9 =	simm.s32 @!p0 $0x3  }
0xe: {  	[tilespmem:s8], [sflag:$0x3] =	stream.linear.gather @!p0 [hbm4b:s5+s8], $0x80, $0x38;
	[tilespmem:$0x4080] =	vst v63  }
0xf: {  	_ =	swait.ge @!p0 [sflag:s9], $0x80  }
0x10: {  	[sflag:s9] =	ssyncset.done @!p0 $0x0;
	p0 =	por p0, p0  }
0x11: {  	[sflag:s9] =	ssyncadd.s32 @!p0 $0xFFFFFF80;
	s10 =	simm.s32 @!p0 $0x80;
	s11 =	simm.s32 @!p0 $0x1  }
0x12: {  	[tilespmem:s10], [sflag:$0x1] =	stream.indirect.gather @!p0 [hbm4b:s3+s10], $0x80, s8, s10, $0xb8;
	[tilespmem:$0x4080] =	vst v63  }
0x13: {  	_ =	swait.ge @!p0 [sflag:s11], $0x4000  }
0x14: {  	[sflag:s11] =	ssyncset.done @!p0 $0x0  }
0x15: {  	s31 =	sadd.s32 $0x20, s7;
	[sflag:s11] =	ssyncadd.s32 @!p0 $0xFFFFC000;
	s11 =	simm.s32 @!p0 $0x2  }
0x16: {  	[hbm4b:s6+s8] =	stream.linear.scatter @!p0 [tilespmem:s10], [sflag:$0x2], $0x4000, $0x38;
	[tilespmem:$0x4080] =	vst v63  }
0x17: {  	p1 =	sgt.u32 s31, $0x1F3;
	s9 =	simm.s32 $0x40;
	_ =	swait.ge @!p0 [sflag:s11], $0x4000  }
0x18: {  	s8 =	sadd.s32 $0x10000, s6;
	s10 =	sadd.s32 $0x200, s5;
	[sflag:s11] =	ssyncset.done @!p0 $0x0  }
.LBB2_2:
0x19: {  	s12 =	simm.s32 @!p1 $0x0;
	s13 =	simm.s32 @!p1 $0x3;
	[sflag:s11] =	ssyncadd.s32 @!p0 $0xFFFFC000  }
0x1a: {  	[tilespmem:s12], [sflag:$0x3] =	stream.linear.gather @!p1 [hbm4b:s10+s12], $0x80, $0x38;
	[tilespmem:$0x4080] =	vst v63  }
0x1b: {  	s14 =	smov.u32 s9;
	s9 =	sadd.s32 $0x20, s9;
	_ =	swait.ge @!p1 [sflag:s13], $0x80  }
0x1c: {  	p0 =	por p1, p1;
	p2 =	sne.s32 s9, $0x200;
	[sflag:s13] =	ssyncset.done @!p1 $0x0  }
0x1d: {  	s11 =	simm.s32 @!p0 $0x1;
	[sflag:s13] =	ssyncadd.s32 @!p0 $0xFFFFFF80;
	s13 =	simm.s32 @!p0 $0x80  }
0x1e: {  	[tilespmem:s13], [sflag:$0x1] =	stream.indirect.gather @!p0 [hbm4b:s3+s13], $0x80, s12, s13, $0xb8;
	[tilespmem:$0x4080] =	vst v63  }
0x1f: {  	_ =	swait.ge @!p0 [sflag:s11], $0x4000  }
.Ltmp0:
0x20: {  	[sflag:s11] =	ssyncset.done @!p0 $0x0;
	(pc) =	sbr.rel @p2 .LBB2_2-.Ltmp0, $4  }
0x21: {  	[sflag:s11] =	ssyncadd.s32 @!p0 $0xFFFFC000;
	s11 =	simm.s32 @!p0 $0x2  }
0x22: {  	[hbm4b:s8+s12] =	stream.linear.scatter @!p0 [tilespmem:s13], [sflag:$0x2], $0x4000, $0x38;
	[tilespmem:$0x4080] =	vst v63  }
0x23: {  	s12 =	sadd.s32 s14, s7;
	s8 =	sadd.s32 $0x10000, s8;
	_ =	swait.ge @!p0 [sflag:s11], $0x4000  }
0x24: {  	s10 =	sadd.s32 $0x200, s10;
	p1 =	sgt.u32 s12, $0x1F3;
	[sflag:s11] =	ssyncset.done @!p0 $0x0  }
0x25: {  	s9 =	simm.s32 @!p1 $0x0;
	s12 =	simm.s32 @!p1 $0x3;
	[sflag:s11] =	ssyncadd.s32 @!p0 $0xFFFFC000  }
0x26: {  	[tilespmem:s9], [sflag:$0x3] =	stream.linear.gather @!p1 [hbm4b:s10+s9], $0x80, $0x38;
	[tilespmem:$0x4080] =	vst v63  }
0x27: {  	_ =	swait.ge @!p1 [sflag:s12], $0x80  }
0x28: {  	p0 =	por p1, p1;
	[sflag:s12] =	ssyncset.done @!p1 $0x0  }
0x29: {  	s10 =	simm.s32 @!p0 $0x80;
	s11 =	simm.s32 @!p0 $0x1;
	[sflag:s12] =	ssyncadd.s32 @!p0 $0xFFFFFF80  }
0x2a: {  	[tilespmem:s10], [sflag:$0x1] =	stream.indirect.gather @!p0 [hbm4b:s3+s10], $0x80, s9, s10, $0xb8;
	[tilespmem:$0x4080] =	vst v63  }
0x2b: {  	s2 =	sadd.s32 $0x1, s2;
	_ =	swait.ge @!p0 [sflag:s11], $0x4000  }
0x2c: {  	p1 =	sne.s32 s2, s4;
	[sflag:s11] =	ssyncset.done @!p0 $0x0  }
.Ltmp1:
0x2d: {  	[sflag:s11] =	ssyncadd.s32 @!p0 $0xFFFFC000;
	s11 =	simm.s32 @!p0 $0x2;
	(pc) =	sbr.rel @p1 .LBB2_1-.Ltmp1, $4  }
0x2e: {  	[hbm4b:s8+s9] =	stream.linear.scatter @!p0 [tilespmem:s10], [sflag:$0x2], $0x4000, $0x38;
	[tilespmem:$0x4080] =	vst v63  }
0x2f: {  	_ =	swait.ge @!p0 [sflag:s11], $0x4000  }
0x30: {  	[sflag:s11] =	ssyncset.done @!p0 $0x0  }
0x31: {  	[sflag:s11] =	ssyncadd.s32 @!p0 $0xFFFFC000  }
0x32: {  	_ =	sfence.sel $0x180000  }
0x33: {  	[bflag:$0x0] =	sbarrier.arrive $0xFFFF  }
0x34: {  	p0 =	sne.s32 s1, $0x0;
	_ =	strace $0x9000004A  }
0x35: {  	s0 =	sadd.s32 @!p0 $0x100000, s0;
	[bflag:$0x2] =	sbarrier.arrive $0xFFFF  }
0x36: {  	[sflag:s0] =	ssyncadd.tile.s32 @!p0 $0x1;
	_ =	shalt  }
.Lfunc_end2:
_tile_overlayer_lowered:
.L_overlay_start_2:
0x37: {  	(tag) =	ssettag $0x2  }
0x38: {  	s0 =	rddreg [dreg:$0x0];
	s2 =	stileid.u32  }
0x39: {  	s1 =	rddreg [dreg:$0x1];
	p0 =	sne.s32 s2, $0x0  }
0x3a: {  	s3 =	rddreg [dreg:$0x2];
	[bflag:$0x3] =	sbarrier.arrive $0xFFFF;
	s2 =	simm.s32 @!p0 $0x1C02  }
0x3b: {  	[timem:s3], [sflag:s2] =	dma.local @!p0 [hbm:s0], s1  }
0x3c: {  	s0 =	simm.s32 @!p0 $0x2  }
0x3d: {  	_ =	swait.ge @!p0 [sflag:s0], s1  }
0x3e: {  	s1 =	ssub.s32 @!p0 $0x0, s1;
	[sflag:s0] =	ssyncset.done @!p0 $0x0  }
0x3f: {  	[sflag:s0] =	ssyncadd.s32 @!p0 s1  }
0x40: {  	[bflag:$0x3] =	sbarrier.arrive $0xFFFF  }
0x41: {  	_ =	shalt  }

// kernel: kernel.27.cloned.1.call-start
scs
__scs_entry_jumppad:
0x0: {  	(pc) =	sbr.rel $0x88, $3  }
0x1: {  	(tag) =	ssettag $0x0;
	lr =	simm.s32 $0x1  }
0x2: {  	[smem:$0x3F98] =	sst lr;
	_ =	strace $0xD0000000  }
0x3: {  	_ = 	snop  }
0x4: {  	_ = 	snop  }
0x5: {  	_ = 	snop  }
0x6: {  	_ = 	snop  }
0x7: {  	_ = 	snop  }
__scs_overlays_trampoline_lowered:
0x8: {  	[smem:$0x3FA7] =	sst s0  }
0x9: {  	[smem:$0x3FA8] =	sst s1  }
0xa: {  	[smem:$0x3FA9] =	sst s2  }
0xb: {  	[smem:$0x3FAA] =	sst s3  }
0xc: {  	[smem:$0x3FAB] =	sst s4  }
0xd: {  	[smem:$0x3FAC] =	sst s5  }
0xe: {  	[smem:$0x3FAD] =	sst s6  }
0xf: {  	[smem:$0x3FAE] =	sst s7  }
0x10: {  	[smem:$0x3FAF] =	sst s8  }
0x11: {  	[smem:$0x3FB0] =	sst s9;
	s0 =	simm.s32 @!p0 $0x0  }
0x12: {  	s1 =	sld [smem:$0x3F96];
	s0 =	simm.s32 @p0 $0x1  }
0x13: {  	[smem:$0x3FB1] =	sst s0;
	s0 =	simm.s32 @!p1 $0x0  }
0x14: {  	s2 =	sld [smem:$0x3F95];
	s0 =	simm.s32 @p1 $0x1  }
0x15: {  	[smem:$0x3FB2] =	sst s0;
	s0 =	simm.s32 @!p2 $0x0  }
0x16: {  	s3 =	sld [smem:$0x3FDB];
	s0 =	simm.s32 @p2 $0x1  }
0x17: {  	s4 =	simm.s32 $0x1BF5;
	[smem:$0x3FB4] =	sst s0  }
0x18: {  	s0 =	sld [smem:$0x3F97];
	_ =	swait.ge [sflag:s4], $0x0  }
0x19: {  	s7 =	sld [smem:$0x3F98]  }
0x1a: {  	s8 =	sadd.s32 $0xFFFFE003, lr  }
0x1b: {  	s9 =	sadd.s32 $0xFFFFFEF7, lr;
	s5 =	simm.s32 $0xFFFFFFFF;
	p2 =	slt.u32 s8, $0xFFFFF086  }
0x1c: {  	p1 =	slt.u32 s9, $0xF7A;
	s5 =	simm.s32 @!p2 $0x0  }
0x1d: {  	s5 =	simm.s32 @p1 $0x1;
	p0 =	seq.s32 s7, s2  }
0x1e: {  	s7 =	smul.u32 @!p0 $0xF7A, s2;
	p2 =	seq.s32 @!p0 s5, $0x0  }
0x1f: {  	s9 =	smul.u32 $0xF7A, s1;
	s8 =	simm.s32 @!p0 $0x1BF5;
	p2 =	por !p2, p0  }
0x20: {  	[sflag:s8] =	ssyncset.s32 @!p0 $0xFFFFF086;
	s6 =	sadd.s32 @!p0 s3, s7;
	s7 =	simm.s32 @!p0 $0x108  }
0x21: {  	s3 =	sadd.s32 s3, s9;
	s6 =	sadd.s32 @!p0 $0x88, s6;
	s7 =	simm.s32 @p2 $0x1082  }
0x22: {  	[simem:s7], [sflag:s8] =	dma.local @!p0 [hbm:s6], $0xF7A  }
0x23: {  	s9 =	sor.u32 $0xD0000000, s2;
	s6 =	simm.s32 $0x108;
	_ =	swait.ge @!p0 [sflag:s8], $0x0  }
0x24: {  	s3 =	sadd.s32 $0x88, s3;
	s6 =	simm.s32 @!p1 $0x1082;
	[sflag:s4] =	ssyncset.s32 $0xFFFFF086  }
0x25: {  	[simem:s6], [sflag:s4] =	dma.local [hbm:s3], $0xF7A  }
0x26: {  	[smem:$0x3F98] =	sst s1;
	(tag) =	ssettag s2;
	_ =	strace s9  }
0x27: {  	s1 =	sld [smem:$0x3FA8]  }
0x28: {  	s2 =	sld [smem:$0x3FA9]  }
0x29: {  	s4 =	sld [smem:$0x3FAB]  }
0x2a: {  	p0 =	seq.s32 s5, $0x0;
	s5 =	sld [smem:$0x3FAC]  }
0x2b: {  	s6 =	sld [smem:$0x3FAD]  }
0x2c: {  	s7 =	sld [smem:$0x3FAE]  }
0x2d: {  	s3 =	simm.s32 $0x108;
	s8 =	sld [smem:$0x3FAF]  }
0x2e: {  	s3 =	simm.s32 @!p0 $0x1082;
	s9 =	sld [smem:$0x3FB0]  }
0x2f: {  	lr =	sadd.s32 s0, s3;
	s0 =	sld [smem:$0x3FA7]  }
0x30: {  	s3 =	sld [smem:$0x3FAA]  }
0x31: {  	[smem:$0x3FB3] =	sst s10  }
0x32: {  	s10 =	sld [smem:$0x3FB1];
	_ =	sdelay $0x3  }
0x33: {  	p0 =	seq.s32 s10, $0x1;
	s10 =	sld [smem:$0x3FB3];
	_ =	sdelay $0x3  }
0x34: {  	[smem:$0x3FB3] =	sst s10  }
0x35: {  	s10 =	sld [smem:$0x3FB2];
	_ =	sdelay $0x3  }
0x36: {  	p1 =	seq.s32 s10, $0x1;
	s10 =	sld [smem:$0x3FB3];
	_ =	sdelay $0x3  }
0x37: {  	[smem:$0x3FB3] =	sst s10  }
0x38: {  	s10 =	sld [smem:$0x3FB4]  }
0x39: {  	_ = 	snop;
	(pc) =	sbr.ind lr, $3  }
0x3a: {  	_ = 	snop  }
0x3b: {  	_ = 	snop  }
0x3c: {  	p2 =	seq.s32 s10, $0x1;
	s10 =	sld [smem:$0x3FB3]  }
0x3d: {  	_ =	shalt  }
0x3e: {  	_ =	shalt  }
0x3f: {  	_ =	shalt  }
0x40: {  	_ =	shalt  }
0x41: {  	_ =	shalt  }
0x42: {  	_ =	shalt  }
0x43: {  	_ =	shalt  }
0x44: {  	_ =	shalt  }
0x45: {  	_ =	shalt  }
0x46: {  	_ =	shalt  }
0x47: {  	_ =	shalt  }
0x48: {  	_ =	shalt  }
0x49: {  	_ =	shalt  }
0x4a: {  	_ =	shalt  }
0x4b: {  	_ =	shalt  }
0x4c: {  	_ =	shalt  }
0x4d: {  	_ =	shalt  }
0x4e: {  	_ =	shalt  }
0x4f: {  	_ =	shalt  }
0x50: {  	_ =	shalt  }
0x51: {  	_ =	shalt  }
0x52: {  	_ =	shalt  }
0x53: {  	_ =	shalt  }
0x54: {  	_ =	shalt  }
0x55: {  	_ =	shalt  }
0x56: {  	_ =	shalt  }
0x57: {  	_ =	shalt  }
0x58: {  	_ =	shalt  }
0x59: {  	_ =	shalt  }
0x5a: {  	_ =	shalt  }
0x5b: {  	_ =	shalt  }
0x5c: {  	_ =	shalt  }
0x5d: {  	_ =	shalt  }
0x5e: {  	_ =	shalt  }
0x5f: {  	_ =	shalt  }
0x60: {  	_ =	shalt  }
0x61: {  	_ =	shalt  }
0x62: {  	_ =	shalt  }
0x63: {  	_ =	shalt  }
0x64: {  	_ =	shalt  }
0x65: {  	_ =	shalt  }
0x66: {  	_ =	shalt  }
0x67: {  	_ =	shalt  }
0x68: {  	_ =	shalt  }
0x69: {  	_ =	shalt  }
0x6a: {  	_ =	shalt  }
0x6b: {  	_ =	shalt  }
0x6c: {  	_ =	shalt  }
0x6d: {  	_ =	shalt  }
0x6e: {  	_ =	shalt  }
0x6f: {  	_ =	shalt  }
0x70: {  	_ =	shalt  }
0x71: {  	_ =	shalt  }
0x72: {  	_ =	shalt  }
0x73: {  	_ =	shalt  }
0x74: {  	_ =	shalt  }
0x75: {  	_ =	shalt  }
0x76: {  	_ =	shalt  }
0x77: {  	_ =	shalt  }
0x78: {  	_ =	shalt  }
0x79: {  	_ =	shalt  }
0x7a: {  	_ =	shalt  }
0x7b: {  	_ =	shalt  }
0x7c: {  	_ =	shalt  }
0x7d: {  	_ =	shalt  }
0x7e: {  	_ =	shalt  }
0x7f: {  	_ =	shalt  }
0x80: {  	_ =	shalt  }
0x81: {  	_ =	shalt  }
0x82: {  	_ =	shalt  }
0x83: {  	_ =	shalt  }
0x84: {  	_ =	shalt  }
0x85: {  	_ =	shalt  }
0x86: {  	_ =	shalt  }
0x87: {  	_ =	shalt  }
.Lfunc_end0:
.L_simem_size_0:
called_computation.3_lowered:
.L_overlay_start_0:
0x88: {  	s2 =	sld [smem:$0x3FD9]  }
0x89: {  	s3 =	sld [smem:$0x3FFE];
	_ =	sdelay $0x1  }
0x8a: {  	s1 =	srdreg.scid  }
0x8b: {  	s0 =	sand.u32 $0x1, s1  }
0x8c: {  	s17 =	sshll.u32 s0, $0xA;
	s2 =	sadd.s32 s3, s2  }
0x8d: {  	s2 =	sadd.s32 s2, s17  }
0x8e: {  	[smem:$0x3FBF] =	sst s2  }
0x8f: {  	_ = 	snop  }
0x90: {  	(tm) =	ssettm $0x1  }
0x91: {  	s18 =	sld [smem:$0x3FFB];
	_ =	sdelay $0x3  }
0x92: {  	_ =	strace s18  }
0x93: {  	s2 =	sld [smem:$0x3FFC];
	_ =	sdelay $0x3  }
0x94: {  	_ =	strace s2  }
0x95: {  	s2 =	sld [smem:$0x3FFD];
	_ =	sdelay $0x3  }
0x96: {  	_ =	strace s2  }
0x97: {  	_ =	strace $0x8FFFFFFF  }
0x98: {  	s19 =	sld [smem:$0x3FDB];
	_ =	sdelay $0x1  }
0x99: {  	s20 =	simm.s32 $_scs_section_size  }
0x9a: {  	s4 =	simm.s32 $_size__tile_overlayer_lowered;
	s5 =	simm.s32 $_tile_overlayer_lowered  }
0x9b: {  	s6 =	simm.s32 $0x1BFF;
	s21 =	sshll.u32 s5, $0x1;
	s3 =	sadd.s32 s20, s19  }
0x9c: {  	s22 =	simm.s32 $0x0;
	s4 =	sshll.u32 s4, $0x1;
	s5 =	sadd.s32 s21, s3  }
0x9d: {  	[timem:s22], [sflag:s6] =	dma.local [hbm:s5], s4  }
0x9e: {  	_ =	swait.ge [sflag:s6], s4  }
0x9f: {  	s4 =	ssub.s32 $0x0, s4;
	[sflag:s6] =	ssyncset.done $0x0  }
0xa0: {  	[sflag:s6] =	ssyncadd.s32 s4;
	_ =	sdelay $0x1  }
0xa1: {  	s23 =	simm.s32 $0x1B8B  }
0xa2: {  	_ =	swait.ge [sflag:s23], $0x1  }
0xa3: {  	[sflag:s23] =	ssyncset.done $0x0  }
0xa4: {  	[sflag:s23] =	ssyncadd.s32 $0xFFFFFFFF  }
0xa5: {  	s4 =	sld [smem:$0x0]  }
0xa6: {  	s5 =	sand.u32 $0xFFFFFFFE, s1  }
0xa7: {  	p0 =	sne.s32 s1, s5  }
0xa8: {  	s5 =	sshll.u32 @p0 s5, $0xE  }
0xa9: {  	s5 =	sadd.s32 @p0 $0x11B8D, s5;
	s6 =	sshll.u32 @p0 s4, $0x11  }
0xaa: {  	s5 =	sor.u32 @p0 s6, s5  }
0xab: {  	[sflag:s5] =	ssyncadd.remote.s32 @p0 $0x1;
	_ =	sdelay $0x1  }
0xac: {  	s5 =	simm.s32 @p0 $0x1B8D  }
0xad: {  	_ =	swait.eq @p0 [sflag:s5], $0x1  }
0xae: {  	[sflag:s5] =	ssyncadd.s32 @p0 $0xFFFFFFFF  }
0xaf: {  	s6 =	sshll.u32 @!p0 s1, $0xE  }
0xb0: {  	s6 =	sor.u32 @!p0 $0x4000, s6;
	s5 =	simm.s32 @!p0 $0x1B8D  }
0xb1: {  	s4 =	sshll.u32 @!p0 s4, $0x11;
	s6 =	sadd.s32 @!p0 $0x11B8D, s6;
	_ =	swait.eq @!p0 [sflag:s5], $0x1  }
0xb2: {  	s4 =	sor.u32 @!p0 s4, s6;
	[sflag:s5] =	ssyncadd.s32 @!p0 $0xFFFFFFFF  }
0xb3: {  	s25 =	simm.s32 $0x1B8E;
	s24 =	sld [smem:$0x3FFE];
	[sflag:s4] =	ssyncadd.remote.s32 @!p0 $0x1  }
0xb4: {  	s26 =	simm.s32 $execute0_lowered;
	[smem:$0x3FD2] =	sst s25  }
0xb5: {  	s5 =	sshll.u32 s26, $0x1;
	_ =	strace $0x8000004C;
	[dreg:$0x1] =	wrdreg $0xFFFFFFFF  }
0xb6: {  	s28 =	simm.s32 $_size_execute0_lowered;
	s3 =	sadd.s32 s3, s5;
	[dreg:$0x0] =	wrdreg $0x0  }
0xb7: {  	s5 =	sshll.u32 s28, $0x1;
	[dreg:$0x2] =	wrdreg s3  }
0xb8: {  	[dreg:$0x3] =	wrdreg s5  }
0xb9: {  	[dreg:$0x4] =	wrdreg $0xC0  }
0xba: {  	_ =	task [dreg:s22], $0x5FFFF  }
0xbb: {  	[dreg:$0x1] =	wrdreg $0xFFFFFFFF  }
0xbc: {  	[dreg:$0x0] =	wrdreg $0x60  }
0xbd: {  	[dreg:$0x2] =	wrdreg s24  }
0xbe: {  	[dreg:$0x3] =	wrdreg $0xC  }
0xbf: {  	_ =	task.clear_ibuf [dreg:s22], $0x4FFFF;
	_ =	strace $0x9000004C  }
0xc0: {  	s29 =	simm.s32 $0xC;
	_ =	strace $0x8000004E  }
0xc1: {  	_ =	swait.ge [sflag:s29], $0x1  }
0xc2: {  	[sflag:s29] =	ssyncadd.s32 $0xFFFFFFFF  }
0xc3: {  	_ =	strace $0x9000004E  }
0xc4: {  	_ =	sfence  }
0xc5: {  	s30 =	sld [smem:$0x0];
	_ =	sdelay $0x2  }
0xc6: {  	s31 =	sshll.u32 s1, $0xD;
	s1 =	sshrl.u32 s1, $0x2  }
0xc7: {  	s4 =	sand.u32 $0x4000, s31;
	s1 =	sadd.s32 s1, s30  }
0xc8: {  	s0 =	sor.u32 s4, s0;
	s1 =	sshll.u32 s1, $0x11  }
0xc9: {  	s0 =	sor.u32 s1, s0  }
0xca: {  	s0 =	sadd.s32 $0x8F2B, s0  }
0xcb: {  	[sflag:s0] =	ssyncadd.remote.s32 $0x1  }
0xcc: {  	_ =	sfence.sel $0xFFFF  }
0xcd: {  	[dreg:$0x0] =	wrdreg $0xFFFFFFFF;
	(pc) =	sbr.abs _section_cstart, $3  }
0xce: {  	[dreg:$0x1] =	wrdreg $0xFFFFFFFF  }
0xcf: {  	_ =	task.clear_ibuf [dreg:s22], $0x2FFFF;
	_ =	strace $0x9FFFFFFF  }
0xd0: {  	(tm) =	ssettm $0x7FFFFFFF  }
0xd1: {  	_ =	shalt  }
tec
execute0_lowered:
.L_overlay_start_1:
0x0: {  	(tag) =	ssettag $0x1  }
0x1: {  	s4 =	rddreg [dreg:$0x0];
	s2 =	srdreg.scid  }
0x2: {  	s0 =	rddreg [dreg:$0x1];
	s1 =	stileid.u32  }
0x3: {  	s7 =	sand.u32 $0x1, s2;
	s2 =	simm.s32 $0x0;
	s3 =	sshll.u32 s1, $0x5  }
0x4: {  	s8 =	sshll.u32 s1, $0xC;
	s31 =	sshll.u32 s1, $0x1;
	s5 =	sshll.u32 s7, $0x4  }
0x5: {  	[smem:$0x7FF] =	sst s2;
	s9 =	ssub.s32 $0x2, s7;
	s8 =	sadd.s32 s8, s4  }
0x6: {  	s30 =	sshll.u32 s7, $0xB;
	s7 =	sor.u32 s7, s31;
	s5 =	sor.u32 s5, s3  }
0x7: {  	_ =	strace $0x8000004D;
	s3 =	sadd.s32 $0xEA00, s4;
	s6 =	sand.u32 $0x180, s5  }
0x8: {  	s29 =	sshrl.u32 s9, $0x1;
	s5 =	sand.u32 $0x70, s5;
	s6 =	sadd.s32 s6, s4  }
0x9: {  	s4 =	ssub.s32 s9, s29;
	s5 =	sadd.s32 s5, s6;
	s6 =	sadd.s32 s30, s8  }
0xa: {  	s4 =	smax.u32 s4, $0x1;
	s5 =	sadd.s32 $0xAA00, s5;
	s6 =	sadd.s32 $0x229C00, s6  }
.LBB2_1:
0xb: {  	s8 =	sadd.s32 $0x0, s7  }
0xc: {  	p0 =	sgt.u32 s8, $0x1F3  }
0xd: {  	s8 =	simm.s32 @!p0 $0x0;
	s9 =	simm.s32 @!p0 $0x3  }
0xe: {  	[tilespmem:s8], [sflag:$0x3] =	stream.linear.gather @!p0 [hbm4b:s5+s8], $0x80, $0x38;
	[tilespmem:$0x4080] =	vst v63  }
0xf: {  	_ =	swait.ge @!p0 [sflag:s9], $0x80  }
0x10: {  	[sflag:s9] =	ssyncset.done @!p0 $0x0;
	p0 =	por p0, p0  }
0x11: {  	[sflag:s9] =	ssyncadd.s32 @!p0 $0xFFFFFF80;
	s10 =	simm.s32 @!p0 $0x80;
	s11 =	simm.s32 @!p0 $0x1  }
0x12: {  	[tilespmem:s10], [sflag:$0x1] =	stream.indirect.gather @!p0 [hbm4b:s3+s10], $0x80, s8, s10, $0xb8;
	[tilespmem:$0x4080] =	vst v63  }
0x13: {  	_ =	swait.ge @!p0 [sflag:s11], $0x4000  }
0x14: {  	[sflag:s11] =	ssyncset.done @!p0 $0x0  }
0x15: {  	s31 =	sadd.s32 $0x20, s7;
	[sflag:s11] =	ssyncadd.s32 @!p0 $0xFFFFC000;
	s11 =	simm.s32 @!p0 $0x2  }
0x16: {  	[hbm4b:s6+s8] =	stream.linear.scatter @!p0 [tilespmem:s10], [sflag:$0x2], $0x4000, $0x38;
	[tilespmem:$0x4080] =	vst v63  }
0x17: {  	p1 =	sgt.u32 s31, $0x1F3;
	s9 =	simm.s32 $0x40;
	_ =	swait.ge @!p0 [sflag:s11], $0x4000  }
0x18: {  	s8 =	sadd.s32 $0x10000, s6;
	s10 =	sadd.s32 $0x200, s5;
	[sflag:s11] =	ssyncset.done @!p0 $0x0  }
.LBB2_2:
0x19: {  	s12 =	simm.s32 @!p1 $0x0;
	s13 =	simm.s32 @!p1 $0x3;
	[sflag:s11] =	ssyncadd.s32 @!p0 $0xFFFFC000  }
0x1a: {  	[tilespmem:s12], [sflag:$0x3] =	stream.linear.gather @!p1 [hbm4b:s10+s12], $0x80, $0x38;
	[tilespmem:$0x4080] =	vst v63  }
0x1b: {  	s14 =	smov.u32 s9;
	s9 =	sadd.s32 $0x20, s9;
	_ =	swait.ge @!p1 [sflag:s13], $0x80  }
0x1c: {  	p0 =	por p1, p1;
	p2 =	sne.s32 s9, $0x200;
	[sflag:s13] =	ssyncset.done @!p1 $0x0  }
0x1d: {  	s11 =	simm.s32 @!p0 $0x1;
	[sflag:s13] =	ssyncadd.s32 @!p0 $0xFFFFFF80;
	s13 =	simm.s32 @!p0 $0x80  }
0x1e: {  	[tilespmem:s13], [sflag:$0x1] =	stream.indirect.gather @!p0 [hbm4b:s3+s13], $0x80, s12, s13, $0xb8;
	[tilespmem:$0x4080] =	vst v63  }
0x1f: {  	_ =	swait.ge @!p0 [sflag:s11], $0x4000  }
.Ltmp0:
0x20: {  	[sflag:s11] =	ssyncset.done @!p0 $0x0;
	(pc) =	sbr.rel @p2 .LBB2_2-.Ltmp0, $4  }
0x21: {  	[sflag:s11] =	ssyncadd.s32 @!p0 $0xFFFFC000;
	s11 =	simm.s32 @!p0 $0x2  }
0x22: {  	[hbm4b:s8+s12] =	stream.linear.scatter @!p0 [tilespmem:s13], [sflag:$0x2], $0x4000, $0x38;
	[tilespmem:$0x4080] =	vst v63  }
0x23: {  	s12 =	sadd.s32 s14, s7;
	s8 =	sadd.s32 $0x10000, s8;
	_ =	swait.ge @!p0 [sflag:s11], $0x4000  }
0x24: {  	s10 =	sadd.s32 $0x200, s10;
	p1 =	sgt.u32 s12, $0x1F3;
	[sflag:s11] =	ssyncset.done @!p0 $0x0  }
0x25: {  	s9 =	simm.s32 @!p1 $0x0;
	s12 =	simm.s32 @!p1 $0x3;
	[sflag:s11] =	ssyncadd.s32 @!p0 $0xFFFFC000  }
0x26: {  	[tilespmem:s9], [sflag:$0x3] =	stream.linear.gather @!p1 [hbm4b:s10+s9], $0x80, $0x38;
	[tilespmem:$0x4080] =	vst v63  }
0x27: {  	_ =	swait.ge @!p1 [sflag:s12], $0x80  }
0x28: {  	p0 =	por p1, p1;
	[sflag:s12] =	ssyncset.done @!p1 $0x0  }
0x29: {  	s10 =	simm.s32 @!p0 $0x80;
	s11 =	simm.s32 @!p0 $0x1;
	[sflag:s12] =	ssyncadd.s32 @!p0 $0xFFFFFF80  }
0x2a: {  	[tilespmem:s10], [sflag:$0x1] =	stream.indirect.gather @!p0 [hbm4b:s3+s10], $0x80, s9, s10, $0xb8;
	[tilespmem:$0x4080] =	vst v63  }
0x2b: {  	s2 =	sadd.s32 $0x1, s2;
	_ =	swait.ge @!p0 [sflag:s11], $0x4000  }
0x2c: {  	p1 =	sne.s32 s2, s4;
	[sflag:s11] =	ssyncset.done @!p0 $0x0  }
.Ltmp1:
0x2d: {  	[sflag:s11] =	ssyncadd.s32 @!p0 $0xFFFFC000;
	s11 =	simm.s32 @!p0 $0x2;
	(pc) =	sbr.rel @p1 .LBB2_1-.Ltmp1, $4  }
0x2e: {  	[hbm4b:s8+s9] =	stream.linear.scatter @!p0 [tilespmem:s10], [sflag:$0x2], $0x4000, $0x38;
	[tilespmem:$0x4080] =	vst v63  }
0x2f: {  	_ =	swait.ge @!p0 [sflag:s11], $0x4000  }
0x30: {  	[sflag:s11] =	ssyncset.done @!p0 $0x0  }
0x31: {  	[sflag:s11] =	ssyncadd.s32 @!p0 $0xFFFFC000  }
0x32: {  	_ =	sfence.sel $0x180000  }
0x33: {  	[bflag:$0x0] =	sbarrier.arrive $0xFFFF  }
0x34: {  	p0 =	sne.s32 s1, $0x0;
	_ =	strace $0x9000004D  }
0x35: {  	s0 =	sadd.s32 @!p0 $0x100000, s0;
	[bflag:$0x2] =	sbarrier.arrive $0xFFFF  }
0x36: {  	[sflag:s0] =	ssyncadd.tile.s32 @!p0 $0x1;
	_ =	shalt  }
.Lfunc_end2:
_tile_overlayer_lowered:
.L_overlay_start_2:
0x37: {  	(tag) =	ssettag $0x2  }
0x38: {  	s0 =	rddreg [dreg:$0x0];
	s2 =	stileid.u32  }
0x39: {  	s1 =	rddreg [dreg:$0x1];
	p0 =	sne.s32 s2, $0x0  }
0x3a: {  	s3 =	rddreg [dreg:$0x2];
	[bflag:$0x3] =	sbarrier.arrive $0xFFFF;
	s2 =	simm.s32 @!p0 $0x1C02  }
0x3b: {  	[timem:s3], [sflag:s2] =	dma.local @!p0 [hbm:s0], s1  }
0x3c: {  	s0 =	simm.s32 @!p0 $0x2  }
0x3d: {  	_ =	swait.ge @!p0 [sflag:s0], s1  }
0x3e: {  	s1 =	ssub.s32 @!p0 $0x0, s1;
	[sflag:s0] =	ssyncset.done @!p0 $0x0  }
0x3f: {  	[sflag:s0] =	ssyncadd.s32 @!p0 s1  }
0x40: {  	[bflag:$0x3] =	sbarrier.arrive $0xFFFF  }
0x41: {  	_ =	shalt  }

// kernel: kernel.30.cloned.1.call-start
scs
__scs_entry_jumppad:
0x0: {  	(pc) =	sbr.rel $0x88, $3  }
0x1: {  	(tag) =	ssettag $0x0;
	lr =	simm.s32 $0x1  }
0x2: {  	[smem:$0x3F98] =	sst lr;
	_ =	strace $0xD0000000  }
0x3: {  	_ = 	snop  }
0x4: {  	_ = 	snop  }
0x5: {  	_ = 	snop  }
0x6: {  	_ = 	snop  }
0x7: {  	_ = 	snop  }
__scs_overlays_trampoline_lowered:
0x8: {  	[smem:$0x3FA7] =	sst s0  }
0x9: {  	[smem:$0x3FA8] =	sst s1  }
0xa: {  	[smem:$0x3FA9] =	sst s2  }
0xb: {  	[smem:$0x3FAA] =	sst s3  }
0xc: {  	[smem:$0x3FAB] =	sst s4  }
0xd: {  	[smem:$0x3FAC] =	sst s5  }
0xe: {  	[smem:$0x3FAD] =	sst s6  }
0xf: {  	[smem:$0x3FAE] =	sst s7  }
0x10: {  	[smem:$0x3FAF] =	sst s8  }
0x11: {  	[smem:$0x3FB0] =	sst s9;
	s0 =	simm.s32 @!p0 $0x0  }
0x12: {  	s1 =	sld [smem:$0x3F96];
	s0 =	simm.s32 @p0 $0x1  }
0x13: {  	[smem:$0x3FB1] =	sst s0;
	s0 =	simm.s32 @!p1 $0x0  }
0x14: {  	s2 =	sld [smem:$0x3F95];
	s0 =	simm.s32 @p1 $0x1  }
0x15: {  	[smem:$0x3FB2] =	sst s0;
	s0 =	simm.s32 @!p2 $0x0  }
0x16: {  	s3 =	sld [smem:$0x3FDB];
	s0 =	simm.s32 @p2 $0x1  }
0x17: {  	s4 =	simm.s32 $0x1BF5;
	[smem:$0x3FB4] =	sst s0  }
0x18: {  	s0 =	sld [smem:$0x3F97];
	_ =	swait.ge [sflag:s4], $0x0  }
0x19: {  	s7 =	sld [smem:$0x3F98]  }
0x1a: {  	s8 =	sadd.s32 $0xFFFFE003, lr  }
0x1b: {  	s9 =	sadd.s32 $0xFFFFFEF7, lr;
	s5 =	simm.s32 $0xFFFFFFFF;
	p2 =	slt.u32 s8, $0xFFFFF086  }
0x1c: {  	p1 =	slt.u32 s9, $0xF7A;
	s5 =	simm.s32 @!p2 $0x0  }
0x1d: {  	s5 =	simm.s32 @p1 $0x1;
	p0 =	seq.s32 s7, s2  }
0x1e: {  	s7 =	smul.u32 @!p0 $0xF7A, s2;
	p2 =	seq.s32 @!p0 s5, $0x0  }
0x1f: {  	s9 =	smul.u32 $0xF7A, s1;
	s8 =	simm.s32 @!p0 $0x1BF5;
	p2 =	por !p2, p0  }
0x20: {  	[sflag:s8] =	ssyncset.s32 @!p0 $0xFFFFF086;
	s6 =	sadd.s32 @!p0 s3, s7;
	s7 =	simm.s32 @!p0 $0x108  }
0x21: {  	s3 =	sadd.s32 s3, s9;
	s6 =	sadd.s32 @!p0 $0x88, s6;
	s7 =	simm.s32 @p2 $0x1082  }
0x22: {  	[simem:s7], [sflag:s8] =	dma.local @!p0 [hbm:s6], $0xF7A  }
0x23: {  	s9 =	sor.u32 $0xD0000000, s2;
	s6 =	simm.s32 $0x108;
	_ =	swait.ge @!p0 [sflag:s8], $0x0  }
0x24: {  	s3 =	sadd.s32 $0x88, s3;
	s6 =	simm.s32 @!p1 $0x1082;
	[sflag:s4] =	ssyncset.s32 $0xFFFFF086  }
0x25: {  	[simem:s6], [sflag:s4] =	dma.local [hbm:s3], $0xF7A  }
0x26: {  	[smem:$0x3F98] =	sst s1;
	(tag) =	ssettag s2;
	_ =	strace s9  }
0x27: {  	s1 =	sld [smem:$0x3FA8]  }
0x28: {  	s2 =	sld [smem:$0x3FA9]  }
0x29: {  	s4 =	sld [smem:$0x3FAB]  }
0x2a: {  	p0 =	seq.s32 s5, $0x0;
	s5 =	sld [smem:$0x3FAC]  }
0x2b: {  	s6 =	sld [smem:$0x3FAD]  }
0x2c: {  	s7 =	sld [smem:$0x3FAE]  }
0x2d: {  	s3 =	simm.s32 $0x108;
	s8 =	sld [smem:$0x3FAF]  }
0x2e: {  	s3 =	simm.s32 @!p0 $0x1082;
	s9 =	sld [smem:$0x3FB0]  }
0x2f: {  	lr =	sadd.s32 s0, s3;
	s0 =	sld [smem:$0x3FA7]  }
0x30: {  	s3 =	sld [smem:$0x3FAA]  }
0x31: {  	[smem:$0x3FB3] =	sst s10  }
0x32: {  	s10 =	sld [smem:$0x3FB1];
	_ =	sdelay $0x3  }
0x33: {  	p0 =	seq.s32 s10, $0x1;
	s10 =	sld [smem:$0x3FB3];
	_ =	sdelay $0x3  }
0x34: {  	[smem:$0x3FB3] =	sst s10  }
0x35: {  	s10 =	sld [smem:$0x3FB2];
	_ =	sdelay $0x3  }
0x36: {  	p1 =	seq.s32 s10, $0x1;
	s10 =	sld [smem:$0x3FB3];
	_ =	sdelay $0x3  }
0x37: {  	[smem:$0x3FB3] =	sst s10  }
0x38: {  	s10 =	sld [smem:$0x3FB4]  }
0x39: {  	_ = 	snop;
	(pc) =	sbr.ind lr, $3  }
0x3a: {  	_ = 	snop  }
0x3b: {  	_ = 	snop  }
0x3c: {  	p2 =	seq.s32 s10, $0x1;
	s10 =	sld [smem:$0x3FB3]  }
0x3d: {  	_ =	shalt  }
0x3e: {  	_ =	shalt  }
0x3f: {  	_ =	shalt  }
0x40: {  	_ =	shalt  }
0x41: {  	_ =	shalt  }
0x42: {  	_ =	shalt  }
0x43: {  	_ =	shalt  }
0x44: {  	_ =	shalt  }
0x45: {  	_ =	shalt  }
0x46: {  	_ =	shalt  }
0x47: {  	_ =	shalt  }
0x48: {  	_ =	shalt  }
0x49: {  	_ =	shalt  }
0x4a: {  	_ =	shalt  }
0x4b: {  	_ =	shalt  }
0x4c: {  	_ =	shalt  }
0x4d: {  	_ =	shalt  }
0x4e: {  	_ =	shalt  }
0x4f: {  	_ =	shalt  }
0x50: {  	_ =	shalt  }
0x51: {  	_ =	shalt  }
0x52: {  	_ =	shalt  }
0x53: {  	_ =	shalt  }
0x54: {  	_ =	shalt  }
0x55: {  	_ =	shalt  }
0x56: {  	_ =	shalt  }
0x57: {  	_ =	shalt  }
0x58: {  	_ =	shalt  }
0x59: {  	_ =	shalt  }
0x5a: {  	_ =	shalt  }
0x5b: {  	_ =	shalt  }
0x5c: {  	_ =	shalt  }
0x5d: {  	_ =	shalt  }
0x5e: {  	_ =	shalt  }
0x5f: {  	_ =	shalt  }
0x60: {  	_ =	shalt  }
0x61: {  	_ =	shalt  }
0x62: {  	_ =	shalt  }
0x63: {  	_ =	shalt  }
0x64: {  	_ =	shalt  }
0x65: {  	_ =	shalt  }
0x66: {  	_ =	shalt  }
0x67: {  	_ =	shalt  }
0x68: {  	_ =	shalt  }
0x69: {  	_ =	shalt  }
0x6a: {  	_ =	shalt  }
0x6b: {  	_ =	shalt  }
0x6c: {  	_ =	shalt  }
0x6d: {  	_ =	shalt  }
0x6e: {  	_ =	shalt  }
0x6f: {  	_ =	shalt  }
0x70: {  	_ =	shalt  }
0x71: {  	_ =	shalt  }
0x72: {  	_ =	shalt  }
0x73: {  	_ =	shalt  }
0x74: {  	_ =	shalt  }
0x75: {  	_ =	shalt  }
0x76: {  	_ =	shalt  }
0x77: {  	_ =	shalt  }
0x78: {  	_ =	shalt  }
0x79: {  	_ =	shalt  }
0x7a: {  	_ =	shalt  }
0x7b: {  	_ =	shalt  }
0x7c: {  	_ =	shalt  }
0x7d: {  	_ =	shalt  }
0x7e: {  	_ =	shalt  }
0x7f: {  	_ =	shalt  }
0x80: {  	_ =	shalt  }
0x81: {  	_ =	shalt  }
0x82: {  	_ =	shalt  }
0x83: {  	_ =	shalt  }
0x84: {  	_ =	shalt  }
0x85: {  	_ =	shalt  }
0x86: {  	_ =	shalt  }
0x87: {  	_ =	shalt  }
.Lfunc_end0:
.L_simem_size_0:
called_computation.4_lowered:
.L_overlay_start_0:
0x88: {  	s2 =	sld [smem:$0x3FD9]  }
0x89: {  	s3 =	sld [smem:$0x3FFE];
	_ =	sdelay $0x1  }
0x8a: {  	s1 =	srdreg.scid  }
0x8b: {  	s0 =	sand.u32 $0x1, s1  }
0x8c: {  	s17 =	sshll.u32 s0, $0xA;
	s2 =	sadd.s32 s3, s2  }
0x8d: {  	s2 =	sadd.s32 s2, s17  }
0x8e: {  	[smem:$0x3FBF] =	sst s2  }
0x8f: {  	_ = 	snop  }
0x90: {  	(tm) =	ssettm $0x1  }
0x91: {  	s18 =	sld [smem:$0x3FFB];
	_ =	sdelay $0x3  }
0x92: {  	_ =	strace s18  }
0x93: {  	s2 =	sld [smem:$0x3FFC];
	_ =	sdelay $0x3  }
0x94: {  	_ =	strace s2  }
0x95: {  	s2 =	sld [smem:$0x3FFD];
	_ =	sdelay $0x3  }
0x96: {  	_ =	strace s2  }
0x97: {  	_ =	strace $0x8FFFFFFF  }
0x98: {  	s19 =	sld [smem:$0x3FDB];
	_ =	sdelay $0x1  }
0x99: {  	s20 =	simm.s32 $_scs_section_size  }
0x9a: {  	s4 =	simm.s32 $_size__tile_overlayer_lowered;
	s5 =	simm.s32 $_tile_overlayer_lowered  }
0x9b: {  	s6 =	simm.s32 $0x1BFF;
	s21 =	sshll.u32 s5, $0x1;
	s3 =	sadd.s32 s20, s19  }
0x9c: {  	s22 =	simm.s32 $0x0;
	s4 =	sshll.u32 s4, $0x1;
	s5 =	sadd.s32 s21, s3  }
0x9d: {  	[timem:s22], [sflag:s6] =	dma.local [hbm:s5], s4  }
0x9e: {  	_ =	swait.ge [sflag:s6], s4  }
0x9f: {  	s4 =	ssub.s32 $0x0, s4;
	[sflag:s6] =	ssyncset.done $0x0  }
0xa0: {  	[sflag:s6] =	ssyncadd.s32 s4;
	_ =	sdelay $0x1  }
0xa1: {  	s23 =	simm.s32 $0x1B8B  }
0xa2: {  	_ =	swait.ge [sflag:s23], $0x1  }
0xa3: {  	[sflag:s23] =	ssyncset.done $0x0  }
0xa4: {  	[sflag:s23] =	ssyncadd.s32 $0xFFFFFFFF  }
0xa5: {  	s4 =	sld [smem:$0x0]  }
0xa6: {  	s5 =	sand.u32 $0xFFFFFFFE, s1  }
0xa7: {  	p0 =	sne.s32 s1, s5  }
0xa8: {  	s5 =	sshll.u32 @p0 s5, $0xE  }
0xa9: {  	s5 =	sadd.s32 @p0 $0x11B8D, s5;
	s6 =	sshll.u32 @p0 s4, $0x11  }
0xaa: {  	s5 =	sor.u32 @p0 s6, s5  }
0xab: {  	[sflag:s5] =	ssyncadd.remote.s32 @p0 $0x1;
	_ =	sdelay $0x1  }
0xac: {  	s5 =	simm.s32 @p0 $0x1B8D  }
0xad: {  	_ =	swait.eq @p0 [sflag:s5], $0x1  }
0xae: {  	[sflag:s5] =	ssyncadd.s32 @p0 $0xFFFFFFFF  }
0xaf: {  	s6 =	sshll.u32 @!p0 s1, $0xE  }
0xb0: {  	s6 =	sor.u32 @!p0 $0x4000, s6;
	s5 =	simm.s32 @!p0 $0x1B8D  }
0xb1: {  	s4 =	sshll.u32 @!p0 s4, $0x11;
	s6 =	sadd.s32 @!p0 $0x11B8D, s6;
	_ =	swait.eq @!p0 [sflag:s5], $0x1  }
0xb2: {  	s4 =	sor.u32 @!p0 s4, s6;
	[sflag:s5] =	ssyncadd.s32 @!p0 $0xFFFFFFFF  }
0xb3: {  	s25 =	simm.s32 $0x1B8E;
	s24 =	sld [smem:$0x3FFE];
	[sflag:s4] =	ssyncadd.remote.s32 @!p0 $0x1  }
0xb4: {  	s26 =	simm.s32 $execute0_lowered;
	[smem:$0x3FD2] =	sst s25  }
0xb5: {  	s5 =	sshll.u32 s26, $0x1;
	_ =	strace $0x8000004F;
	[dreg:$0x1] =	wrdreg $0xFFFFFFFF  }
0xb6: {  	s28 =	simm.s32 $_size_execute0_lowered;
	s3 =	sadd.s32 s3, s5;
	[dreg:$0x0] =	wrdreg $0x0  }
0xb7: {  	s5 =	sshll.u32 s28, $0x1;
	[dreg:$0x2] =	wrdreg s3  }
0xb8: {  	[dreg:$0x3] =	wrdreg s5  }
0xb9: {  	[dreg:$0x4] =	wrdreg $0xC0  }
0xba: {  	_ =	task [dreg:s22], $0x5FFFF  }
0xbb: {  	[dreg:$0x1] =	wrdreg $0xFFFFFFFF  }
0xbc: {  	[dreg:$0x0] =	wrdreg $0x60  }
0xbd: {  	[dreg:$0x2] =	wrdreg s24  }
0xbe: {  	[dreg:$0x3] =	wrdreg $0xD  }
0xbf: {  	_ =	task.clear_ibuf [dreg:s22], $0x4FFFF;
	_ =	strace $0x9000004F  }
0xc0: {  	s29 =	simm.s32 $0xD;
	_ =	strace $0x80000051  }
0xc1: {  	_ =	swait.ge [sflag:s29], $0x1  }
0xc2: {  	[sflag:s29] =	ssyncadd.s32 $0xFFFFFFFF  }
0xc3: {  	_ =	strace $0x90000051  }
0xc4: {  	_ =	sfence  }
0xc5: {  	s30 =	sld [smem:$0x0];
	_ =	sdelay $0x2  }
0xc6: {  	s31 =	sshll.u32 s1, $0xD;
	s1 =	sshrl.u32 s1, $0x2  }
0xc7: {  	s4 =	sand.u32 $0x4000, s31;
	s1 =	sadd.s32 s1, s30  }
0xc8: {  	s0 =	sor.u32 s4, s0;
	s1 =	sshll.u32 s1, $0x11  }
0xc9: {  	s0 =	sor.u32 s1, s0  }
0xca: {  	s0 =	sadd.s32 $0x8F2B, s0  }
0xcb: {  	[sflag:s0] =	ssyncadd.remote.s32 $0x1  }
0xcc: {  	_ =	sfence.sel $0xFFFF  }
0xcd: {  	[dreg:$0x0] =	wrdreg $0xFFFFFFFF;
	(pc) =	sbr.abs _section_cstart, $3  }
0xce: {  	[dreg:$0x1] =	wrdreg $0xFFFFFFFF  }
0xcf: {  	_ =	task.clear_ibuf [dreg:s22], $0x2FFFF;
	_ =	strace $0x9FFFFFFF  }
0xd0: {  	(tm) =	ssettm $0x7FFFFFFF  }
0xd1: {  	_ =	shalt  }
tec
execute0_lowered:
.L_overlay_start_1:
0x0: {  	(tag) =	ssettag $0x1  }
0x1: {  	s4 =	rddreg [dreg:$0x0];
	s2 =	srdreg.scid  }
0x2: {  	s0 =	rddreg [dreg:$0x1];
	s1 =	stileid.u32  }
0x3: {  	s7 =	sand.u32 $0x1, s2;
	s2 =	simm.s32 $0x0;
	s3 =	sshll.u32 s1, $0x5  }
0x4: {  	s8 =	sshll.u32 s1, $0xC;
	s31 =	sshll.u32 s1, $0x1;
	s5 =	sshll.u32 s7, $0x4  }
0x5: {  	[smem:$0x7FF] =	sst s2;
	s9 =	ssub.s32 $0x2, s7;
	s8 =	sadd.s32 s8, s4  }
0x6: {  	s30 =	sshll.u32 s7, $0xB;
	s7 =	sor.u32 s7, s31;
	s5 =	sor.u32 s5, s3  }
0x7: {  	_ =	strace $0x80000050;
	s3 =	sadd.s32 $0xEA00, s4;
	s6 =	sand.u32 $0x180, s5  }
0x8: {  	s29 =	sshrl.u32 s9, $0x1;
	s5 =	sand.u32 $0x70, s5;
	s6 =	sadd.s32 s6, s4  }
0x9: {  	s4 =	ssub.s32 s9, s29;
	s5 =	sadd.s32 s5, s6;
	s6 =	sadd.s32 s30, s8  }
0xa: {  	s4 =	smax.u32 s4, $0x1;
	s5 =	sadd.s32 $0xCA00, s5;
	s6 =	sadd.s32 $0x323C00, s6  }
.LBB2_1:
0xb: {  	s8 =	sadd.s32 $0x0, s7  }
0xc: {  	p0 =	sgt.u32 s8, $0x1F3  }
0xd: {  	s8 =	simm.s32 @!p0 $0x0;
	s9 =	simm.s32 @!p0 $0x3  }
0xe: {  	[tilespmem:s8], [sflag:$0x3] =	stream.linear.gather @!p0 [hbm4b:s5+s8], $0x80, $0x38;
	[tilespmem:$0x4080] =	vst v63  }
0xf: {  	_ =	swait.ge @!p0 [sflag:s9], $0x80  }
0x10: {  	[sflag:s9] =	ssyncset.done @!p0 $0x0;
	p0 =	por p0, p0  }
0x11: {  	[sflag:s9] =	ssyncadd.s32 @!p0 $0xFFFFFF80;
	s10 =	simm.s32 @!p0 $0x80;
	s11 =	simm.s32 @!p0 $0x1  }
0x12: {  	[tilespmem:s10], [sflag:$0x1] =	stream.indirect.gather @!p0 [hbm4b:s3+s10], $0x80, s8, s10, $0xb8;
	[tilespmem:$0x4080] =	vst v63  }
0x13: {  	_ =	swait.ge @!p0 [sflag:s11], $0x4000  }
0x14: {  	[sflag:s11] =	ssyncset.done @!p0 $0x0  }
0x15: {  	s31 =	sadd.s32 $0x20, s7;
	[sflag:s11] =	ssyncadd.s32 @!p0 $0xFFFFC000;
	s11 =	simm.s32 @!p0 $0x2  }
0x16: {  	[hbm4b:s6+s8] =	stream.linear.scatter @!p0 [tilespmem:s10], [sflag:$0x2], $0x4000, $0x38;
	[tilespmem:$0x4080] =	vst v63  }
0x17: {  	p1 =	sgt.u32 s31, $0x1F3;
	s9 =	simm.s32 $0x40;
	_ =	swait.ge @!p0 [sflag:s11], $0x4000  }
0x18: {  	s8 =	sadd.s32 $0x10000, s6;
	s10 =	sadd.s32 $0x200, s5;
	[sflag:s11] =	ssyncset.done @!p0 $0x0  }
.LBB2_2:
0x19: {  	s12 =	simm.s32 @!p1 $0x0;
	s13 =	simm.s32 @!p1 $0x3;
	[sflag:s11] =	ssyncadd.s32 @!p0 $0xFFFFC000  }
0x1a: {  	[tilespmem:s12], [sflag:$0x3] =	stream.linear.gather @!p1 [hbm4b:s10+s12], $0x80, $0x38;
	[tilespmem:$0x4080] =	vst v63  }
0x1b: {  	s14 =	smov.u32 s9;
	s9 =	sadd.s32 $0x20, s9;
	_ =	swait.ge @!p1 [sflag:s13], $0x80  }
0x1c: {  	p0 =	por p1, p1;
	p2 =	sne.s32 s9, $0x200;
	[sflag:s13] =	ssyncset.done @!p1 $0x0  }
0x1d: {  	s11 =	simm.s32 @!p0 $0x1;
	[sflag:s13] =	ssyncadd.s32 @!p0 $0xFFFFFF80;
	s13 =	simm.s32 @!p0 $0x80  }
0x1e: {  	[tilespmem:s13], [sflag:$0x1] =	stream.indirect.gather @!p0 [hbm4b:s3+s13], $0x80, s12, s13, $0xb8;
	[tilespmem:$0x4080] =	vst v63  }
0x1f: {  	_ =	swait.ge @!p0 [sflag:s11], $0x4000  }
.Ltmp0:
0x20: {  	[sflag:s11] =	ssyncset.done @!p0 $0x0;
	(pc) =	sbr.rel @p2 .LBB2_2-.Ltmp0, $4  }
0x21: {  	[sflag:s11] =	ssyncadd.s32 @!p0 $0xFFFFC000;
	s11 =	simm.s32 @!p0 $0x2  }
0x22: {  	[hbm4b:s8+s12] =	stream.linear.scatter @!p0 [tilespmem:s13], [sflag:$0x2], $0x4000, $0x38;
	[tilespmem:$0x4080] =	vst v63  }
0x23: {  	s12 =	sadd.s32 s14, s7;
	s8 =	sadd.s32 $0x10000, s8;
	_ =	swait.ge @!p0 [sflag:s11], $0x4000  }
0x24: {  	s10 =	sadd.s32 $0x200, s10;
	p1 =	sgt.u32 s12, $0x1F3;
	[sflag:s11] =	ssyncset.done @!p0 $0x0  }
0x25: {  	s9 =	simm.s32 @!p1 $0x0;
	s12 =	simm.s32 @!p1 $0x3;
	[sflag:s11] =	ssyncadd.s32 @!p0 $0xFFFFC000  }
0x26: {  	[tilespmem:s9], [sflag:$0x3] =	stream.linear.gather @!p1 [hbm4b:s10+s9], $0x80, $0x38;
	[tilespmem:$0x4080] =	vst v63  }
0x27: {  	_ =	swait.ge @!p1 [sflag:s12], $0x80  }
0x28: {  	p0 =	por p1, p1;
	[sflag:s12] =	ssyncset.done @!p1 $0x0  }
0x29: {  	s10 =	simm.s32 @!p0 $0x80;
	s11 =	simm.s32 @!p0 $0x1;
	[sflag:s12] =	ssyncadd.s32 @!p0 $0xFFFFFF80  }
0x2a: {  	[tilespmem:s10], [sflag:$0x1] =	stream.indirect.gather @!p0 [hbm4b:s3+s10], $0x80, s9, s10, $0xb8;
	[tilespmem:$0x4080] =	vst v63  }
0x2b: {  	s2 =	sadd.s32 $0x1, s2;
	_ =	swait.ge @!p0 [sflag:s11], $0x4000  }
0x2c: {  	p1 =	sne.s32 s2, s4;
	[sflag:s11] =	ssyncset.done @!p0 $0x0  }
.Ltmp1:
0x2d: {  	[sflag:s11] =	ssyncadd.s32 @!p0 $0xFFFFC000;
	s11 =	simm.s32 @!p0 $0x2;
	(pc) =	sbr.rel @p1 .LBB2_1-.Ltmp1, $4  }
0x2e: {  	[hbm4b:s8+s9] =	stream.linear.scatter @!p0 [tilespmem:s10], [sflag:$0x2], $0x4000, $0x38;
	[tilespmem:$0x4080] =	vst v63  }
0x2f: {  	_ =	swait.ge @!p0 [sflag:s11], $0x4000  }
0x30: {  	[sflag:s11] =	ssyncset.done @!p0 $0x0  }
0x31: {  	[sflag:s11] =	ssyncadd.s32 @!p0 $0xFFFFC000  }
0x32: {  	_ =	sfence.sel $0x180000  }
0x33: {  	[bflag:$0x0] =	sbarrier.arrive $0xFFFF  }
0x34: {  	p0 =	sne.s32 s1, $0x0;
	_ =	strace $0x90000050  }
0x35: {  	s0 =	sadd.s32 @!p0 $0x100000, s0;
	[bflag:$0x2] =	sbarrier.arrive $0xFFFF  }
0x36: {  	[sflag:s0] =	ssyncadd.tile.s32 @!p0 $0x1;
	_ =	shalt  }
.Lfunc_end2:
_tile_overlayer_lowered:
.L_overlay_start_2:
0x37: {  	(tag) =	ssettag $0x2  }
0x38: {  	s0 =	rddreg [dreg:$0x0];
	s2 =	stileid.u32  }
0x39: {  	s1 =	rddreg [dreg:$0x1];
	p0 =	sne.s32 s2, $0x0  }
0x3a: {  	s3 =	rddreg [dreg:$0x2];
	[bflag:$0x3] =	sbarrier.arrive $0xFFFF;
	s2 =	simm.s32 @!p0 $0x1C02  }
0x3b: {  	[timem:s3], [sflag:s2] =	dma.local @!p0 [hbm:s0], s1  }
0x3c: {  	s0 =	simm.s32 @!p0 $0x2  }
0x3d: {  	_ =	swait.ge @!p0 [sflag:s0], s1  }
0x3e: {  	s1 =	ssub.s32 @!p0 $0x0, s1;
	[sflag:s0] =	ssyncset.done @!p0 $0x0  }
0x3f: {  	[sflag:s0] =	ssyncadd.s32 @!p0 s1  }
0x40: {  	[bflag:$0x3] =	sbarrier.arrive $0xFFFF  }
0x41: {  	_ =	shalt  }

</sc_bundles>
